<compile_context>
chip_gen: v7x
topology: tpu7x:2x2x1
jax: 0.10.2.dev20260603
libtpu: 0.0.44.dev20260713+nightly
codegen_flags: <defaults>
</compile_context>

<pallas_src>
import jax
import jax.numpy as jnp
from jax import lax
from jax.experimental import pallas as pl
from jax.experimental.pallas import tpu as pltpu
from jax.experimental.pallas import tpu_sc as plsc

_B, _S, _D = 4, 2048, 1024
_NC = 2
_NW = 32
_S_PER_W = _S // _NW
_CROWS = 16
_SUBS = _S_PER_W // _CROWS
_NCHUNK = _SUBS * _B


def _sc_body(x_hbm, pe_hbm, out_hbm,
             pe0, pe1, xb0, xb1, xb2,
             sem_pe0, sem_pe1,
             sem_in0, sem_in1, sem_in2,
             sem_out0, sem_out1, sem_out2):
    wid = lax.axis_index("s") * _NC + lax.axis_index("c")
    s0 = wid * _S_PER_W

    pe_bufs = (pe0, pe1)
    pe_sems = (sem_pe0, sem_pe1)
    x_bufs = (xb0, xb1, xb2)
    in_sems = (sem_in0, sem_in1, sem_in2)
    out_sems = (sem_out0, sem_out1, sem_out2)

    def x_row(k):
        sub, b = divmod(k, _B)
        return b * _S + s0 + sub * _CROWS

    def pe_row(sub):
        return s0 + sub * _CROWS

    pe_copies = {}
    in_copies = {}
    out_copies = {}

    pe_copies[0] = pltpu.async_copy(
        pe_hbm.at[pl.ds(pe_row(0), _CROWS), 0], pe0, sem_pe0)
    in_copies[0] = pltpu.async_copy(
        x_hbm.at[pl.ds(x_row(0), _CROWS)], xb0, sem_in0)
    in_copies[1] = pltpu.async_copy(
        x_hbm.at[pl.ds(x_row(1), _CROWS)], xb1, sem_in1)

    for k in range(_NCHUNK):
        sub, b = divmod(k, _B)
        if b == 0:
            pe_copies[sub].wait()
            if sub + 1 < _SUBS:
                pe_copies[sub + 1] = pltpu.async_copy(
                    pe_hbm.at[pl.ds(pe_row(sub + 1), _CROWS), 0],
                    pe_bufs[(sub + 1) % 2], pe_sems[(sub + 1) % 2])
        in_copies[k].wait()
        xr = x_bufs[k % 3]
        pr = pe_bufs[sub % 2]

        if b == 0:
            @plsc.parallel_loop(0, _CROWS * _D, 16, unroll=8)
            def _scale_add(i, xr=xr, pr=pr):
                r, c = i // _D, i % _D
                v = pr[r, pl.ds(c, 16)] * 0.002
                pr[r, pl.ds(c, 16)] = v
                plsc.addupdate(xr.at[r, pl.ds(c, 16)], v)
        else:
            @plsc.parallel_loop(0, _CROWS * _D, 16, unroll=16)
            def _add(i, xr=xr, pr=pr):
                r, c = i // _D, i % _D
                plsc.addupdate(xr.at[r, pl.ds(c, 16)], pr[r, pl.ds(c, 16)])

        out_copies[k] = pltpu.async_copy(
            xr, out_hbm.at[pl.ds(x_row(k), _CROWS)], out_sems[k % 3])
        if k + 2 < _NCHUNK:
            if k >= 1:
                out_copies[k - 1].wait()
            in_copies[k + 2] = pltpu.async_copy(
                x_hbm.at[pl.ds(x_row(k + 2), _CROWS)],
                x_bufs[(k + 2) % 3], in_sems[(k + 2) % 3])

    out_copies[_NCHUNK - 3].wait()
    out_copies[_NCHUNK - 2].wait()
    out_copies[_NCHUNK - 1].wait()


def kernel(x, pe):
    bz, lens, d = x.shape
    x2 = x.reshape(bz * lens, d)
    mesh = plsc.VectorSubcoreMesh(core_axis_name="c", subcore_axis_name="s")
    sc = pl.kernel(
        _sc_body,
        out_type=jax.ShapeDtypeStruct((bz * lens, d), x.dtype),
        mesh=mesh,
        compiler_params=pltpu.CompilerParams(
            use_tc_tiling_on_sc=True,
            skip_device_barrier=True,
            disable_semaphore_checks=True,
            disable_bounds_checks=True,
        ),
        scratch_types=[
            pltpu.VMEM((_CROWS, _D), jnp.float32),
            pltpu.VMEM((_CROWS, _D), jnp.float32),
            pltpu.VMEM((_CROWS, _D), jnp.float32),
            pltpu.VMEM((_CROWS, _D), jnp.float32),
            pltpu.VMEM((_CROWS, _D), jnp.float32),
            pltpu.SemaphoreType.DMA,
            pltpu.SemaphoreType.DMA,
            pltpu.SemaphoreType.DMA,
            pltpu.SemaphoreType.DMA,
            pltpu.SemaphoreType.DMA,
            pltpu.SemaphoreType.DMA,
            pltpu.SemaphoreType.DMA,
            pltpu.SemaphoreType.DMA,
        ],
    )
    return sc(x2, pe).reshape(bz, lens, d)

# --- scband reference (transcript-rebuilt; emitter-appended) ---
"""Pipeline reference for scband-positional-encoding-30743375905445 (READ-ONLY COPY).

The authoritative reference and input builder live on the scoring server;
editing this copy changes nothing except your own understanding.
"""

import math
import jax, jax.numpy as jnp
import numpy as np

D_MODEL = 1024
MAX_LEN = 2048
BATCH = 4


def _make_pe(d_model=D_MODEL, max_len=MAX_LEN):
    position = np.arange(max_len, dtype=np.float32)[:, None]
    div_term = np.exp(np.arange(0, d_model, 2, dtype=np.float32) * (-math.log(10000.0) / d_model))
    pe = np.zeros((max_len + 1, 1, d_model), dtype=np.float32)
    pe[1:, 0, 0::2] = np.sin(position * div_term)
    pe[1:, 0, 1::2] = np.cos(position * div_term)
    return jnp.asarray(pe)


def setup_inputs(seed: int = 0) -> dict:
    key = jax.random.key(seed)
    x = jax.random.normal(key, (BATCH, MAX_LEN, D_MODEL), dtype=jnp.float32)
    pe = _make_pe()
    return {"x": x, "pe": pe}


def reference(x, pe):
    bz, lens, _ = x.shape
    # sec_pos_label = arange(max_len).unsqueeze(0).repeat(bz, 1)
    sec_pos_label = jnp.broadcast_to(jnp.arange(lens, dtype=jnp.int32)[None, :], (bz, lens))
    # gather: pe[sec_pos_label, 0, :] -> [bz, lens, d_model]
    gathered = pe[sec_pos_label, 0, :]
    x = x + gathered * 0.001
    x = x + gathered * 0.001  # the original forward adds the PE term twice
    # F.dropout treated as identity (deterministic eval-mode reference)
    return x

if __name__ == "__main__":
    import jax
    _d = setup_inputs()
    print(jax.jit(kernel)(*tuple(_d.values())))

</pallas_src>

<mosaic_0001>
#map = affine_map<(d0, d1) -> (0, 0)>
#map1 = affine_map<(d0, d1) -> (0, 0, 0)>
module attributes {stable_mosaic.version = 14 : i64} {
  func.func @_sc_body(%arg0: i32, %arg1: i32, %arg2: memref<8192x1024xf32, #tpu.memory_space<hbm>>, %arg3: memref<2049x1x1024xf32, #tpu.memory_space<hbm>>, %arg4: memref<8192x1024xf32, #tpu.memory_space<hbm>>, %arg5: memref<16x1024xf32, #tpu.memory_space<vmem>>, %arg6: memref<16x1024xf32, #tpu.memory_space<vmem>>, %arg7: memref<16x1024xf32, #tpu.memory_space<vmem>>, %arg8: memref<16x1024xf32, #tpu.memory_space<vmem>>, %arg9: memref<16x1024xf32, #tpu.memory_space<vmem>>, %arg10: memref<!tpu.dma_semaphore, #tpu.memory_space<semaphore_mem>>, %arg11: memref<!tpu.dma_semaphore, #tpu.memory_space<semaphore_mem>>, %arg12: memref<!tpu.dma_semaphore, #tpu.memory_space<semaphore_mem>>, %arg13: memref<!tpu.dma_semaphore, #tpu.memory_space<semaphore_mem>>, %arg14: memref<!tpu.dma_semaphore, #tpu.memory_space<semaphore_mem>>, %arg15: memref<!tpu.dma_semaphore, #tpu.memory_space<semaphore_mem>>, %arg16: memref<!tpu.dma_semaphore, #tpu.memory_space<semaphore_mem>>, %arg17: memref<!tpu.dma_semaphore, #tpu.memory_space<semaphore_mem>>) attributes {dimension_semantics = [#tpu.dimension_semantics<core_parallel>, #tpu.dimension_semantics<subcore_parallel>], iteration_bounds = array<i64: 2, 16>, scalar_prefetch = 0 : i64, scratch_operands = 13 : i64, tpu.core_type = #tpu.core_type<sc_vector_subcore>, window_params = [{transform_indices = #map}, {transform_indices = #map1}, {transform_indices = #map}]} {
    %mul3A = arith.constant 2 : i32
    %mul3A_0 = arith.muli %arg1, %mul3A : i32
    %add3A = arith.addi %mul3A_0, %arg0 : i32
    %mul3A_1 = arith.constant 64 : i32
    %mul3A_2 = arith.muli %add3A, %mul3A_1 : i32
    %add3A_3 = arith.constant 0 : i32
    %add3A_4 = arith.addi %mul3A_2, %add3A_3 : i32
    %dma_start3A = arith.constant 0 : i32
    %dma_start3A_5 = arith.constant 0 : i32
    %dma_start3A_6 = tpu.memref_slice %arg3[%add3A_4, %dma_start3A, %dma_start3A_5] : memref<2049x1x1024xf32, #tpu.memory_space<hbm>> -> memref<16x1x1024xf32, #tpu.memory_space<hbm>>
    %dma_start3A_7 = tpu.memref_squeeze %dma_start3A_6 : memref<16x1x1024xf32, #tpu.memory_space<hbm>> -> memref<16x1024xf32, #tpu.memory_space<hbm>>
    %dma_start3A_8 = arith.constant 0 : i32
    %dma_start3A_9 = tpu.memref_slice %arg3[%add3A_4, %dma_start3A, %dma_start3A_8] : memref<2049x1x1024xf32, #tpu.memory_space<hbm>> -> memref<16x1x1024xf32, #tpu.memory_space<hbm>>
    %dma_start3A_10 = tpu.memref_squeeze %dma_start3A_9 : memref<16x1x1024xf32, #tpu.memory_space<hbm>> -> memref<16x1024xf32, #tpu.memory_space<hbm>>
    tpu.enqueue_dma source(%dma_start3A_10 : memref<16x1024xf32, #tpu.memory_space<hbm>>) target(%arg5 : memref<16x1024xf32, #tpu.memory_space<vmem>>) target_semaphore(%arg10 : memref<!tpu.dma_semaphore, #tpu.memory_space<semaphore_mem>>)
    %add3A_11 = arith.constant 0 : i32
    %add3A_12 = arith.addi %add3A_11, %mul3A_2 : i32
    %add3A_13 = arith.constant 0 : i32
    %add3A_14 = arith.addi %add3A_12, %add3A_13 : i32
    %dma_start3A_15 = arith.constant 0 : i32
    %dma_start3A_16 = tpu.memref_slice %arg2[%add3A_14, %dma_start3A_15] : memref<8192x1024xf32, #tpu.memory_space<hbm>> -> memref<16x1024xf32, #tpu.memory_space<hbm>>
    %dma_start3A_17 = arith.constant 0 : i32
    %dma_start3A_18 = tpu.memref_slice %arg2[%add3A_14, %dma_start3A_17] : memref<8192x1024xf32, #tpu.memory_space<hbm>> -> memref<16x1024xf32, #tpu.memory_space<hbm>>
    tpu.enqueue_dma source(%dma_start3A_18 : memref<16x1024xf32, #tpu.memory_space<hbm>>) target(%arg7 : memref<16x1024xf32, #tpu.memory_space<vmem>>) target_semaphore(%arg12 : memref<!tpu.dma_semaphore, #tpu.memory_space<semaphore_mem>>)
    %add3A_19 = arith.constant 2048 : i32
    %add3A_20 = arith.addi %add3A_19, %mul3A_2 : i32
    %add3A_21 = arith.constant 0 : i32
    %add3A_22 = arith.addi %add3A_20, %add3A_21 : i32
    %dma_start3A_23 = arith.constant 0 : i32
    %dma_start3A_24 = tpu.memref_slice %arg2[%add3A_22, %dma_start3A_23] : memref<8192x1024xf32, #tpu.memory_space<hbm>> -> memref<16x1024xf32, #tpu.memory_space<hbm>>
    %dma_start3A_25 = arith.constant 0 : i32
    %dma_start3A_26 = tpu.memref_slice %arg2[%add3A_22, %dma_start3A_25] : memref<8192x1024xf32, #tpu.memory_space<hbm>> -> memref<16x1024xf32, #tpu.memory_space<hbm>>
    tpu.enqueue_dma source(%dma_start3A_26 : memref<16x1024xf32, #tpu.memory_space<hbm>>) target(%arg8 : memref<16x1024xf32, #tpu.memory_space<vmem>>) target_semaphore(%arg13 : memref<!tpu.dma_semaphore, #tpu.memory_space<semaphore_mem>>)
    %dma_wait3A = arith.constant 0 : i32
    %dma_wait3A_27 = arith.constant 0 : i32
    %dma_wait3A_28 = tpu.memref_slice %arg3[%add3A_4, %dma_wait3A, %dma_wait3A_27] : memref<2049x1x1024xf32, #tpu.memory_space<hbm>> -> memref<16x1x1024xf32, #tpu.memory_space<hbm>>
    %dma_wait3A_29 = tpu.memref_squeeze %dma_wait3A_28 : memref<16x1x1024xf32, #tpu.memory_space<hbm>> -> memref<16x1024xf32, #tpu.memory_space<hbm>>
    %dma_wait3A_30 = arith.constant 0 : i32
    %dma_wait3A_31 = tpu.memref_slice %arg3[%add3A_4, %dma_wait3A, %dma_wait3A_30] : memref<2049x1x1024xf32, #tpu.memory_space<hbm>> -> memref<16x1x1024xf32, #tpu.memory_space<hbm>>
    %dma_wait3A_32 = tpu.memref_squeeze %dma_wait3A_31 : memref<16x1x1024xf32, #tpu.memory_space<hbm>> -> memref<16x1024xf32, #tpu.memory_space<hbm>>
    tpu.wait_dma2 semaphore(%arg10 : memref<!tpu.dma_semaphore, #tpu.memory_space<semaphore_mem>>) src(%dma_wait3A_32 : memref<16x1024xf32, #tpu.memory_space<hbm>>) dst(%arg5 : memref<16x1024xf32, #tpu.memory_space<vmem>>)
    %add3A_33 = arith.constant 16 : i32
    %add3A_34 = arith.addi %mul3A_2, %add3A_33 : i32
    %dma_start3A_35 = arith.constant 0 : i32
    %dma_start3A_36 = arith.constant 0 : i32
    %dma_start3A_37 = tpu.memref_slice %arg3[%add3A_34, %dma_start3A_35, %dma_start3A_36] : memref<2049x1x1024xf32, #tpu.memory_space<hbm>> -> memref<16x1x1024xf32, #tpu.memory_space<hbm>>
    %dma_start3A_38 = tpu.memref_squeeze %dma_start3A_37 : memref<16x1x1024xf32, #tpu.memory_space<hbm>> -> memref<16x1024xf32, #tpu.memory_space<hbm>>
    %dma_start3A_39 = arith.constant 0 : i32
    %dma_start3A_40 = tpu.memref_slice %arg3[%add3A_34, %dma_start3A_35, %dma_start3A_39] : memref<2049x1x1024xf32, #tpu.memory_space<hbm>> -> memref<16x1x1024xf32, #tpu.memory_space<hbm>>
    %dma_start3A_41 = tpu.memref_squeeze %dma_start3A_40 : memref<16x1x1024xf32, #tpu.memory_space<hbm>> -> memref<16x1024xf32, #tpu.memory_space<hbm>>
    tpu.enqueue_dma source(%dma_start3A_41 : memref<16x1024xf32, #tpu.memory_space<hbm>>) target(%arg6 : memref<16x1024xf32, #tpu.memory_space<vmem>>) target_semaphore(%arg11 : memref<!tpu.dma_semaphore, #tpu.memory_space<semaphore_mem>>)
    %dma_wait3A_42 = arith.constant 0 : i32
    %dma_wait3A_43 = tpu.memref_slice %arg2[%add3A_14, %dma_wait3A_42] : memref<8192x1024xf32, #tpu.memory_space<hbm>> -> memref<16x1024xf32, #tpu.memory_space<hbm>>
    %dma_wait3A_44 = arith.constant 0 : i32
    %dma_wait3A_45 = tpu.memref_slice %arg2[%add3A_14, %dma_wait3A_44] : memref<8192x1024xf32, #tpu.memory_space<hbm>> -> memref<16x1024xf32, #tpu.memory_space<hbm>>
    tpu.wait_dma2 semaphore(%arg12 : memref<!tpu.dma_semaphore, #tpu.memory_space<semaphore_mem>>) src(%dma_wait3A_45 : memref<16x1024xf32, #tpu.memory_space<hbm>>) dst(%arg7 : memref<16x1024xf32, #tpu.memory_space<vmem>>)
    %parallel_loop3A = arith.constant 0 : i32
    %parallel_loop3A_46 = arith.constant 16384 : i32
    %parallel_loop3A_47 = arith.constant 16 : i32
    scf.for %parallel_loop3A_496 = %parallel_loop3A to %parallel_loop3A_46 step %parallel_loop3A_47  : i32 {
      %parallel_loop3A_497 = arith.constant 1024 : i32
      %parallel_loop3A_498 = arith.divsi %parallel_loop3A_496, %parallel_loop3A_497 : i32
      %parallel_loop3A_499 = arith.constant 0 : i32
      %parallel_loop3A_500 = arith.cmpi sgt, %parallel_loop3A_496, %parallel_loop3A_499 : i32
      %parallel_loop3A_501 = arith.extui %parallel_loop3A_500 : i1 to i32
      %parallel_loop3A_502 = arith.constant 0 : i32
      %parallel_loop3A_503 = arith.cmpi slt, %parallel_loop3A_496, %parallel_loop3A_502 : i32
      %parallel_loop3A_504 = arith.extui %parallel_loop3A_503 : i1 to i32
      %parallel_loop3A_505 = arith.subi %parallel_loop3A_501, %parallel_loop3A_504 : i32
      %parallel_loop3A_506 = arith.constant 0 : i32
      %parallel_loop3A_507 = arith.cmpi sgt, %parallel_loop3A_497, %parallel_loop3A_506 : i32
      %parallel_loop3A_508 = arith.extui %parallel_loop3A_507 : i1 to i32
      %parallel_loop3A_509 = arith.constant 0 : i32
      %parallel_loop3A_510 = arith.cmpi slt, %parallel_loop3A_497, %parallel_loop3A_509 : i32
      %parallel_loop3A_511 = arith.extui %parallel_loop3A_510 : i1 to i32
      %parallel_loop3A_512 = arith.subi %parallel_loop3A_508, %parallel_loop3A_511 : i32
      %parallel_loop3A_513 = arith.cmpi ne, %parallel_loop3A_505, %parallel_loop3A_512 : i32
      %parallel_loop3A_514 = arith.remsi %parallel_loop3A_496, %parallel_loop3A_497 : i32
      %parallel_loop3A_515 = arith.constant 0 : i32
      %parallel_loop3A_516 = arith.cmpi ne, %parallel_loop3A_514, %parallel_loop3A_515 : i32
      %parallel_loop3A_517 = arith.andi %parallel_loop3A_513, %parallel_loop3A_516 : i1
      %parallel_loop3A_518 = arith.constant 1 : i32
      %parallel_loop3A_519 = arith.subi %parallel_loop3A_498, %parallel_loop3A_518 : i32
      %parallel_loop3A_520 = arith.select %parallel_loop3A_517, %parallel_loop3A_519, %parallel_loop3A_498 : i32
      %parallel_loop3A_521 = arith.constant 1024 : i32
      %parallel_loop3A_522 = arith.constant 0 : i32
      %parallel_loop3A_523 = arith.cmpi eq, %parallel_loop3A_521, %parallel_loop3A_522 : i32
      %parallel_loop3A_524 = arith.constant 1 : i32
      %parallel_loop3A_525 = arith.select %parallel_loop3A_523, %parallel_loop3A_524, %parallel_loop3A_521 : i32
      %parallel_loop3A_526 = arith.remsi %parallel_loop3A_496, %parallel_loop3A_525 : i32
      %parallel_loop3A_527 = arith.constant 0 : i32
      %parallel_loop3A_528 = arith.cmpi ne, %parallel_loop3A_526, %parallel_loop3A_527 : i32
      %parallel_loop3A_529 = arith.constant 0 : i32
      %parallel_loop3A_530 = arith.cmpi slt, %parallel_loop3A_526, %parallel_loop3A_529 : i32
      %parallel_loop3A_531 = arith.constant 0 : i32
      %parallel_loop3A_532 = arith.cmpi slt, %parallel_loop3A_525, %parallel_loop3A_531 : i32
      %parallel_loop3A_533 = arith.xori %parallel_loop3A_530, %parallel_loop3A_532 : i1
      %parallel_loop3A_534 = arith.andi %parallel_loop3A_533, %parallel_loop3A_528 : i1
      %parallel_loop3A_535 = arith.addi %parallel_loop3A_526, %parallel_loop3A_525 : i32
      %parallel_loop3A_536 = arith.select %parallel_loop3A_534, %parallel_loop3A_535, %parallel_loop3A_526 : i32
      %parallel_loop3A_537 = arith.index_cast %parallel_loop3A_520 : i32 to index
      %parallel_loop3A_538 = arith.index_cast %parallel_loop3A_536 : i32 to index
      %parallel_loop3A_539 = tpu.vector_load %arg5[%parallel_loop3A_537, %parallel_loop3A_538] {strides = array<i32>} : memref<16x1024xf32, #tpu.memory_space<vmem>>, vector<1x16xf32>,
      %parallel_loop3A_540 = vector.shape_cast %parallel_loop3A_539 : vector<1x16xf32> to vector<16xf32>
      %parallel_loop3A_541 = arith.constant 2.000000e-03 : f32
      %parallel_loop3A_542 = vector.broadcast %parallel_loop3A_541 : f32 to vector<16xf32>
      %parallel_loop3A_543 = arith.mulf %parallel_loop3A_540, %parallel_loop3A_542 : vector<16xf32>
      %parallel_loop3A_544 = arith.index_cast %parallel_loop3A_520 : i32 to index
      %parallel_loop3A_545 = arith.index_cast %parallel_loop3A_536 : i32 to index
      %parallel_loop3A_546 = tpu.vector_load %arg5[%parallel_loop3A_544, %parallel_loop3A_545] {strides = array<i32>} : memref<16x1024xf32, #tpu.memory_space<vmem>>, vector<1x16xf32>,
      %parallel_loop3A_547 = vector.shape_cast %parallel_loop3A_546 : vector<1x16xf32> to vector<16xf32>
      %parallel_loop3A_548 = vector.shape_cast %parallel_loop3A_543 : vector<16xf32> to vector<1x16xf32>
      tpu.vector_store %arg5[%parallel_loop3A_544, %parallel_loop3A_545], %parallel_loop3A_548 {strides = array<i32>} : memref<16x1024xf32, #tpu.memory_space<vmem>>, vector<1x16xf32>,
      %parallel_loop3A_549 = arith.index_cast %parallel_loop3A_520 : i32 to index
      %parallel_loop3A_550 = arith.index_cast %parallel_loop3A_536 : i32 to index
      %parallel_loop3A_551 = tpu.vector_load %arg7[%parallel_loop3A_549, %parallel_loop3A_550] {strides = array<i32>} : memref<16x1024xf32, #tpu.memory_space<vmem>>, vector<1x16xf32>,
      %parallel_loop3A_552 = vector.shape_cast %parallel_loop3A_551 : vector<1x16xf32> to vector<16xf32>
      %parallel_loop3A_553 = vector.shape_cast %parallel_loop3A_543 : vector<16xf32> to vector<1x16xf32>
      tpu.vector_store %arg7[%parallel_loop3A_549, %parallel_loop3A_550], %parallel_loop3A_553 {add = true, strides = array<i32>} : memref<16x1024xf32, #tpu.memory_space<vmem>>, vector<1x16xf32>,
    } {sc.loop_unroll_factor = 8 : i64, sc.parallel_access}
    %add3A_48 = arith.constant 0 : i32
    %add3A_49 = arith.addi %add3A_48, %mul3A_2 : i32
    %add3A_50 = arith.constant 0 : i32
    %add3A_51 = arith.addi %add3A_49, %add3A_50 : i32
    %dma_start3A_52 = arith.constant 0 : i32
    %dma_start3A_53 = tpu.memref_slice %arg4[%add3A_51, %dma_start3A_52] : memref<8192x1024xf32, #tpu.memory_space<hbm>> -> memref<16x1024xf32, #tpu.memory_space<hbm>>
    %dma_start3A_54 = arith.constant 0 : i32
    %dma_start3A_55 = tpu.memref_slice %arg4[%add3A_51, %dma_start3A_54] : memref<8192x1024xf32, #tpu.memory_space<hbm>> -> memref<16x1024xf32, #tpu.memory_space<hbm>>
    tpu.enqueue_dma source(%arg7 : memref<16x1024xf32, #tpu.memory_space<vmem>>) target(%dma_start3A_55 : memref<16x1024xf32, #tpu.memory_space<hbm>>) target_semaphore(%arg15 : memref<!tpu.dma_semaphore, #tpu.memory_space<semaphore_mem>>)
    %add3A_56 = arith.constant 4096 : i32
    %add3A_57 = arith.addi %add3A_56, %mul3A_2 : i32
    %add3A_58 = arith.constant 0 : i32
    %add3A_59 = arith.addi %add3A_57, %add3A_58 : i32
    %dma_start3A_60 = arith.constant 0 : i32
    %dma_start3A_61 = tpu.memref_slice %arg2[%add3A_59, %dma_start3A_60] : memref<8192x1024xf32, #tpu.memory_space<hbm>> -> memref<16x1024xf32, #tpu.memory_space<hbm>>
    %dma_start3A_62 = arith.constant 0 : i32
    %dma_start3A_63 = tpu.memref_slice %arg2[%add3A_59, %dma_start3A_62] : memref<8192x1024xf32, #tpu.memory_space<hbm>> -> memref<16x1024xf32, #tpu.memory_space<hbm>>
    tpu.enqueue_dma source(%dma_start3A_63 : memref<16x1024xf32, #tpu.memory_space<hbm>>) target(%arg9 : memref<16x1024xf32, #tpu.memory_space<vmem>>) target_semaphore(%arg14 : memref<!tpu.dma_semaphore, #tpu.memory_space<semaphore_mem>>)
    %dma_wait3A_64 = arith.constant 0 : i32
    %dma_wait3A_65 = tpu.memref_slice %arg2[%add3A_22, %dma_wait3A_64] : memref<8192x1024xf32, #tpu.memory_space<hbm>> -> memref<16x1024xf32, #tpu.memory_space<hbm>>
    %dma_wait3A_66 = arith.constant 0 : i32
    %dma_wait3A_67 = tpu.memref_slice %arg2[%add3A_22, %dma_wait3A_66] : memref<8192x1024xf32, #tpu.memory_space<hbm>> -> memref<16x1024xf32, #tpu.memory_space<hbm>>
    tpu.wait_dma2 semaphore(%arg13 : memref<!tpu.dma_semaphore, #tpu.memory_space<semaphore_mem>>) src(%dma_wait3A_67 : memref<16x1024xf32, #tpu.memory_space<hbm>>) dst(%arg8 : memref<16x1024xf32, #tpu.memory_space<vmem>>)
    %parallel_loop3A_68 = arith.constant 0 : i32
    %parallel_loop3A_69 = arith.constant 16384 : i32
    %parallel_loop3A_70 = arith.constant 16 : i32
    scf.for %parallel_loop3A_496 = %parallel_loop3A_68 to %parallel_loop3A_69 step %parallel_loop3A_70  : i32 {
      %parallel_loop3A_497 = arith.constant 1024 : i32
      %parallel_loop3A_498 = arith.divsi %parallel_loop3A_496, %parallel_loop3A_497 : i32
      %parallel_loop3A_499 = arith.constant 0 : i32
      %parallel_loop3A_500 = arith.cmpi sgt, %parallel_loop3A_496, %parallel_loop3A_499 : i32
      %parallel_loop3A_501 = arith.extui %parallel_loop3A_500 : i1 to i32
      %parallel_loop3A_502 = arith.constant 0 : i32
      %parallel_loop3A_503 = arith.cmpi slt, %parallel_loop3A_496, %parallel_loop3A_502 : i32
      %parallel_loop3A_504 = arith.extui %parallel_loop3A_503 : i1 to i32
      %parallel_loop3A_505 = arith.subi %parallel_loop3A_501, %parallel_loop3A_504 : i32
      %parallel_loop3A_506 = arith.constant 0 : i32
      %parallel_loop3A_507 = arith.cmpi sgt, %parallel_loop3A_497, %parallel_loop3A_506 : i32
      %parallel_loop3A_508 = arith.extui %parallel_loop3A_507 : i1 to i32
      %parallel_loop3A_509 = arith.constant 0 : i32
      %parallel_loop3A_510 = arith.cmpi slt, %parallel_loop3A_497, %parallel_loop3A_509 : i32
      %parallel_loop3A_511 = arith.extui %parallel_loop3A_510 : i1 to i32
      %parallel_loop3A_512 = arith.subi %parallel_loop3A_508, %parallel_loop3A_511 : i32
      %parallel_loop3A_513 = arith.cmpi ne, %parallel_loop3A_505, %parallel_loop3A_512 : i32
      %parallel_loop3A_514 = arith.remsi %parallel_loop3A_496, %parallel_loop3A_497 : i32
      %parallel_loop3A_515 = arith.constant 0 : i32
      %parallel_loop3A_516 = arith.cmpi ne, %parallel_loop3A_514, %parallel_loop3A_515 : i32
      %parallel_loop3A_517 = arith.andi %parallel_loop3A_513, %parallel_loop3A_516 : i1
      %parallel_loop3A_518 = arith.constant 1 : i32
      %parallel_loop3A_519 = arith.subi %parallel_loop3A_498, %parallel_loop3A_518 : i32
      %parallel_loop3A_520 = arith.select %parallel_loop3A_517, %parallel_loop3A_519, %parallel_loop3A_498 : i32
      %parallel_loop3A_521 = arith.constant 1024 : i32
      %parallel_loop3A_522 = arith.constant 0 : i32
      %parallel_loop3A_523 = arith.cmpi eq, %parallel_loop3A_521, %parallel_loop3A_522 : i32
      %parallel_loop3A_524 = arith.constant 1 : i32
      %parallel_loop3A_525 = arith.select %parallel_loop3A_523, %parallel_loop3A_524, %parallel_loop3A_521 : i32
      %parallel_loop3A_526 = arith.remsi %parallel_loop3A_496, %parallel_loop3A_525 : i32
      %parallel_loop3A_527 = arith.constant 0 : i32
      %parallel_loop3A_528 = arith.cmpi ne, %parallel_loop3A_526, %parallel_loop3A_527 : i32
      %parallel_loop3A_529 = arith.constant 0 : i32
      %parallel_loop3A_530 = arith.cmpi slt, %parallel_loop3A_526, %parallel_loop3A_529 : i32
      %parallel_loop3A_531 = arith.constant 0 : i32
      %parallel_loop3A_532 = arith.cmpi slt, %parallel_loop3A_525, %parallel_loop3A_531 : i32
      %parallel_loop3A_533 = arith.xori %parallel_loop3A_530, %parallel_loop3A_532 : i1
      %parallel_loop3A_534 = arith.andi %parallel_loop3A_533, %parallel_loop3A_528 : i1
      %parallel_loop3A_535 = arith.addi %parallel_loop3A_526, %parallel_loop3A_525 : i32
      %parallel_loop3A_536 = arith.select %parallel_loop3A_534, %parallel_loop3A_535, %parallel_loop3A_526 : i32
      %parallel_loop3A_537 = arith.index_cast %parallel_loop3A_520 : i32 to index
      %parallel_loop3A_538 = arith.index_cast %parallel_loop3A_536 : i32 to index
      %parallel_loop3A_539 = tpu.vector_load %arg5[%parallel_loop3A_537, %parallel_loop3A_538] {strides = array<i32>} : memref<16x1024xf32, #tpu.memory_space<vmem>>, vector<1x16xf32>,
      %parallel_loop3A_540 = vector.shape_cast %parallel_loop3A_539 : vector<1x16xf32> to vector<16xf32>
      %parallel_loop3A_541 = arith.index_cast %parallel_loop3A_520 : i32 to index
      %parallel_loop3A_542 = arith.index_cast %parallel_loop3A_536 : i32 to index
      %parallel_loop3A_543 = tpu.vector_load %arg8[%parallel_loop3A_541, %parallel_loop3A_542] {strides = array<i32>} : memref<16x1024xf32, #tpu.memory_space<vmem>>, vector<1x16xf32>,
      %parallel_loop3A_544 = vector.shape_cast %parallel_loop3A_543 : vector<1x16xf32> to vector<16xf32>
      %parallel_loop3A_545 = vector.shape_cast %parallel_loop3A_540 : vector<16xf32> to vector<1x16xf32>
      tpu.vector_store %arg8[%parallel_loop3A_541, %parallel_loop3A_542], %parallel_loop3A_545 {add = true, strides = array<i32>} : memref<16x1024xf32, #tpu.memory_space<vmem>>, vector<1x16xf32>,
    } {sc.loop_unroll_factor = 16 : i64, sc.parallel_access}
    %add3A_71 = arith.constant 2048 : i32
    %add3A_72 = arith.addi %add3A_71, %mul3A_2 : i32
    %add3A_73 = arith.constant 0 : i32
    %add3A_74 = arith.addi %add3A_72, %add3A_73 : i32
    %dma_start3A_75 = arith.constant 0 : i32
    %dma_start3A_76 = tpu.memref_slice %arg4[%add3A_74, %dma_start3A_75] : memref<8192x1024xf32, #tpu.memory_space<hbm>> -> memref<16x1024xf32, #tpu.memory_space<hbm>>
    %dma_start3A_77 = arith.constant 0 : i32
    %dma_start3A_78 = tpu.memref_slice %arg4[%add3A_74, %dma_start3A_77] : memref<8192x1024xf32, #tpu.memory_space<hbm>> -> memref<16x1024xf32, #tpu.memory_space<hbm>>
    tpu.enqueue_dma source(%arg8 : memref<16x1024xf32, #tpu.memory_space<vmem>>) target(%dma_start3A_78 : memref<16x1024xf32, #tpu.memory_space<hbm>>) target_semaphore(%arg16 : memref<!tpu.dma_semaphore, #tpu.memory_space<semaphore_mem>>)
    %dma_wait3A_79 = arith.constant 0 : i32
    %dma_wait3A_80 = tpu.memref_slice %arg4[%add3A_51, %dma_wait3A_79] : memref<8192x1024xf32, #tpu.memory_space<hbm>> -> memref<16x1024xf32, #tpu.memory_space<hbm>>
    %dma_wait3A_81 = arith.constant 0 : i32
    %dma_wait3A_82 = tpu.memref_slice %arg4[%add3A_51, %dma_wait3A_81] : memref<8192x1024xf32, #tpu.memory_space<hbm>> -> memref<16x1024xf32, #tpu.memory_space<hbm>>
    tpu.wait_dma2 semaphore(%arg15 : memref<!tpu.dma_semaphore, #tpu.memory_space<semaphore_mem>>) src(%arg7 : memref<16x1024xf32, #tpu.memory_space<vmem>>) dst(%dma_wait3A_82 : memref<16x1024xf32, #tpu.memory_space<hbm>>)
    %add3A_83 = arith.constant 6144 : i32
    %add3A_84 = arith.addi %add3A_83, %mul3A_2 : i32
    %add3A_85 = arith.constant 0 : i32
    %add3A_86 = arith.addi %add3A_84, %add3A_85 : i32
    %dma_start3A_87 = arith.constant 0 : i32
    %dma_start3A_88 = tpu.memref_slice %arg2[%add3A_86, %dma_start3A_87] : memref<8192x1024xf32, #tpu.memory_space<hbm>> -> memref<16x1024xf32, #tpu.memory_space<hbm>>
    %dma_start3A_89 = arith.constant 0 : i32
    %dma_start3A_90 = tpu.memref_slice %arg2[%add3A_86, %dma_start3A_89] : memref<8192x1024xf32, #tpu.memory_space<hbm>> -> memref<16x1024xf32, #tpu.memory_space<hbm>>
    tpu.enqueue_dma source(%dma_start3A_90 : memref<16x1024xf32, #tpu.memory_space<hbm>>) target(%arg7 : memref<16x1024xf32, #tpu.memory_space<vmem>>) target_semaphore(%arg12 : memref<!tpu.dma_semaphore, #tpu.memory_space<semaphore_mem>>)
    %dma_wait3A_91 = arith.constant 0 : i32
    %dma_wait3A_92 = tpu.memref_slice %arg2[%add3A_59, %dma_wait3A_91] : memref<8192x1024xf32, #tpu.memory_space<hbm>> -> memref<16x1024xf32, #tpu.memory_space<hbm>>
    %dma_wait3A_93 = arith.constant 0 : i32
    %dma_wait3A_94 = tpu.memref_slice %arg2[%add3A_59, %dma_wait3A_93] : memref<8192x1024xf32, #tpu.memory_space<hbm>> -> memref<16x1024xf32, #tpu.memory_space<hbm>>
    tpu.wait_dma2 semaphore(%arg14 : memref<!tpu.dma_semaphore, #tpu.memory_space<semaphore_mem>>) src(%dma_wait3A_94 : memref<16x1024xf32, #tpu.memory_space<hbm>>) dst(%arg9 : memref<16x1024xf32, #tpu.memory_space<vmem>>)
    %parallel_loop3A_95 = arith.constant 0 : i32
    %parallel_loop3A_96 = arith.constant 16384 : i32
    %parallel_loop3A_97 = arith.constant 16 : i32
    scf.for %parallel_loop3A_496 = %parallel_loop3A_95 to %parallel_loop3A_96 step %parallel_loop3A_97  : i32 {
      %parallel_loop3A_497 = arith.constant 1024 : i32
      %parallel_loop3A_498 = arith.divsi %parallel_loop3A_496, %parallel_loop3A_497 : i32
      %parallel_loop3A_499 = arith.constant 0 : i32
      %parallel_loop3A_500 = arith.cmpi sgt, %parallel_loop3A_496, %parallel_loop3A_499 : i32
      %parallel_loop3A_501 = arith.extui %parallel_loop3A_500 : i1 to i32
      %parallel_loop3A_502 = arith.constant 0 : i32
      %parallel_loop3A_503 = arith.cmpi slt, %parallel_loop3A_496, %parallel_loop3A_502 : i32
      %parallel_loop3A_504 = arith.extui %parallel_loop3A_503 : i1 to i32
      %parallel_loop3A_505 = arith.subi %parallel_loop3A_501, %parallel_loop3A_504 : i32
      %parallel_loop3A_506 = arith.constant 0 : i32
      %parallel_loop3A_507 = arith.cmpi sgt, %parallel_loop3A_497, %parallel_loop3A_506 : i32
      %parallel_loop3A_508 = arith.extui %parallel_loop3A_507 : i1 to i32
      %parallel_loop3A_509 = arith.constant 0 : i32
      %parallel_loop3A_510 = arith.cmpi slt, %parallel_loop3A_497, %parallel_loop3A_509 : i32
      %parallel_loop3A_511 = arith.extui %parallel_loop3A_510 : i1 to i32
      %parallel_loop3A_512 = arith.subi %parallel_loop3A_508, %parallel_loop3A_511 : i32
      %parallel_loop3A_513 = arith.cmpi ne, %parallel_loop3A_505, %parallel_loop3A_512 : i32
      %parallel_loop3A_514 = arith.remsi %parallel_loop3A_496, %parallel_loop3A_497 : i32
      %parallel_loop3A_515 = arith.constant 0 : i32
      %parallel_loop3A_516 = arith.cmpi ne, %parallel_loop3A_514, %parallel_loop3A_515 : i32
      %parallel_loop3A_517 = arith.andi %parallel_loop3A_513, %parallel_loop3A_516 : i1
      %parallel_loop3A_518 = arith.constant 1 : i32
      %parallel_loop3A_519 = arith.subi %parallel_loop3A_498, %parallel_loop3A_518 : i32
      %parallel_loop3A_520 = arith.select %parallel_loop3A_517, %parallel_loop3A_519, %parallel_loop3A_498 : i32
      %parallel_loop3A_521 = arith.constant 1024 : i32
      %parallel_loop3A_522 = arith.constant 0 : i32
      %parallel_loop3A_523 = arith.cmpi eq, %parallel_loop3A_521, %parallel_loop3A_522 : i32
      %parallel_loop3A_524 = arith.constant 1 : i32
      %parallel_loop3A_525 = arith.select %parallel_loop3A_523, %parallel_loop3A_524, %parallel_loop3A_521 : i32
      %parallel_loop3A_526 = arith.remsi %parallel_loop3A_496, %parallel_loop3A_525 : i32
      %parallel_loop3A_527 = arith.constant 0 : i32
      %parallel_loop3A_528 = arith.cmpi ne, %parallel_loop3A_526, %parallel_loop3A_527 : i32
      %parallel_loop3A_529 = arith.constant 0 : i32
      %parallel_loop3A_530 = arith.cmpi slt, %parallel_loop3A_526, %parallel_loop3A_529 : i32
      %parallel_loop3A_531 = arith.constant 0 : i32
      %parallel_loop3A_532 = arith.cmpi slt, %parallel_loop3A_525, %parallel_loop3A_531 : i32
      %parallel_loop3A_533 = arith.xori %parallel_loop3A_530, %parallel_loop3A_532 : i1
      %parallel_loop3A_534 = arith.andi %parallel_loop3A_533, %parallel_loop3A_528 : i1
      %parallel_loop3A_535 = arith.addi %parallel_loop3A_526, %parallel_loop3A_525 : i32
      %parallel_loop3A_536 = arith.select %parallel_loop3A_534, %parallel_loop3A_535, %parallel_loop3A_526 : i32
      %parallel_loop3A_537 = arith.index_cast %parallel_loop3A_520 : i32 to index
      %parallel_loop3A_538 = arith.index_cast %parallel_loop3A_536 : i32 to index
      %parallel_loop3A_539 = tpu.vector_load %arg5[%parallel_loop3A_537, %parallel_loop3A_538] {strides = array<i32>} : memref<16x1024xf32, #tpu.memory_space<vmem>>, vector<1x16xf32>,
      %parallel_loop3A_540 = vector.shape_cast %parallel_loop3A_539 : vector<1x16xf32> to vector<16xf32>
      %parallel_loop3A_541 = arith.index_cast %parallel_loop3A_520 : i32 to index
      %parallel_loop3A_542 = arith.index_cast %parallel_loop3A_536 : i32 to index
      %parallel_loop3A_543 = tpu.vector_load %arg9[%parallel_loop3A_541, %parallel_loop3A_542] {strides = array<i32>} : memref<16x1024xf32, #tpu.memory_space<vmem>>, vector<1x16xf32>,
      %parallel_loop3A_544 = vector.shape_cast %parallel_loop3A_543 : vector<1x16xf32> to vector<16xf32>
      %parallel_loop3A_545 = vector.shape_cast %parallel_loop3A_540 : vector<16xf32> to vector<1x16xf32>
      tpu.vector_store %arg9[%parallel_loop3A_541, %parallel_loop3A_542], %parallel_loop3A_545 {add = true, strides = array<i32>} : memref<16x1024xf32, #tpu.memory_space<vmem>>, vector<1x16xf32>,
    } {sc.loop_unroll_factor = 16 : i64, sc.parallel_access}
    %add3A_98 = arith.constant 4096 : i32
    %add3A_99 = arith.addi %add3A_98, %mul3A_2 : i32
    %add3A_100 = arith.constant 0 : i32
    %add3A_101 = arith.addi %add3A_99, %add3A_100 : i32
    %dma_start3A_102 = arith.constant 0 : i32
    %dma_start3A_103 = tpu.memref_slice %arg4[%add3A_101, %dma_start3A_102] : memref<8192x1024xf32, #tpu.memory_space<hbm>> -> memref<16x1024xf32, #tpu.memory_space<hbm>>
    %dma_start3A_104 = arith.constant 0 : i32
    %dma_start3A_105 = tpu.memref_slice %arg4[%add3A_101, %dma_start3A_104] : memref<8192x1024xf32, #tpu.memory_space<hbm>> -> memref<16x1024xf32, #tpu.memory_space<hbm>>
    tpu.enqueue_dma source(%arg9 : memref<16x1024xf32, #tpu.memory_space<vmem>>) target(%dma_start3A_105 : memref<16x1024xf32, #tpu.memory_space<hbm>>) target_semaphore(%arg17 : memref<!tpu.dma_semaphore, #tpu.memory_space<semaphore_mem>>)
    %dma_wait3A_106 = arith.constant 0 : i32
    %dma_wait3A_107 = tpu.memref_slice %arg4[%add3A_74, %dma_wait3A_106] : memref<8192x1024xf32, #tpu.memory_space<hbm>> -> memref<16x1024xf32, #tpu.memory_space<hbm>>
    %dma_wait3A_108 = arith.constant 0 : i32
    %dma_wait3A_109 = tpu.memref_slice %arg4[%add3A_74, %dma_wait3A_108] : memref<8192x1024xf32, #tpu.memory_space<hbm>> -> memref<16x1024xf32, #tpu.memory_space<hbm>>
    tpu.wait_dma2 semaphore(%arg16 : memref<!tpu.dma_semaphore, #tpu.memory_space<semaphore_mem>>) src(%arg8 : memref<16x1024xf32, #tpu.memory_space<vmem>>) dst(%dma_wait3A_109 : memref<16x1024xf32, #tpu.memory_space<hbm>>)
    %add3A_110 = arith.constant 0 : i32
    %add3A_111 = arith.addi %add3A_110, %mul3A_2 : i32
    %add3A_112 = arith.constant 16 : i32
    %add3A_113 = arith.addi %add3A_111, %add3A_112 : i32
    %dma_start3A_114 = arith.constant 0 : i32
    %dma_start3A_115 = tpu.memref_slice %arg2[%add3A_113, %dma_start3A_114] : memref<8192x1024xf32, #tpu.memory_space<hbm>> -> memref<16x1024xf32, #tpu.memory_space<hbm>>
    %dma_start3A_116 = arith.constant 0 : i32
    %dma_start3A_117 = tpu.memref_slice %arg2[%add3A_113, %dma_start3A_116] : memref<8192x1024xf32, #tpu.memory_space<hbm>> -> memref<16x1024xf32, #tpu.memory_space<hbm>>
    tpu.enqueue_dma source(%dma_start3A_117 : memref<16x1024xf32, #tpu.memory_space<hbm>>) target(%arg8 : memref<16x1024xf32, #tpu.memory_space<vmem>>) target_semaphore(%arg13 : memref<!tpu.dma_semaphore, #tpu.memory_space<semaphore_mem>>)
    %dma_wait3A_118 = arith.constant 0 : i32
    %dma_wait3A_119 = tpu.memref_slice %arg2[%add3A_86, %dma_wait3A_118] : memref<8192x1024xf32, #tpu.memory_space<hbm>> -> memref<16x1024xf32, #tpu.memory_space<hbm>>
    %dma_wait3A_120 = arith.constant 0 : i32
    %dma_wait3A_121 = tpu.memref_slice %arg2[%add3A_86, %dma_wait3A_120] : memref<8192x1024xf32, #tpu.memory_space<hbm>> -> memref<16x1024xf32, #tpu.memory_space<hbm>>
    tpu.wait_dma2 semaphore(%arg12 : memref<!tpu.dma_semaphore, #tpu.memory_space<semaphore_mem>>) src(%dma_wait3A_121 : memref<16x1024xf32, #tpu.memory_space<hbm>>) dst(%arg7 : memref<16x1024xf32, #tpu.memory_space<vmem>>)
    %parallel_loop3A_122 = arith.constant 0 : i32
    %parallel_loop3A_123 = arith.constant 16384 : i32
    %parallel_loop3A_124 = arith.constant 16 : i32
    scf.for %parallel_loop3A_496 = %parallel_loop3A_122 to %parallel_loop3A_123 step %parallel_loop3A_124  : i32 {
      %parallel_loop3A_497 = arith.constant 1024 : i32
      %parallel_loop3A_498 = arith.divsi %parallel_loop3A_496, %parallel_loop3A_497 : i32
      %parallel_loop3A_499 = arith.constant 0 : i32
      %parallel_loop3A_500 = arith.cmpi sgt, %parallel_loop3A_496, %parallel_loop3A_499 : i32
      %parallel_loop3A_501 = arith.extui %parallel_loop3A_500 : i1 to i32
      %parallel_loop3A_502 = arith.constant 0 : i32
      %parallel_loop3A_503 = arith.cmpi slt, %parallel_loop3A_496, %parallel_loop3A_502 : i32
      %parallel_loop3A_504 = arith.extui %parallel_loop3A_503 : i1 to i32
      %parallel_loop3A_505 = arith.subi %parallel_loop3A_501, %parallel_loop3A_504 : i32
      %parallel_loop3A_506 = arith.constant 0 : i32
      %parallel_loop3A_507 = arith.cmpi sgt, %parallel_loop3A_497, %parallel_loop3A_506 : i32
      %parallel_loop3A_508 = arith.extui %parallel_loop3A_507 : i1 to i32
      %parallel_loop3A_509 = arith.constant 0 : i32
      %parallel_loop3A_510 = arith.cmpi slt, %parallel_loop3A_497, %parallel_loop3A_509 : i32
      %parallel_loop3A_511 = arith.extui %parallel_loop3A_510 : i1 to i32
      %parallel_loop3A_512 = arith.subi %parallel_loop3A_508, %parallel_loop3A_511 : i32
      %parallel_loop3A_513 = arith.cmpi ne, %parallel_loop3A_505, %parallel_loop3A_512 : i32
      %parallel_loop3A_514 = arith.remsi %parallel_loop3A_496, %parallel_loop3A_497 : i32
      %parallel_loop3A_515 = arith.constant 0 : i32
      %parallel_loop3A_516 = arith.cmpi ne, %parallel_loop3A_514, %parallel_loop3A_515 : i32
      %parallel_loop3A_517 = arith.andi %parallel_loop3A_513, %parallel_loop3A_516 : i1
      %parallel_loop3A_518 = arith.constant 1 : i32
      %parallel_loop3A_519 = arith.subi %parallel_loop3A_498, %parallel_loop3A_518 : i32
      %parallel_loop3A_520 = arith.select %parallel_loop3A_517, %parallel_loop3A_519, %parallel_loop3A_498 : i32
      %parallel_loop3A_521 = arith.constant 1024 : i32
      %parallel_loop3A_522 = arith.constant 0 : i32
      %parallel_loop3A_523 = arith.cmpi eq, %parallel_loop3A_521, %parallel_loop3A_522 : i32
      %parallel_loop3A_524 = arith.constant 1 : i32
      %parallel_loop3A_525 = arith.select %parallel_loop3A_523, %parallel_loop3A_524, %parallel_loop3A_521 : i32
      %parallel_loop3A_526 = arith.remsi %parallel_loop3A_496, %parallel_loop3A_525 : i32
      %parallel_loop3A_527 = arith.constant 0 : i32
      %parallel_loop3A_528 = arith.cmpi ne, %parallel_loop3A_526, %parallel_loop3A_527 : i32
      %parallel_loop3A_529 = arith.constant 0 : i32
      %parallel_loop3A_530 = arith.cmpi slt, %parallel_loop3A_526, %parallel_loop3A_529 : i32
      %parallel_loop3A_531 = arith.constant 0 : i32
      %parallel_loop3A_532 = arith.cmpi slt, %parallel_loop3A_525, %parallel_loop3A_531 : i32
      %parallel_loop3A_533 = arith.xori %parallel_loop3A_530, %parallel_loop3A_532 : i1
      %parallel_loop3A_534 = arith.andi %parallel_loop3A_533, %parallel_loop3A_528 : i1
      %parallel_loop3A_535 = arith.addi %parallel_loop3A_526, %parallel_loop3A_525 : i32
      %parallel_loop3A_536 = arith.select %parallel_loop3A_534, %parallel_loop3A_535, %parallel_loop3A_526 : i32
      %parallel_loop3A_537 = arith.index_cast %parallel_loop3A_520 : i32 to index
      %parallel_loop3A_538 = arith.index_cast %parallel_loop3A_536 : i32 to index
      %parallel_loop3A_539 = tpu.vector_load %arg5[%parallel_loop3A_537, %parallel_loop3A_538] {strides = array<i32>} : memref<16x1024xf32, #tpu.memory_space<vmem>>, vector<1x16xf32>,
      %parallel_loop3A_540 = vector.shape_cast %parallel_loop3A_539 : vector<1x16xf32> to vector<16xf32>
      %parallel_loop3A_541 = arith.index_cast %parallel_loop3A_520 : i32 to index
      %parallel_loop3A_542 = arith.index_cast %parallel_loop3A_536 : i32 to index
      %parallel_loop3A_543 = tpu.vector_load %arg7[%parallel_loop3A_541, %parallel_loop3A_542] {strides = array<i32>} : memref<16x1024xf32, #tpu.memory_space<vmem>>, vector<1x16xf32>,
      %parallel_loop3A_544 = vector.shape_cast %parallel_loop3A_543 : vector<1x16xf32> to vector<16xf32>
      %parallel_loop3A_545 = vector.shape_cast %parallel_loop3A_540 : vector<16xf32> to vector<1x16xf32>
      tpu.vector_store %arg7[%parallel_loop3A_541, %parallel_loop3A_542], %parallel_loop3A_545 {add = true, strides = array<i32>} : memref<16x1024xf32, #tpu.memory_space<vmem>>, vector<1x16xf32>,
    } {sc.loop_unroll_factor = 16 : i64, sc.parallel_access}
    %add3A_125 = arith.constant 6144 : i32
    %add3A_126 = arith.addi %add3A_125, %mul3A_2 : i32
    %add3A_127 = arith.constant 0 : i32
    %add3A_128 = arith.addi %add3A_126, %add3A_127 : i32
    %dma_start3A_129 = arith.constant 0 : i32
    %dma_start3A_130 = tpu.memref_slice %arg4[%add3A_128, %dma_start3A_129] : memref<8192x1024xf32, #tpu.memory_space<hbm>> -> memref<16x1024xf32, #tpu.memory_space<hbm>>
    %dma_start3A_131 = arith.constant 0 : i32
    %dma_start3A_132 = tpu.memref_slice %arg4[%add3A_128, %dma_start3A_131] : memref<8192x1024xf32, #tpu.memory_space<hbm>> -> memref<16x1024xf32, #tpu.memory_space<hbm>>
    tpu.enqueue_dma source(%arg7 : memref<16x1024xf32, #tpu.memory_space<vmem>>) target(%dma_start3A_132 : memref<16x1024xf32, #tpu.memory_space<hbm>>) target_semaphore(%arg15 : memref<!tpu.dma_semaphore, #tpu.memory_space<semaphore_mem>>)
    %dma_wait3A_133 = arith.constant 0 : i32
    %dma_wait3A_134 = tpu.memref_slice %arg4[%add3A_101, %dma_wait3A_133] : memref<8192x1024xf32, #tpu.memory_space<hbm>> -> memref<16x1024xf32, #tpu.memory_space<hbm>>
    %dma_wait3A_135 = arith.constant 0 : i32
    %dma_wait3A_136 = tpu.memref_slice %arg4[%add3A_101, %dma_wait3A_135] : memref<8192x1024xf32, #tpu.memory_space<hbm>> -> memref<16x1024xf32, #tpu.memory_space<hbm>>
    tpu.wait_dma2 semaphore(%arg17 : memref<!tpu.dma_semaphore, #tpu.memory_space<semaphore_mem>>) src(%arg9 : memref<16x1024xf32, #tpu.memory_space<vmem>>) dst(%dma_wait3A_136 : memref<16x1024xf32, #tpu.memory_space<hbm>>)
    %add3A_137 = arith.constant 2048 : i32
    %add3A_138 = arith.addi %add3A_137, %mul3A_2 : i32
    %add3A_139 = arith.constant 16 : i32
    %add3A_140 = arith.addi %add3A_138, %add3A_139 : i32
    %dma_start3A_141 = arith.constant 0 : i32
    %dma_start3A_142 = tpu.memref_slice %arg2[%add3A_140, %dma_start3A_141] : memref<8192x1024xf32, #tpu.memory_space<hbm>> -> memref<16x1024xf32, #tpu.memory_space<hbm>>
    %dma_start3A_143 = arith.constant 0 : i32
    %dma_start3A_144 = tpu.memref_slice %arg2[%add3A_140, %dma_start3A_143] : memref<8192x1024xf32, #tpu.memory_space<hbm>> -> memref<16x1024xf32, #tpu.memory_space<hbm>>
    tpu.enqueue_dma source(%dma_start3A_144 : memref<16x1024xf32, #tpu.memory_space<hbm>>) target(%arg9 : memref<16x1024xf32, #tpu.memory_space<vmem>>) target_semaphore(%arg14 : memref<!tpu.dma_semaphore, #tpu.memory_space<semaphore_mem>>)
    %dma_wait3A_145 = arith.constant 0 : i32
    %dma_wait3A_146 = arith.constant 0 : i32
    %dma_wait3A_147 = tpu.memref_slice %arg3[%add3A_34, %dma_wait3A_145, %dma_wait3A_146] : memref<2049x1x1024xf32, #tpu.memory_space<hbm>> -> memref<16x1x1024xf32, #tpu.memory_space<hbm>>
    %dma_wait3A_148 = tpu.memref_squeeze %dma_wait3A_147 : memref<16x1x1024xf32, #tpu.memory_space<hbm>> -> memref<16x1024xf32, #tpu.memory_space<hbm>>
    %dma_wait3A_149 = arith.constant 0 : i32
    %dma_wait3A_150 = tpu.memref_slice %arg3[%add3A_34, %dma_wait3A_145, %dma_wait3A_149] : memref<2049x1x1024xf32, #tpu.memory_space<hbm>> -> memref<16x1x1024xf32, #tpu.memory_space<hbm>>
    %dma_wait3A_151 = tpu.memref_squeeze %dma_wait3A_150 : memref<16x1x1024xf32, #tpu.memory_space<hbm>> -> memref<16x1024xf32, #tpu.memory_space<hbm>>
    tpu.wait_dma2 semaphore(%arg11 : memref<!tpu.dma_semaphore, #tpu.memory_space<semaphore_mem>>) src(%dma_wait3A_151 : memref<16x1024xf32, #tpu.memory_space<hbm>>) dst(%arg6 : memref<16x1024xf32, #tpu.memory_space<vmem>>)
    %add3A_152 = arith.constant 32 : i32
    %add3A_153 = arith.addi %mul3A_2, %add3A_152 : i32
    %dma_start3A_154 = arith.constant 0 : i32
    %dma_start3A_155 = arith.constant 0 : i32
    %dma_start3A_156 = tpu.memref_slice %arg3[%add3A_153, %dma_start3A_154, %dma_start3A_155] : memref<2049x1x1024xf32, #tpu.memory_space<hbm>> -> memref<16x1x1024xf32, #tpu.memory_space<hbm>>
    %dma_start3A_157 = tpu.memref_squeeze %dma_start3A_156 : memref<16x1x1024xf32, #tpu.memory_space<hbm>> -> memref<16x1024xf32, #tpu.memory_space<hbm>>
    %dma_start3A_158 = arith.constant 0 : i32
    %dma_start3A_159 = tpu.memref_slice %arg3[%add3A_153, %dma_start3A_154, %dma_start3A_158] : memref<2049x1x1024xf32, #tpu.memory_space<hbm>> -> memref<16x1x1024xf32, #tpu.memory_space<hbm>>
    %dma_start3A_160 = tpu.memref_squeeze %dma_start3A_159 : memref<16x1x1024xf32, #tpu.memory_space<hbm>> -> memref<16x1024xf32, #tpu.memory_space<hbm>>
    tpu.enqueue_dma source(%dma_start3A_160 : memref<16x1024xf32, #tpu.memory_space<hbm>>) target(%arg5 : memref<16x1024xf32, #tpu.memory_space<vmem>>) target_semaphore(%arg10 : memref<!tpu.dma_semaphore, #tpu.memory_space<semaphore_mem>>)
    %dma_wait3A_161 = arith.constant 0 : i32
    %dma_wait3A_162 = tpu.memref_slice %arg2[%add3A_113, %dma_wait3A_161] : memref<8192x1024xf32, #tpu.memory_space<hbm>> -> memref<16x1024xf32, #tpu.memory_space<hbm>>
    %dma_wait3A_163 = arith.constant 0 : i32
    %dma_wait3A_164 = tpu.memref_slice %arg2[%add3A_113, %dma_wait3A_163] : memref<8192x1024xf32, #tpu.memory_space<hbm>> -> memref<16x1024xf32, #tpu.memory_space<hbm>>
    tpu.wait_dma2 semaphore(%arg13 : memref<!tpu.dma_semaphore, #tpu.memory_space<semaphore_mem>>) src(%dma_wait3A_164 : memref<16x1024xf32, #tpu.memory_space<hbm>>) dst(%arg8 : memref<16x1024xf32, #tpu.memory_space<vmem>>)
    %parallel_loop3A_165 = arith.constant 0 : i32
    %parallel_loop3A_166 = arith.constant 16384 : i32
    %parallel_loop3A_167 = arith.constant 16 : i32
    scf.for %parallel_loop3A_496 = %parallel_loop3A_165 to %parallel_loop3A_166 step %parallel_loop3A_167  : i32 {
      %parallel_loop3A_497 = arith.constant 1024 : i32
      %parallel_loop3A_498 = arith.divsi %parallel_loop3A_496, %parallel_loop3A_497 : i32
      %parallel_loop3A_499 = arith.constant 0 : i32
      %parallel_loop3A_500 = arith.cmpi sgt, %parallel_loop3A_496, %parallel_loop3A_499 : i32
      %parallel_loop3A_501 = arith.extui %parallel_loop3A_500 : i1 to i32
      %parallel_loop3A_502 = arith.constant 0 : i32
      %parallel_loop3A_503 = arith.cmpi slt, %parallel_loop3A_496, %parallel_loop3A_502 : i32
      %parallel_loop3A_504 = arith.extui %parallel_loop3A_503 : i1 to i32
      %parallel_loop3A_505 = arith.subi %parallel_loop3A_501, %parallel_loop3A_504 : i32
      %parallel_loop3A_506 = arith.constant 0 : i32
      %parallel_loop3A_507 = arith.cmpi sgt, %parallel_loop3A_497, %parallel_loop3A_506 : i32
      %parallel_loop3A_508 = arith.extui %parallel_loop3A_507 : i1 to i32
      %parallel_loop3A_509 = arith.constant 0 : i32
      %parallel_loop3A_510 = arith.cmpi slt, %parallel_loop3A_497, %parallel_loop3A_509 : i32
      %parallel_loop3A_511 = arith.extui %parallel_loop3A_510 : i1 to i32
      %parallel_loop3A_512 = arith.subi %parallel_loop3A_508, %parallel_loop3A_511 : i32
      %parallel_loop3A_513 = arith.cmpi ne, %parallel_loop3A_505, %parallel_loop3A_512 : i32
      %parallel_loop3A_514 = arith.remsi %parallel_loop3A_496, %parallel_loop3A_497 : i32
      %parallel_loop3A_515 = arith.constant 0 : i32
      %parallel_loop3A_516 = arith.cmpi ne, %parallel_loop3A_514, %parallel_loop3A_515 : i32
      %parallel_loop3A_517 = arith.andi %parallel_loop3A_513, %parallel_loop3A_516 : i1
      %parallel_loop3A_518 = arith.constant 1 : i32
      %parallel_loop3A_519 = arith.subi %parallel_loop3A_498, %parallel_loop3A_518 : i32
      %parallel_loop3A_520 = arith.select %parallel_loop3A_517, %parallel_loop3A_519, %parallel_loop3A_498 : i32
      %parallel_loop3A_521 = arith.constant 1024 : i32
      %parallel_loop3A_522 = arith.constant 0 : i32
      %parallel_loop3A_523 = arith.cmpi eq, %parallel_loop3A_521, %parallel_loop3A_522 : i32
      %parallel_loop3A_524 = arith.constant 1 : i32
      %parallel_loop3A_525 = arith.select %parallel_loop3A_523, %parallel_loop3A_524, %parallel_loop3A_521 : i32
      %parallel_loop3A_526 = arith.remsi %parallel_loop3A_496, %parallel_loop3A_525 : i32
      %parallel_loop3A_527 = arith.constant 0 : i32
      %parallel_loop3A_528 = arith.cmpi ne, %parallel_loop3A_526, %parallel_loop3A_527 : i32
      %parallel_loop3A_529 = arith.constant 0 : i32
      %parallel_loop3A_530 = arith.cmpi slt, %parallel_loop3A_526, %parallel_loop3A_529 : i32
      %parallel_loop3A_531 = arith.constant 0 : i32
      %parallel_loop3A_532 = arith.cmpi slt, %parallel_loop3A_525, %parallel_loop3A_531 : i32
      %parallel_loop3A_533 = arith.xori %parallel_loop3A_530, %parallel_loop3A_532 : i1
      %parallel_loop3A_534 = arith.andi %parallel_loop3A_533, %parallel_loop3A_528 : i1
      %parallel_loop3A_535 = arith.addi %parallel_loop3A_526, %parallel_loop3A_525 : i32
      %parallel_loop3A_536 = arith.select %parallel_loop3A_534, %parallel_loop3A_535, %parallel_loop3A_526 : i32
      %parallel_loop3A_537 = arith.index_cast %parallel_loop3A_520 : i32 to index
      %parallel_loop3A_538 = arith.index_cast %parallel_loop3A_536 : i32 to index
      %parallel_loop3A_539 = tpu.vector_load %arg6[%parallel_loop3A_537, %parallel_loop3A_538] {strides = array<i32>} : memref<16x1024xf32, #tpu.memory_space<vmem>>, vector<1x16xf32>,
      %parallel_loop3A_540 = vector.shape_cast %parallel_loop3A_539 : vector<1x16xf32> to vector<16xf32>
      %parallel_loop3A_541 = arith.constant 2.000000e-03 : f32
      %parallel_loop3A_542 = vector.broadcast %parallel_loop3A_541 : f32 to vector<16xf32>
      %parallel_loop3A_543 = arith.mulf %parallel_loop3A_540, %parallel_loop3A_542 : vector<16xf32>
      %parallel_loop3A_544 = arith.index_cast %parallel_loop3A_520 : i32 to index
      %parallel_loop3A_545 = arith.index_cast %parallel_loop3A_536 : i32 to index
      %parallel_loop3A_546 = tpu.vector_load %arg6[%parallel_loop3A_544, %parallel_loop3A_545] {strides = array<i32>} : memref<16x1024xf32, #tpu.memory_space<vmem>>, vector<1x16xf32>,
      %parallel_loop3A_547 = vector.shape_cast %parallel_loop3A_546 : vector<1x16xf32> to vector<16xf32>
      %parallel_loop3A_548 = vector.shape_cast %parallel_loop3A_543 : vector<16xf32> to vector<1x16xf32>
      tpu.vector_store %arg6[%parallel_loop3A_544, %parallel_loop3A_545], %parallel_loop3A_548 {strides = array<i32>} : memref<16x1024xf32, #tpu.memory_space<vmem>>, vector<1x16xf32>,
      %parallel_loop3A_549 = arith.index_cast %parallel_loop3A_520 : i32 to index
      %parallel_loop3A_550 = arith.index_cast %parallel_loop3A_536 : i32 to index
      %parallel_loop3A_551 = tpu.vector_load %arg8[%parallel_loop3A_549, %parallel_loop3A_550] {strides = array<i32>} : memref<16x1024xf32, #tpu.memory_space<vmem>>, vector<1x16xf32>,
      %parallel_loop3A_552 = vector.shape_cast %parallel_loop3A_551 : vector<1x16xf32> to vector<16xf32>
      %parallel_loop3A_553 = vector.shape_cast %parallel_loop3A_543 : vector<16xf32> to vector<1x16xf32>
      tpu.vector_store %arg8[%parallel_loop3A_549, %parallel_loop3A_550], %parallel_loop3A_553 {add = true, strides = array<i32>} : memref<16x1024xf32, #tpu.memory_space<vmem>>, vector<1x16xf32>,
    } {sc.loop_unroll_factor = 8 : i64, sc.parallel_access}
    %add3A_168 = arith.constant 0 : i32
    %add3A_169 = arith.addi %add3A_168, %mul3A_2 : i32
    %add3A_170 = arith.constant 16 : i32
    %add3A_171 = arith.addi %add3A_169, %add3A_170 : i32
    %dma_start3A_172 = arith.constant 0 : i32
    %dma_start3A_173 = tpu.memref_slice %arg4[%add3A_171, %dma_start3A_172] : memref<8192x1024xf32, #tpu.memory_space<hbm>> -> memref<16x1024xf32, #tpu.memory_space<hbm>>
    %dma_start3A_174 = arith.constant 0 : i32
    %dma_start3A_175 = tpu.memref_slice %arg4[%add3A_171, %dma_start3A_174] : memref<8192x1024xf32, #tpu.memory_space<hbm>> -> memref<16x1024xf32, #tpu.memory_space<hbm>>
    tpu.enqueue_dma source(%arg8 : memref<16x1024xf32, #tpu.memory_space<vmem>>) target(%dma_start3A_175 : memref<16x1024xf32, #tpu.memory_space<hbm>>) target_semaphore(%arg16 : memref<!tpu.dma_semaphore, #tpu.memory_space<semaphore_mem>>)
    %dma_wait3A_176 = arith.constant 0 : i32
    %dma_wait3A_177 = tpu.memref_slice %arg4[%add3A_128, %dma_wait3A_176] : memref<8192x1024xf32, #tpu.memory_space<hbm>> -> memref<16x1024xf32, #tpu.memory_space<hbm>>
    %dma_wait3A_178 = arith.constant 0 : i32
    %dma_wait3A_179 = tpu.memref_slice %arg4[%add3A_128, %dma_wait3A_178] : memref<8192x1024xf32, #tpu.memory_space<hbm>> -> memref<16x1024xf32, #tpu.memory_space<hbm>>
    tpu.wait_dma2 semaphore(%arg15 : memref<!tpu.dma_semaphore, #tpu.memory_space<semaphore_mem>>) src(%arg7 : memref<16x1024xf32, #tpu.memory_space<vmem>>) dst(%dma_wait3A_179 : memref<16x1024xf32, #tpu.memory_space<hbm>>)
    %add3A_180 = arith.constant 4096 : i32
    %add3A_181 = arith.addi %add3A_180, %mul3A_2 : i32
    %add3A_182 = arith.constant 16 : i32
    %add3A_183 = arith.addi %add3A_181, %add3A_182 : i32
    %dma_start3A_184 = arith.constant 0 : i32
    %dma_start3A_185 = tpu.memref_slice %arg2[%add3A_183, %dma_start3A_184] : memref<8192x1024xf32, #tpu.memory_space<hbm>> -> memref<16x1024xf32, #tpu.memory_space<hbm>>
    %dma_start3A_186 = arith.constant 0 : i32
    %dma_start3A_187 = tpu.memref_slice %arg2[%add3A_183, %dma_start3A_186] : memref<8192x1024xf32, #tpu.memory_space<hbm>> -> memref<16x1024xf32, #tpu.memory_space<hbm>>
    tpu.enqueue_dma source(%dma_start3A_187 : memref<16x1024xf32, #tpu.memory_space<hbm>>) target(%arg7 : memref<16x1024xf32, #tpu.memory_space<vmem>>) target_semaphore(%arg12 : memref<!tpu.dma_semaphore, #tpu.memory_space<semaphore_mem>>)
    %dma_wait3A_188 = arith.constant 0 : i32
    %dma_wait3A_189 = tpu.memref_slice %arg2[%add3A_140, %dma_wait3A_188] : memref<8192x1024xf32, #tpu.memory_space<hbm>> -> memref<16x1024xf32, #tpu.memory_space<hbm>>
    %dma_wait3A_190 = arith.constant 0 : i32
    %dma_wait3A_191 = tpu.memref_slice %arg2[%add3A_140, %dma_wait3A_190] : memref<8192x1024xf32, #tpu.memory_space<hbm>> -> memref<16x1024xf32, #tpu.memory_space<hbm>>
    tpu.wait_dma2 semaphore(%arg14 : memref<!tpu.dma_semaphore, #tpu.memory_space<semaphore_mem>>) src(%dma_wait3A_191 : memref<16x1024xf32, #tpu.memory_space<hbm>>) dst(%arg9 : memref<16x1024xf32, #tpu.memory_space<vmem>>)
    %parallel_loop3A_192 = arith.constant 0 : i32
    %parallel_loop3A_193 = arith.constant 16384 : i32
    %parallel_loop3A_194 = arith.constant 16 : i32
    scf.for %parallel_loop3A_496 = %parallel_loop3A_192 to %parallel_loop3A_193 step %parallel_loop3A_194  : i32 {
      %parallel_loop3A_497 = arith.constant 1024 : i32
      %parallel_loop3A_498 = arith.divsi %parallel_loop3A_496, %parallel_loop3A_497 : i32
      %parallel_loop3A_499 = arith.constant 0 : i32
      %parallel_loop3A_500 = arith.cmpi sgt, %parallel_loop3A_496, %parallel_loop3A_499 : i32
      %parallel_loop3A_501 = arith.extui %parallel_loop3A_500 : i1 to i32
      %parallel_loop3A_502 = arith.constant 0 : i32
      %parallel_loop3A_503 = arith.cmpi slt, %parallel_loop3A_496, %parallel_loop3A_502 : i32
      %parallel_loop3A_504 = arith.extui %parallel_loop3A_503 : i1 to i32
      %parallel_loop3A_505 = arith.subi %parallel_loop3A_501, %parallel_loop3A_504 : i32
      %parallel_loop3A_506 = arith.constant 0 : i32
      %parallel_loop3A_507 = arith.cmpi sgt, %parallel_loop3A_497, %parallel_loop3A_506 : i32
      %parallel_loop3A_508 = arith.extui %parallel_loop3A_507 : i1 to i32
      %parallel_loop3A_509 = arith.constant 0 : i32
      %parallel_loop3A_510 = arith.cmpi slt, %parallel_loop3A_497, %parallel_loop3A_509 : i32
      %parallel_loop3A_511 = arith.extui %parallel_loop3A_510 : i1 to i32
      %parallel_loop3A_512 = arith.subi %parallel_loop3A_508, %parallel_loop3A_511 : i32
      %parallel_loop3A_513 = arith.cmpi ne, %parallel_loop3A_505, %parallel_loop3A_512 : i32
      %parallel_loop3A_514 = arith.remsi %parallel_loop3A_496, %parallel_loop3A_497 : i32
      %parallel_loop3A_515 = arith.constant 0 : i32
      %parallel_loop3A_516 = arith.cmpi ne, %parallel_loop3A_514, %parallel_loop3A_515 : i32
      %parallel_loop3A_517 = arith.andi %parallel_loop3A_513, %parallel_loop3A_516 : i1
      %parallel_loop3A_518 = arith.constant 1 : i32
      %parallel_loop3A_519 = arith.subi %parallel_loop3A_498, %parallel_loop3A_518 : i32
      %parallel_loop3A_520 = arith.select %parallel_loop3A_517, %parallel_loop3A_519, %parallel_loop3A_498 : i32
      %parallel_loop3A_521 = arith.constant 1024 : i32
      %parallel_loop3A_522 = arith.constant 0 : i32
      %parallel_loop3A_523 = arith.cmpi eq, %parallel_loop3A_521, %parallel_loop3A_522 : i32
      %parallel_loop3A_524 = arith.constant 1 : i32
      %parallel_loop3A_525 = arith.select %parallel_loop3A_523, %parallel_loop3A_524, %parallel_loop3A_521 : i32
      %parallel_loop3A_526 = arith.remsi %parallel_loop3A_496, %parallel_loop3A_525 : i32
      %parallel_loop3A_527 = arith.constant 0 : i32
      %parallel_loop3A_528 = arith.cmpi ne, %parallel_loop3A_526, %parallel_loop3A_527 : i32
      %parallel_loop3A_529 = arith.constant 0 : i32
      %parallel_loop3A_530 = arith.cmpi slt, %parallel_loop3A_526, %parallel_loop3A_529 : i32
      %parallel_loop3A_531 = arith.constant 0 : i32
      %parallel_loop3A_532 = arith.cmpi slt, %parallel_loop3A_525, %parallel_loop3A_531 : i32
      %parallel_loop3A_533 = arith.xori %parallel_loop3A_530, %parallel_loop3A_532 : i1
      %parallel_loop3A_534 = arith.andi %parallel_loop3A_533, %parallel_loop3A_528 : i1
      %parallel_loop3A_535 = arith.addi %parallel_loop3A_526, %parallel_loop3A_525 : i32
      %parallel_loop3A_536 = arith.select %parallel_loop3A_534, %parallel_loop3A_535, %parallel_loop3A_526 : i32
      %parallel_loop3A_537 = arith.index_cast %parallel_loop3A_520 : i32 to index
      %parallel_loop3A_538 = arith.index_cast %parallel_loop3A_536 : i32 to index
      %parallel_loop3A_539 = tpu.vector_load %arg6[%parallel_loop3A_537, %parallel_loop3A_538] {strides = array<i32>} : memref<16x1024xf32, #tpu.memory_space<vmem>>, vector<1x16xf32>,
      %parallel_loop3A_540 = vector.shape_cast %parallel_loop3A_539 : vector<1x16xf32> to vector<16xf32>
      %parallel_loop3A_541 = arith.index_cast %parallel_loop3A_520 : i32 to index
      %parallel_loop3A_542 = arith.index_cast %parallel_loop3A_536 : i32 to index
      %parallel_loop3A_543 = tpu.vector_load %arg9[%parallel_loop3A_541, %parallel_loop3A_542] {strides = array<i32>} : memref<16x1024xf32, #tpu.memory_space<vmem>>, vector<1x16xf32>,
      %parallel_loop3A_544 = vector.shape_cast %parallel_loop3A_543 : vector<1x16xf32> to vector<16xf32>
      %parallel_loop3A_545 = vector.shape_cast %parallel_loop3A_540 : vector<16xf32> to vector<1x16xf32>
      tpu.vector_store %arg9[%parallel_loop3A_541, %parallel_loop3A_542], %parallel_loop3A_545 {add = true, strides = array<i32>} : memref<16x1024xf32, #tpu.memory_space<vmem>>, vector<1x16xf32>,
    } {sc.loop_unroll_factor = 16 : i64, sc.parallel_access}
    %add3A_195 = arith.constant 2048 : i32
    %add3A_196 = arith.addi %add3A_195, %mul3A_2 : i32
    %add3A_197 = arith.constant 16 : i32
    %add3A_198 = arith.addi %add3A_196, %add3A_197 : i32
    %dma_start3A_199 = arith.constant 0 : i32
    %dma_start3A_200 = tpu.memref_slice %arg4[%add3A_198, %dma_start3A_199] : memref<8192x1024xf32, #tpu.memory_space<hbm>> -> memref<16x1024xf32, #tpu.memory_space<hbm>>
    %dma_start3A_201 = arith.constant 0 : i32
    %dma_start3A_202 = tpu.memref_slice %arg4[%add3A_198, %dma_start3A_201] : memref<8192x1024xf32, #tpu.memory_space<hbm>> -> memref<16x1024xf32, #tpu.memory_space<hbm>>
    tpu.enqueue_dma source(%arg9 : memref<16x1024xf32, #tpu.memory_space<vmem>>) target(%dma_start3A_202 : memref<16x1024xf32, #tpu.memory_space<hbm>>) target_semaphore(%arg17 : memref<!tpu.dma_semaphore, #tpu.memory_space<semaphore_mem>>)
    %dma_wait3A_203 = arith.constant 0 : i32
    %dma_wait3A_204 = tpu.memref_slice %arg4[%add3A_171, %dma_wait3A_203] : memref<8192x1024xf32, #tpu.memory_space<hbm>> -> memref<16x1024xf32, #tpu.memory_space<hbm>>
    %dma_wait3A_205 = arith.constant 0 : i32
    %dma_wait3A_206 = tpu.memref_slice %arg4[%add3A_171, %dma_wait3A_205] : memref<8192x1024xf32, #tpu.memory_space<hbm>> -> memref<16x1024xf32, #tpu.memory_space<hbm>>
    tpu.wait_dma2 semaphore(%arg16 : memref<!tpu.dma_semaphore, #tpu.memory_space<semaphore_mem>>) src(%arg8 : memref<16x1024xf32, #tpu.memory_space<vmem>>) dst(%dma_wait3A_206 : memref<16x1024xf32, #tpu.memory_space<hbm>>)
    %add3A_207 = arith.constant 6144 : i32
    %add3A_208 = arith.addi %add3A_207, %mul3A_2 : i32
    %add3A_209 = arith.constant 16 : i32
    %add3A_210 = arith.addi %add3A_208, %add3A_209 : i32
    %dma_start3A_211 = arith.constant 0 : i32
    %dma_start3A_212 = tpu.memref_slice %arg2[%add3A_210, %dma_start3A_211] : memref<8192x1024xf32, #tpu.memory_space<hbm>> -> memref<16x1024xf32, #tpu.memory_space<hbm>>
    %dma_start3A_213 = arith.constant 0 : i32
    %dma_start3A_214 = tpu.memref_slice %arg2[%add3A_210, %dma_start3A_213] : memref<8192x1024xf32, #tpu.memory_space<hbm>> -> memref<16x1024xf32, #tpu.memory_space<hbm>>
    tpu.enqueue_dma source(%dma_start3A_214 : memref<16x1024xf32, #tpu.memory_space<hbm>>) target(%arg8 : memref<16x1024xf32, #tpu.memory_space<vmem>>) target_semaphore(%arg13 : memref<!tpu.dma_semaphore, #tpu.memory_space<semaphore_mem>>)
    %dma_wait3A_215 = arith.constant 0 : i32
    %dma_wait3A_216 = tpu.memref_slice %arg2[%add3A_183, %dma_wait3A_215] : memref<8192x1024xf32, #tpu.memory_space<hbm>> -> memref<16x1024xf32, #tpu.memory_space<hbm>>
    %dma_wait3A_217 = arith.constant 0 : i32
    %dma_wait3A_218 = tpu.memref_slice %arg2[%add3A_183, %dma_wait3A_217] : memref<8192x1024xf32, #tpu.memory_space<hbm>> -> memref<16x1024xf32, #tpu.memory_space<hbm>>
    tpu.wait_dma2 semaphore(%arg12 : memref<!tpu.dma_semaphore, #tpu.memory_space<semaphore_mem>>) src(%dma_wait3A_218 : memref<16x1024xf32, #tpu.memory_space<hbm>>) dst(%arg7 : memref<16x1024xf32, #tpu.memory_space<vmem>>)
    %parallel_loop3A_219 = arith.constant 0 : i32
    %parallel_loop3A_220 = arith.constant 16384 : i32
    %parallel_loop3A_221 = arith.constant 16 : i32
    scf.for %parallel_loop3A_496 = %parallel_loop3A_219 to %parallel_loop3A_220 step %parallel_loop3A_221  : i32 {
      %parallel_loop3A_497 = arith.constant 1024 : i32
      %parallel_loop3A_498 = arith.divsi %parallel_loop3A_496, %parallel_loop3A_497 : i32
      %parallel_loop3A_499 = arith.constant 0 : i32
      %parallel_loop3A_500 = arith.cmpi sgt, %parallel_loop3A_496, %parallel_loop3A_499 : i32
      %parallel_loop3A_501 = arith.extui %parallel_loop3A_500 : i1 to i32
      %parallel_loop3A_502 = arith.constant 0 : i32
      %parallel_loop3A_503 = arith.cmpi slt, %parallel_loop3A_496, %parallel_loop3A_502 : i32
      %parallel_loop3A_504 = arith.extui %parallel_loop3A_503 : i1 to i32
      %parallel_loop3A_505 = arith.subi %parallel_loop3A_501, %parallel_loop3A_504 : i32
      %parallel_loop3A_506 = arith.constant 0 : i32
      %parallel_loop3A_507 = arith.cmpi sgt, %parallel_loop3A_497, %parallel_loop3A_506 : i32
      %parallel_loop3A_508 = arith.extui %parallel_loop3A_507 : i1 to i32
      %parallel_loop3A_509 = arith.constant 0 : i32
      %parallel_loop3A_510 = arith.cmpi slt, %parallel_loop3A_497, %parallel_loop3A_509 : i32
      %parallel_loop3A_511 = arith.extui %parallel_loop3A_510 : i1 to i32
      %parallel_loop3A_512 = arith.subi %parallel_loop3A_508, %parallel_loop3A_511 : i32
      %parallel_loop3A_513 = arith.cmpi ne, %parallel_loop3A_505, %parallel_loop3A_512 : i32
      %parallel_loop3A_514 = arith.remsi %parallel_loop3A_496, %parallel_loop3A_497 : i32
      %parallel_loop3A_515 = arith.constant 0 : i32
      %parallel_loop3A_516 = arith.cmpi ne, %parallel_loop3A_514, %parallel_loop3A_515 : i32
      %parallel_loop3A_517 = arith.andi %parallel_loop3A_513, %parallel_loop3A_516 : i1
      %parallel_loop3A_518 = arith.constant 1 : i32
      %parallel_loop3A_519 = arith.subi %parallel_loop3A_498, %parallel_loop3A_518 : i32
      %parallel_loop3A_520 = arith.select %parallel_loop3A_517, %parallel_loop3A_519, %parallel_loop3A_498 : i32
      %parallel_loop3A_521 = arith.constant 1024 : i32
      %parallel_loop3A_522 = arith.constant 0 : i32
      %parallel_loop3A_523 = arith.cmpi eq, %parallel_loop3A_521, %parallel_loop3A_522 : i32
      %parallel_loop3A_524 = arith.constant 1 : i32
      %parallel_loop3A_525 = arith.select %parallel_loop3A_523, %parallel_loop3A_524, %parallel_loop3A_521 : i32
      %parallel_loop3A_526 = arith.remsi %parallel_loop3A_496, %parallel_loop3A_525 : i32
      %parallel_loop3A_527 = arith.constant 0 : i32
      %parallel_loop3A_528 = arith.cmpi ne, %parallel_loop3A_526, %parallel_loop3A_527 : i32
      %parallel_loop3A_529 = arith.constant 0 : i32
      %parallel_loop3A_530 = arith.cmpi slt, %parallel_loop3A_526, %parallel_loop3A_529 : i32
      %parallel_loop3A_531 = arith.constant 0 : i32
      %parallel_loop3A_532 = arith.cmpi slt, %parallel_loop3A_525, %parallel_loop3A_531 : i32
      %parallel_loop3A_533 = arith.xori %parallel_loop3A_530, %parallel_loop3A_532 : i1
      %parallel_loop3A_534 = arith.andi %parallel_loop3A_533, %parallel_loop3A_528 : i1
      %parallel_loop3A_535 = arith.addi %parallel_loop3A_526, %parallel_loop3A_525 : i32
      %parallel_loop3A_536 = arith.select %parallel_loop3A_534, %parallel_loop3A_535, %parallel_loop3A_526 : i32
      %parallel_loop3A_537 = arith.index_cast %parallel_loop3A_520 : i32 to index
      %parallel_loop3A_538 = arith.index_cast %parallel_loop3A_536 : i32 to index
      %parallel_loop3A_539 = tpu.vector_load %arg6[%parallel_loop3A_537, %parallel_loop3A_538] {strides = array<i32>} : memref<16x1024xf32, #tpu.memory_space<vmem>>, vector<1x16xf32>,
      %parallel_loop3A_540 = vector.shape_cast %parallel_loop3A_539 : vector<1x16xf32> to vector<16xf32>
      %parallel_loop3A_541 = arith.index_cast %parallel_loop3A_520 : i32 to index
      %parallel_loop3A_542 = arith.index_cast %parallel_loop3A_536 : i32 to index
      %parallel_loop3A_543 = tpu.vector_load %arg7[%parallel_loop3A_541, %parallel_loop3A_542] {strides = array<i32>} : memref<16x1024xf32, #tpu.memory_space<vmem>>, vector<1x16xf32>,
      %parallel_loop3A_544 = vector.shape_cast %parallel_loop3A_543 : vector<1x16xf32> to vector<16xf32>
      %parallel_loop3A_545 = vector.shape_cast %parallel_loop3A_540 : vector<16xf32> to vector<1x16xf32>
      tpu.vector_store %arg7[%parallel_loop3A_541, %parallel_loop3A_542], %parallel_loop3A_545 {add = true, strides = array<i32>} : memref<16x1024xf32, #tpu.memory_space<vmem>>, vector<1x16xf32>,
    } {sc.loop_unroll_factor = 16 : i64, sc.parallel_access}
    %add3A_222 = arith.constant 4096 : i32
    %add3A_223 = arith.addi %add3A_222, %mul3A_2 : i32
    %add3A_224 = arith.constant 16 : i32
    %add3A_225 = arith.addi %add3A_223, %add3A_224 : i32
    %dma_start3A_226 = arith.constant 0 : i32
    %dma_start3A_227 = tpu.memref_slice %arg4[%add3A_225, %dma_start3A_226] : memref<8192x1024xf32, #tpu.memory_space<hbm>> -> memref<16x1024xf32, #tpu.memory_space<hbm>>
    %dma_start3A_228 = arith.constant 0 : i32
    %dma_start3A_229 = tpu.memref_slice %arg4[%add3A_225, %dma_start3A_228] : memref<8192x1024xf32, #tpu.memory_space<hbm>> -> memref<16x1024xf32, #tpu.memory_space<hbm>>
    tpu.enqueue_dma source(%arg7 : memref<16x1024xf32, #tpu.memory_space<vmem>>) target(%dma_start3A_229 : memref<16x1024xf32, #tpu.memory_space<hbm>>) target_semaphore(%arg15 : memref<!tpu.dma_semaphore, #tpu.memory_space<semaphore_mem>>)
    %dma_wait3A_230 = arith.constant 0 : i32
    %dma_wait3A_231 = tpu.memref_slice %arg4[%add3A_198, %dma_wait3A_230] : memref<8192x1024xf32, #tpu.memory_space<hbm>> -> memref<16x1024xf32, #tpu.memory_space<hbm>>
    %dma_wait3A_232 = arith.constant 0 : i32
    %dma_wait3A_233 = tpu.memref_slice %arg4[%add3A_198, %dma_wait3A_232] : memref<8192x1024xf32, #tpu.memory_space<hbm>> -> memref<16x1024xf32, #tpu.memory_space<hbm>>
    tpu.wait_dma2 semaphore(%arg17 : memref<!tpu.dma_semaphore, #tpu.memory_space<semaphore_mem>>) src(%arg9 : memref<16x1024xf32, #tpu.memory_space<vmem>>) dst(%dma_wait3A_233 : memref<16x1024xf32, #tpu.memory_space<hbm>>)
    %add3A_234 = arith.constant 0 : i32
    %add3A_235 = arith.addi %add3A_234, %mul3A_2 : i32
    %add3A_236 = arith.constant 32 : i32
    %add3A_237 = arith.addi %add3A_235, %add3A_236 : i32
    %dma_start3A_238 = arith.constant 0 : i32
    %dma_start3A_239 = tpu.memref_slice %arg2[%add3A_237, %dma_start3A_238] : memref<8192x1024xf32, #tpu.memory_space<hbm>> -> memref<16x1024xf32, #tpu.memory_space<hbm>>
    %dma_start3A_240 = arith.constant 0 : i32
    %dma_start3A_241 = tpu.memref_slice %arg2[%add3A_237, %dma_start3A_240] : memref<8192x1024xf32, #tpu.memory_space<hbm>> -> memref<16x1024xf32, #tpu.memory_space<hbm>>
    tpu.enqueue_dma source(%dma_start3A_241 : memref<16x1024xf32, #tpu.memory_space<hbm>>) target(%arg9 : memref<16x1024xf32, #tpu.memory_space<vmem>>) target_semaphore(%arg14 : memref<!tpu.dma_semaphore, #tpu.memory_space<semaphore_mem>>)
    %dma_wait3A_242 = arith.constant 0 : i32
    %dma_wait3A_243 = tpu.memref_slice %arg2[%add3A_210, %dma_wait3A_242] : memref<8192x1024xf32, #tpu.memory_space<hbm>> -> memref<16x1024xf32, #tpu.memory_space<hbm>>
    %dma_wait3A_244 = arith.constant 0 : i32
    %dma_wait3A_245 = tpu.memref_slice %arg2[%add3A_210, %dma_wait3A_244] : memref<8192x1024xf32, #tpu.memory_space<hbm>> -> memref<16x1024xf32, #tpu.memory_space<hbm>>
    tpu.wait_dma2 semaphore(%arg13 : memref<!tpu.dma_semaphore, #tpu.memory_space<semaphore_mem>>) src(%dma_wait3A_245 : memref<16x1024xf32, #tpu.memory_space<hbm>>) dst(%arg8 : memref<16x1024xf32, #tpu.memory_space<vmem>>)
    %parallel_loop3A_246 = arith.constant 0 : i32
    %parallel_loop3A_247 = arith.constant 16384 : i32
    %parallel_loop3A_248 = arith.constant 16 : i32
    scf.for %parallel_loop3A_496 = %parallel_loop3A_246 to %parallel_loop3A_247 step %parallel_loop3A_248  : i32 {
      %parallel_loop3A_497 = arith.constant 1024 : i32
      %parallel_loop3A_498 = arith.divsi %parallel_loop3A_496, %parallel_loop3A_497 : i32
      %parallel_loop3A_499 = arith.constant 0 : i32
      %parallel_loop3A_500 = arith.cmpi sgt, %parallel_loop3A_496, %parallel_loop3A_499 : i32
      %parallel_loop3A_501 = arith.extui %parallel_loop3A_500 : i1 to i32
      %parallel_loop3A_502 = arith.constant 0 : i32
      %parallel_loop3A_503 = arith.cmpi slt, %parallel_loop3A_496, %parallel_loop3A_502 : i32
      %parallel_loop3A_504 = arith.extui %parallel_loop3A_503 : i1 to i32
      %parallel_loop3A_505 = arith.subi %parallel_loop3A_501, %parallel_loop3A_504 : i32
      %parallel_loop3A_506 = arith.constant 0 : i32
      %parallel_loop3A_507 = arith.cmpi sgt, %parallel_loop3A_497, %parallel_loop3A_506 : i32
      %parallel_loop3A_508 = arith.extui %parallel_loop3A_507 : i1 to i32
      %parallel_loop3A_509 = arith.constant 0 : i32
      %parallel_loop3A_510 = arith.cmpi slt, %parallel_loop3A_497, %parallel_loop3A_509 : i32
      %parallel_loop3A_511 = arith.extui %parallel_loop3A_510 : i1 to i32
      %parallel_loop3A_512 = arith.subi %parallel_loop3A_508, %parallel_loop3A_511 : i32
      %parallel_loop3A_513 = arith.cmpi ne, %parallel_loop3A_505, %parallel_loop3A_512 : i32
      %parallel_loop3A_514 = arith.remsi %parallel_loop3A_496, %parallel_loop3A_497 : i32
      %parallel_loop3A_515 = arith.constant 0 : i32
      %parallel_loop3A_516 = arith.cmpi ne, %parallel_loop3A_514, %parallel_loop3A_515 : i32
      %parallel_loop3A_517 = arith.andi %parallel_loop3A_513, %parallel_loop3A_516 : i1
      %parallel_loop3A_518 = arith.constant 1 : i32
      %parallel_loop3A_519 = arith.subi %parallel_loop3A_498, %parallel_loop3A_518 : i32
      %parallel_loop3A_520 = arith.select %parallel_loop3A_517, %parallel_loop3A_519, %parallel_loop3A_498 : i32
      %parallel_loop3A_521 = arith.constant 1024 : i32
      %parallel_loop3A_522 = arith.constant 0 : i32
      %parallel_loop3A_523 = arith.cmpi eq, %parallel_loop3A_521, %parallel_loop3A_522 : i32
      %parallel_loop3A_524 = arith.constant 1 : i32
      %parallel_loop3A_525 = arith.select %parallel_loop3A_523, %parallel_loop3A_524, %parallel_loop3A_521 : i32
      %parallel_loop3A_526 = arith.remsi %parallel_loop3A_496, %parallel_loop3A_525 : i32
      %parallel_loop3A_527 = arith.constant 0 : i32
      %parallel_loop3A_528 = arith.cmpi ne, %parallel_loop3A_526, %parallel_loop3A_527 : i32
      %parallel_loop3A_529 = arith.constant 0 : i32
      %parallel_loop3A_530 = arith.cmpi slt, %parallel_loop3A_526, %parallel_loop3A_529 : i32
      %parallel_loop3A_531 = arith.constant 0 : i32
      %parallel_loop3A_532 = arith.cmpi slt, %parallel_loop3A_525, %parallel_loop3A_531 : i32
      %parallel_loop3A_533 = arith.xori %parallel_loop3A_530, %parallel_loop3A_532 : i1
      %parallel_loop3A_534 = arith.andi %parallel_loop3A_533, %parallel_loop3A_528 : i1
      %parallel_loop3A_535 = arith.addi %parallel_loop3A_526, %parallel_loop3A_525 : i32
      %parallel_loop3A_536 = arith.select %parallel_loop3A_534, %parallel_loop3A_535, %parallel_loop3A_526 : i32
      %parallel_loop3A_537 = arith.index_cast %parallel_loop3A_520 : i32 to index
      %parallel_loop3A_538 = arith.index_cast %parallel_loop3A_536 : i32 to index
      %parallel_loop3A_539 = tpu.vector_load %arg6[%parallel_loop3A_537, %parallel_loop3A_538] {strides = array<i32>} : memref<16x1024xf32, #tpu.memory_space<vmem>>, vector<1x16xf32>,
      %parallel_loop3A_540 = vector.shape_cast %parallel_loop3A_539 : vector<1x16xf32> to vector<16xf32>
      %parallel_loop3A_541 = arith.index_cast %parallel_loop3A_520 : i32 to index
      %parallel_loop3A_542 = arith.index_cast %parallel_loop3A_536 : i32 to index
      %parallel_loop3A_543 = tpu.vector_load %arg8[%parallel_loop3A_541, %parallel_loop3A_542] {strides = array<i32>} : memref<16x1024xf32, #tpu.memory_space<vmem>>, vector<1x16xf32>,
      %parallel_loop3A_544 = vector.shape_cast %parallel_loop3A_543 : vector<1x16xf32> to vector<16xf32>
      %parallel_loop3A_545 = vector.shape_cast %parallel_loop3A_540 : vector<16xf32> to vector<1x16xf32>
      tpu.vector_store %arg8[%parallel_loop3A_541, %parallel_loop3A_542], %parallel_loop3A_545 {add = true, strides = array<i32>} : memref<16x1024xf32, #tpu.memory_space<vmem>>, vector<1x16xf32>,
    } {sc.loop_unroll_factor = 16 : i64, sc.parallel_access}
    %add3A_249 = arith.constant 6144 : i32
    %add3A_250 = arith.addi %add3A_249, %mul3A_2 : i32
    %add3A_251 = arith.constant 16 : i32
    %add3A_252 = arith.addi %add3A_250, %add3A_251 : i32
    %dma_start3A_253 = arith.constant 0 : i32
    %dma_start3A_254 = tpu.memref_slice %arg4[%add3A_252, %dma_start3A_253] : memref<8192x1024xf32, #tpu.memory_space<hbm>> -> memref<16x1024xf32, #tpu.memory_space<hbm>>
    %dma_start3A_255 = arith.constant 0 : i32
    %dma_start3A_256 = tpu.memref_slice %arg4[%add3A_252, %dma_start3A_255] : memref<8192x1024xf32, #tpu.memory_space<hbm>> -> memref<16x1024xf32, #tpu.memory_space<hbm>>
    tpu.enqueue_dma source(%arg8 : memref<16x1024xf32, #tpu.memory_space<vmem>>) target(%dma_start3A_256 : memref<16x1024xf32, #tpu.memory_space<hbm>>) target_semaphore(%arg16 : memref<!tpu.dma_semaphore, #tpu.memory_space<semaphore_mem>>)
    %dma_wait3A_257 = arith.constant 0 : i32
    %dma_wait3A_258 = tpu.memref_slice %arg4[%add3A_225, %dma_wait3A_257] : memref<8192x1024xf32, #tpu.memory_space<hbm>> -> memref<16x1024xf32, #tpu.memory_space<hbm>>
    %dma_wait3A_259 = arith.constant 0 : i32
    %dma_wait3A_260 = tpu.memref_slice %arg4[%add3A_225, %dma_wait3A_259] : memref<8192x1024xf32, #tpu.memory_space<hbm>> -> memref<16x1024xf32, #tpu.memory_space<hbm>>
    tpu.wait_dma2 semaphore(%arg15 : memref<!tpu.dma_semaphore, #tpu.memory_space<semaphore_mem>>) src(%arg7 : memref<16x1024xf32, #tpu.memory_space<vmem>>) dst(%dma_wait3A_260 : memref<16x1024xf32, #tpu.memory_space<hbm>>)
    %add3A_261 = arith.constant 2048 : i32
    %add3A_262 = arith.addi %add3A_261, %mul3A_2 : i32
    %add3A_263 = arith.constant 32 : i32
    %add3A_264 = arith.addi %add3A_262, %add3A_263 : i32
    %dma_start3A_265 = arith.constant 0 : i32
    %dma_start3A_266 = tpu.memref_slice %arg2[%add3A_264, %dma_start3A_265] : memref<8192x1024xf32, #tpu.memory_space<hbm>> -> memref<16x1024xf32, #tpu.memory_space<hbm>>
    %dma_start3A_267 = arith.constant 0 : i32
    %dma_start3A_268 = tpu.memref_slice %arg2[%add3A_264, %dma_start3A_267] : memref<8192x1024xf32, #tpu.memory_space<hbm>> -> memref<16x1024xf32, #tpu.memory_space<hbm>>
    tpu.enqueue_dma source(%dma_start3A_268 : memref<16x1024xf32, #tpu.memory_space<hbm>>) target(%arg7 : memref<16x1024xf32, #tpu.memory_space<vmem>>) target_semaphore(%arg12 : memref<!tpu.dma_semaphore, #tpu.memory_space<semaphore_mem>>)
    %dma_wait3A_269 = arith.constant 0 : i32
    %dma_wait3A_270 = arith.constant 0 : i32
    %dma_wait3A_271 = tpu.memref_slice %arg3[%add3A_153, %dma_wait3A_269, %dma_wait3A_270] : memref<2049x1x1024xf32, #tpu.memory_space<hbm>> -> memref<16x1x1024xf32, #tpu.memory_space<hbm>>
    %dma_wait3A_272 = tpu.memref_squeeze %dma_wait3A_271 : memref<16x1x1024xf32, #tpu.memory_space<hbm>> -> memref<16x1024xf32, #tpu.memory_space<hbm>>
    %dma_wait3A_273 = arith.constant 0 : i32
    %dma_wait3A_274 = tpu.memref_slice %arg3[%add3A_153, %dma_wait3A_269, %dma_wait3A_273] : memref<2049x1x1024xf32, #tpu.memory_space<hbm>> -> memref<16x1x1024xf32, #tpu.memory_space<hbm>>
    %dma_wait3A_275 = tpu.memref_squeeze %dma_wait3A_274 : memref<16x1x1024xf32, #tpu.memory_space<hbm>> -> memref<16x1024xf32, #tpu.memory_space<hbm>>
    tpu.wait_dma2 semaphore(%arg10 : memref<!tpu.dma_semaphore, #tpu.memory_space<semaphore_mem>>) src(%dma_wait3A_275 : memref<16x1024xf32, #tpu.memory_space<hbm>>) dst(%arg5 : memref<16x1024xf32, #tpu.memory_space<vmem>>)
    %add3A_276 = arith.constant 48 : i32
    %add3A_277 = arith.addi %mul3A_2, %add3A_276 : i32
    %dma_start3A_278 = arith.constant 0 : i32
    %dma_start3A_279 = arith.constant 0 : i32
    %dma_start3A_280 = tpu.memref_slice %arg3[%add3A_277, %dma_start3A_278, %dma_start3A_279] : memref<2049x1x1024xf32, #tpu.memory_space<hbm>> -> memref<16x1x1024xf32, #tpu.memory_space<hbm>>
    %dma_start3A_281 = tpu.memref_squeeze %dma_start3A_280 : memref<16x1x1024xf32, #tpu.memory_space<hbm>> -> memref<16x1024xf32, #tpu.memory_space<hbm>>
    %dma_start3A_282 = arith.constant 0 : i32
    %dma_start3A_283 = tpu.memref_slice %arg3[%add3A_277, %dma_start3A_278, %dma_start3A_282] : memref<2049x1x1024xf32, #tpu.memory_space<hbm>> -> memref<16x1x1024xf32, #tpu.memory_space<hbm>>
    %dma_start3A_284 = tpu.memref_squeeze %dma_start3A_283 : memref<16x1x1024xf32, #tpu.memory_space<hbm>> -> memref<16x1024xf32, #tpu.memory_space<hbm>>
    tpu.enqueue_dma source(%dma_start3A_284 : memref<16x1024xf32, #tpu.memory_space<hbm>>) target(%arg6 : memref<16x1024xf32, #tpu.memory_space<vmem>>) target_semaphore(%arg11 : memref<!tpu.dma_semaphore, #tpu.memory_space<semaphore_mem>>)
    %dma_wait3A_285 = arith.constant 0 : i32
    %dma_wait3A_286 = tpu.memref_slice %arg2[%add3A_237, %dma_wait3A_285] : memref<8192x1024xf32, #tpu.memory_space<hbm>> -> memref<16x1024xf32, #tpu.memory_space<hbm>>
    %dma_wait3A_287 = arith.constant 0 : i32
    %dma_wait3A_288 = tpu.memref_slice %arg2[%add3A_237, %dma_wait3A_287] : memref<8192x1024xf32, #tpu.memory_space<hbm>> -> memref<16x1024xf32, #tpu.memory_space<hbm>>
    tpu.wait_dma2 semaphore(%arg14 : memref<!tpu.dma_semaphore, #tpu.memory_space<semaphore_mem>>) src(%dma_wait3A_288 : memref<16x1024xf32, #tpu.memory_space<hbm>>) dst(%arg9 : memref<16x1024xf32, #tpu.memory_space<vmem>>)
    %parallel_loop3A_289 = arith.constant 0 : i32
    %parallel_loop3A_290 = arith.constant 16384 : i32
    %parallel_loop3A_291 = arith.constant 16 : i32
    scf.for %parallel_loop3A_496 = %parallel_loop3A_289 to %parallel_loop3A_290 step %parallel_loop3A_291  : i32 {
      %parallel_loop3A_497 = arith.constant 1024 : i32
      %parallel_loop3A_498 = arith.divsi %parallel_loop3A_496, %parallel_loop3A_497 : i32
      %parallel_loop3A_499 = arith.constant 0 : i32
      %parallel_loop3A_500 = arith.cmpi sgt, %parallel_loop3A_496, %parallel_loop3A_499 : i32
      %parallel_loop3A_501 = arith.extui %parallel_loop3A_500 : i1 to i32
      %parallel_loop3A_502 = arith.constant 0 : i32
      %parallel_loop3A_503 = arith.cmpi slt, %parallel_loop3A_496, %parallel_loop3A_502 : i32
      %parallel_loop3A_504 = arith.extui %parallel_loop3A_503 : i1 to i32
      %parallel_loop3A_505 = arith.subi %parallel_loop3A_501, %parallel_loop3A_504 : i32
      %parallel_loop3A_506 = arith.constant 0 : i32
      %parallel_loop3A_507 = arith.cmpi sgt, %parallel_loop3A_497, %parallel_loop3A_506 : i32
      %parallel_loop3A_508 = arith.extui %parallel_loop3A_507 : i1 to i32
      %parallel_loop3A_509 = arith.constant 0 : i32
      %parallel_loop3A_510 = arith.cmpi slt, %parallel_loop3A_497, %parallel_loop3A_509 : i32
      %parallel_loop3A_511 = arith.extui %parallel_loop3A_510 : i1 to i32
      %parallel_loop3A_512 = arith.subi %parallel_loop3A_508, %parallel_loop3A_511 : i32
      %parallel_loop3A_513 = arith.cmpi ne, %parallel_loop3A_505, %parallel_loop3A_512 : i32
      %parallel_loop3A_514 = arith.remsi %parallel_loop3A_496, %parallel_loop3A_497 : i32
      %parallel_loop3A_515 = arith.constant 0 : i32
      %parallel_loop3A_516 = arith.cmpi ne, %parallel_loop3A_514, %parallel_loop3A_515 : i32
      %parallel_loop3A_517 = arith.andi %parallel_loop3A_513, %parallel_loop3A_516 : i1
      %parallel_loop3A_518 = arith.constant 1 : i32
      %parallel_loop3A_519 = arith.subi %parallel_loop3A_498, %parallel_loop3A_518 : i32
      %parallel_loop3A_520 = arith.select %parallel_loop3A_517, %parallel_loop3A_519, %parallel_loop3A_498 : i32
      %parallel_loop3A_521 = arith.constant 1024 : i32
      %parallel_loop3A_522 = arith.constant 0 : i32
      %parallel_loop3A_523 = arith.cmpi eq, %parallel_loop3A_521, %parallel_loop3A_522 : i32
      %parallel_loop3A_524 = arith.constant 1 : i32
      %parallel_loop3A_525 = arith.select %parallel_loop3A_523, %parallel_loop3A_524, %parallel_loop3A_521 : i32
      %parallel_loop3A_526 = arith.remsi %parallel_loop3A_496, %parallel_loop3A_525 : i32
      %parallel_loop3A_527 = arith.constant 0 : i32
      %parallel_loop3A_528 = arith.cmpi ne, %parallel_loop3A_526, %parallel_loop3A_527 : i32
      %parallel_loop3A_529 = arith.constant 0 : i32
      %parallel_loop3A_530 = arith.cmpi slt, %parallel_loop3A_526, %parallel_loop3A_529 : i32
      %parallel_loop3A_531 = arith.constant 0 : i32
      %parallel_loop3A_532 = arith.cmpi slt, %parallel_loop3A_525, %parallel_loop3A_531 : i32
      %parallel_loop3A_533 = arith.xori %parallel_loop3A_530, %parallel_loop3A_532 : i1
      %parallel_loop3A_534 = arith.andi %parallel_loop3A_533, %parallel_loop3A_528 : i1
      %parallel_loop3A_535 = arith.addi %parallel_loop3A_526, %parallel_loop3A_525 : i32
      %parallel_loop3A_536 = arith.select %parallel_loop3A_534, %parallel_loop3A_535, %parallel_loop3A_526 : i32
      %parallel_loop3A_537 = arith.index_cast %parallel_loop3A_520 : i32 to index
      %parallel_loop3A_538 = arith.index_cast %parallel_loop3A_536 : i32 to index
      %parallel_loop3A_539 = tpu.vector_load %arg5[%parallel_loop3A_537, %parallel_loop3A_538] {strides = array<i32>} : memref<16x1024xf32, #tpu.memory_space<vmem>>, vector<1x16xf32>,
      %parallel_loop3A_540 = vector.shape_cast %parallel_loop3A_539 : vector<1x16xf32> to vector<16xf32>
      %parallel_loop3A_541 = arith.constant 2.000000e-03 : f32
      %parallel_loop3A_542 = vector.broadcast %parallel_loop3A_541 : f32 to vector<16xf32>
      %parallel_loop3A_543 = arith.mulf %parallel_loop3A_540, %parallel_loop3A_542 : vector<16xf32>
      %parallel_loop3A_544 = arith.index_cast %parallel_loop3A_520 : i32 to index
      %parallel_loop3A_545 = arith.index_cast %parallel_loop3A_536 : i32 to index
      %parallel_loop3A_546 = tpu.vector_load %arg5[%parallel_loop3A_544, %parallel_loop3A_545] {strides = array<i32>} : memref<16x1024xf32, #tpu.memory_space<vmem>>, vector<1x16xf32>,
      %parallel_loop3A_547 = vector.shape_cast %parallel_loop3A_546 : vector<1x16xf32> to vector<16xf32>
      %parallel_loop3A_548 = vector.shape_cast %parallel_loop3A_543 : vector<16xf32> to vector<1x16xf32>
      tpu.vector_store %arg5[%parallel_loop3A_544, %parallel_loop3A_545], %parallel_loop3A_548 {strides = array<i32>} : memref<16x1024xf32, #tpu.memory_space<vmem>>, vector<1x16xf32>,
      %parallel_loop3A_549 = arith.index_cast %parallel_loop3A_520 : i32 to index
      %parallel_loop3A_550 = arith.index_cast %parallel_loop3A_536 : i32 to index
      %parallel_loop3A_551 = tpu.vector_load %arg9[%parallel_loop3A_549, %parallel_loop3A_550] {strides = array<i32>} : memref<16x1024xf32, #tpu.memory_space<vmem>>, vector<1x16xf32>,
      %parallel_loop3A_552 = vector.shape_cast %parallel_loop3A_551 : vector<1x16xf32> to vector<16xf32>
      %parallel_loop3A_553 = vector.shape_cast %parallel_loop3A_543 : vector<16xf32> to vector<1x16xf32>
      tpu.vector_store %arg9[%parallel_loop3A_549, %parallel_loop3A_550], %parallel_loop3A_553 {add = true, strides = array<i32>} : memref<16x1024xf32, #tpu.memory_space<vmem>>, vector<1x16xf32>,
    } {sc.loop_unroll_factor = 8 : i64, sc.parallel_access}
    %add3A_292 = arith.constant 0 : i32
    %add3A_293 = arith.addi %add3A_292, %mul3A_2 : i32
    %add3A_294 = arith.constant 32 : i32
    %add3A_295 = arith.addi %add3A_293, %add3A_294 : i32
    %dma_start3A_296 = arith.constant 0 : i32
    %dma_start3A_297 = tpu.memref_slice %arg4[%add3A_295, %dma_start3A_296] : memref<8192x1024xf32, #tpu.memory_space<hbm>> -> memref<16x1024xf32, #tpu.memory_space<hbm>>
    %dma_start3A_298 = arith.constant 0 : i32
    %dma_start3A_299 = tpu.memref_slice %arg4[%add3A_295, %dma_start3A_298] : memref<8192x1024xf32, #tpu.memory_space<hbm>> -> memref<16x1024xf32, #tpu.memory_space<hbm>>
    tpu.enqueue_dma source(%arg9 : memref<16x1024xf32, #tpu.memory_space<vmem>>) target(%dma_start3A_299 : memref<16x1024xf32, #tpu.memory_space<hbm>>) target_semaphore(%arg17 : memref<!tpu.dma_semaphore, #tpu.memory_space<semaphore_mem>>)
    %dma_wait3A_300 = arith.constant 0 : i32
    %dma_wait3A_301 = tpu.memref_slice %arg4[%add3A_252, %dma_wait3A_300] : memref<8192x1024xf32, #tpu.memory_space<hbm>> -> memref<16x1024xf32, #tpu.memory_space<hbm>>
    %dma_wait3A_302 = arith.constant 0 : i32
    %dma_wait3A_303 = tpu.memref_slice %arg4[%add3A_252, %dma_wait3A_302] : memref<8192x1024xf32, #tpu.memory_space<hbm>> -> memref<16x1024xf32, #tpu.memory_space<hbm>>
    tpu.wait_dma2 semaphore(%arg16 : memref<!tpu.dma_semaphore, #tpu.memory_space<semaphore_mem>>) src(%arg8 : memref<16x1024xf32, #tpu.memory_space<vmem>>) dst(%dma_wait3A_303 : memref<16x1024xf32, #tpu.memory_space<hbm>>)
    %add3A_304 = arith.constant 4096 : i32
    %add3A_305 = arith.addi %add3A_304, %mul3A_2 : i32
    %add3A_306 = arith.constant 32 : i32
    %add3A_307 = arith.addi %add3A_305, %add3A_306 : i32
    %dma_start3A_308 = arith.constant 0 : i32
    %dma_start3A_309 = tpu.memref_slice %arg2[%add3A_307, %dma_start3A_308] : memref<8192x1024xf32, #tpu.memory_space<hbm>> -> memref<16x1024xf32, #tpu.memory_space<hbm>>
    %dma_start3A_310 = arith.constant 0 : i32
    %dma_start3A_311 = tpu.memref_slice %arg2[%add3A_307, %dma_start3A_310] : memref<8192x1024xf32, #tpu.memory_space<hbm>> -> memref<16x1024xf32, #tpu.memory_space<hbm>>
    tpu.enqueue_dma source(%dma_start3A_311 : memref<16x1024xf32, #tpu.memory_space<hbm>>) target(%arg8 : memref<16x1024xf32, #tpu.memory_space<vmem>>) target_semaphore(%arg13 : memref<!tpu.dma_semaphore, #tpu.memory_space<semaphore_mem>>)
    %dma_wait3A_312 = arith.constant 0 : i32
    %dma_wait3A_313 = tpu.memref_slice %arg2[%add3A_264, %dma_wait3A_312] : memref<8192x1024xf32, #tpu.memory_space<hbm>> -> memref<16x1024xf32, #tpu.memory_space<hbm>>
    %dma_wait3A_314 = arith.constant 0 : i32
    %dma_wait3A_315 = tpu.memref_slice %arg2[%add3A_264, %dma_wait3A_314] : memref<8192x1024xf32, #tpu.memory_space<hbm>> -> memref<16x1024xf32, #tpu.memory_space<hbm>>
    tpu.wait_dma2 semaphore(%arg12 : memref<!tpu.dma_semaphore, #tpu.memory_space<semaphore_mem>>) src(%dma_wait3A_315 : memref<16x1024xf32, #tpu.memory_space<hbm>>) dst(%arg7 : memref<16x1024xf32, #tpu.memory_space<vmem>>)
    %parallel_loop3A_316 = arith.constant 0 : i32
    %parallel_loop3A_317 = arith.constant 16384 : i32
    %parallel_loop3A_318 = arith.constant 16 : i32
    scf.for %parallel_loop3A_496 = %parallel_loop3A_316 to %parallel_loop3A_317 step %parallel_loop3A_318  : i32 {
      %parallel_loop3A_497 = arith.constant 1024 : i32
      %parallel_loop3A_498 = arith.divsi %parallel_loop3A_496, %parallel_loop3A_497 : i32
      %parallel_loop3A_499 = arith.constant 0 : i32
      %parallel_loop3A_500 = arith.cmpi sgt, %parallel_loop3A_496, %parallel_loop3A_499 : i32
      %parallel_loop3A_501 = arith.extui %parallel_loop3A_500 : i1 to i32
      %parallel_loop3A_502 = arith.constant 0 : i32
      %parallel_loop3A_503 = arith.cmpi slt, %parallel_loop3A_496, %parallel_loop3A_502 : i32
      %parallel_loop3A_504 = arith.extui %parallel_loop3A_503 : i1 to i32
      %parallel_loop3A_505 = arith.subi %parallel_loop3A_501, %parallel_loop3A_504 : i32
      %parallel_loop3A_506 = arith.constant 0 : i32
      %parallel_loop3A_507 = arith.cmpi sgt, %parallel_loop3A_497, %parallel_loop3A_506 : i32
      %parallel_loop3A_508 = arith.extui %parallel_loop3A_507 : i1 to i32
      %parallel_loop3A_509 = arith.constant 0 : i32
      %parallel_loop3A_510 = arith.cmpi slt, %parallel_loop3A_497, %parallel_loop3A_509 : i32
      %parallel_loop3A_511 = arith.extui %parallel_loop3A_510 : i1 to i32
      %parallel_loop3A_512 = arith.subi %parallel_loop3A_508, %parallel_loop3A_511 : i32
      %parallel_loop3A_513 = arith.cmpi ne, %parallel_loop3A_505, %parallel_loop3A_512 : i32
      %parallel_loop3A_514 = arith.remsi %parallel_loop3A_496, %parallel_loop3A_497 : i32
      %parallel_loop3A_515 = arith.constant 0 : i32
      %parallel_loop3A_516 = arith.cmpi ne, %parallel_loop3A_514, %parallel_loop3A_515 : i32
      %parallel_loop3A_517 = arith.andi %parallel_loop3A_513, %parallel_loop3A_516 : i1
      %parallel_loop3A_518 = arith.constant 1 : i32
      %parallel_loop3A_519 = arith.subi %parallel_loop3A_498, %parallel_loop3A_518 : i32
      %parallel_loop3A_520 = arith.select %parallel_loop3A_517, %parallel_loop3A_519, %parallel_loop3A_498 : i32
      %parallel_loop3A_521 = arith.constant 1024 : i32
      %parallel_loop3A_522 = arith.constant 0 : i32
      %parallel_loop3A_523 = arith.cmpi eq, %parallel_loop3A_521, %parallel_loop3A_522 : i32
      %parallel_loop3A_524 = arith.constant 1 : i32
      %parallel_loop3A_525 = arith.select %parallel_loop3A_523, %parallel_loop3A_524, %parallel_loop3A_521 : i32
      %parallel_loop3A_526 = arith.remsi %parallel_loop3A_496, %parallel_loop3A_525 : i32
      %parallel_loop3A_527 = arith.constant 0 : i32
      %parallel_loop3A_528 = arith.cmpi ne, %parallel_loop3A_526, %parallel_loop3A_527 : i32
      %parallel_loop3A_529 = arith.constant 0 : i32
      %parallel_loop3A_530 = arith.cmpi slt, %parallel_loop3A_526, %parallel_loop3A_529 : i32
      %parallel_loop3A_531 = arith.constant 0 : i32
      %parallel_loop3A_532 = arith.cmpi slt, %parallel_loop3A_525, %parallel_loop3A_531 : i32
      %parallel_loop3A_533 = arith.xori %parallel_loop3A_530, %parallel_loop3A_532 : i1
      %parallel_loop3A_534 = arith.andi %parallel_loop3A_533, %parallel_loop3A_528 : i1
      %parallel_loop3A_535 = arith.addi %parallel_loop3A_526, %parallel_loop3A_525 : i32
      %parallel_loop3A_536 = arith.select %parallel_loop3A_534, %parallel_loop3A_535, %parallel_loop3A_526 : i32
      %parallel_loop3A_537 = arith.index_cast %parallel_loop3A_520 : i32 to index
      %parallel_loop3A_538 = arith.index_cast %parallel_loop3A_536 : i32 to index
      %parallel_loop3A_539 = tpu.vector_load %arg5[%parallel_loop3A_537, %parallel_loop3A_538] {strides = array<i32>} : memref<16x1024xf32, #tpu.memory_space<vmem>>, vector<1x16xf32>,
      %parallel_loop3A_540 = vector.shape_cast %parallel_loop3A_539 : vector<1x16xf32> to vector<16xf32>
      %parallel_loop3A_541 = arith.index_cast %parallel_loop3A_520 : i32 to index
      %parallel_loop3A_542 = arith.index_cast %parallel_loop3A_536 : i32 to index
      %parallel_loop3A_543 = tpu.vector_load %arg7[%parallel_loop3A_541, %parallel_loop3A_542] {strides = array<i32>} : memref<16x1024xf32, #tpu.memory_space<vmem>>, vector<1x16xf32>,
      %parallel_loop3A_544 = vector.shape_cast %parallel_loop3A_543 : vector<1x16xf32> to vector<16xf32>
      %parallel_loop3A_545 = vector.shape_cast %parallel_loop3A_540 : vector<16xf32> to vector<1x16xf32>
      tpu.vector_store %arg7[%parallel_loop3A_541, %parallel_loop3A_542], %parallel_loop3A_545 {add = true, strides = array<i32>} : memref<16x1024xf32, #tpu.memory_space<vmem>>, vector<1x16xf32>,
    } {sc.loop_unroll_factor = 16 : i64, sc.parallel_access}
    %add3A_319 = arith.constant 2048 : i32
    %add3A_320 = arith.addi %add3A_319, %mul3A_2 : i32
    %add3A_321 = arith.constant 32 : i32
    %add3A_322 = arith.addi %add3A_320, %add3A_321 : i32
    %dma_start3A_323 = arith.constant 0 : i32
    %dma_start3A_324 = tpu.memref_slice %arg4[%add3A_322, %dma_start3A_323] : memref<8192x1024xf32, #tpu.memory_space<hbm>> -> memref<16x1024xf32, #tpu.memory_space<hbm>>
    %dma_start3A_325 = arith.constant 0 : i32
    %dma_start3A_326 = tpu.memref_slice %arg4[%add3A_322, %dma_start3A_325] : memref<8192x1024xf32, #tpu.memory_space<hbm>> -> memref<16x1024xf32, #tpu.memory_space<hbm>>
    tpu.enqueue_dma source(%arg7 : memref<16x1024xf32, #tpu.memory_space<vmem>>) target(%dma_start3A_326 : memref<16x1024xf32, #tpu.memory_space<hbm>>) target_semaphore(%arg15 : memref<!tpu.dma_semaphore, #tpu.memory_space<semaphore_mem>>)
    %dma_wait3A_327 = arith.constant 0 : i32
    %dma_wait3A_328 = tpu.memref_slice %arg4[%add3A_295, %dma_wait3A_327] : memref<8192x1024xf32, #tpu.memory_space<hbm>> -> memref<16x1024xf32, #tpu.memory_space<hbm>>
    %dma_wait3A_329 = arith.constant 0 : i32
    %dma_wait3A_330 = tpu.memref_slice %arg4[%add3A_295, %dma_wait3A_329] : memref<8192x1024xf32, #tpu.memory_space<hbm>> -> memref<16x1024xf32, #tpu.memory_space<hbm>>
    tpu.wait_dma2 semaphore(%arg17 : memref<!tpu.dma_semaphore, #tpu.memory_space<semaphore_mem>>) src(%arg9 : memref<16x1024xf32, #tpu.memory_space<vmem>>) dst(%dma_wait3A_330 : memref<16x1024xf32, #tpu.memory_space<hbm>>)
    %add3A_331 = arith.constant 6144 : i32
    %add3A_332 = arith.addi %add3A_331, %mul3A_2 : i32
    %add3A_333 = arith.constant 32 : i32
    %add3A_334 = arith.addi %add3A_332, %add3A_333 : i32
    %dma_start3A_335 = arith.constant 0 : i32
    %dma_start3A_336 = tpu.memref_slice %arg2[%add3A_334, %dma_start3A_335] : memref<8192x1024xf32, #tpu.memory_space<hbm>> -> memref<16x1024xf32, #tpu.memory_space<hbm>>
    %dma_start3A_337 = arith.constant 0 : i32
    %dma_start3A_338 = tpu.memref_slice %arg2[%add3A_334, %dma_start3A_337] : memref<8192x1024xf32, #tpu.memory_space<hbm>> -> memref<16x1024xf32, #tpu.memory_space<hbm>>
    tpu.enqueue_dma source(%dma_start3A_338 : memref<16x1024xf32, #tpu.memory_space<hbm>>) target(%arg9 : memref<16x1024xf32, #tpu.memory_space<vmem>>) target_semaphore(%arg14 : memref<!tpu.dma_semaphore, #tpu.memory_space<semaphore_mem>>)
    %dma_wait3A_339 = arith.constant 0 : i32
    %dma_wait3A_340 = tpu.memref_slice %arg2[%add3A_307, %dma_wait3A_339] : memref<8192x1024xf32, #tpu.memory_space<hbm>> -> memref<16x1024xf32, #tpu.memory_space<hbm>>
    %dma_wait3A_341 = arith.constant 0 : i32
    %dma_wait3A_342 = tpu.memref_slice %arg2[%add3A_307, %dma_wait3A_341] : memref<8192x1024xf32, #tpu.memory_space<hbm>> -> memref<16x1024xf32, #tpu.memory_space<hbm>>
    tpu.wait_dma2 semaphore(%arg13 : memref<!tpu.dma_semaphore, #tpu.memory_space<semaphore_mem>>) src(%dma_wait3A_342 : memref<16x1024xf32, #tpu.memory_space<hbm>>) dst(%arg8 : memref<16x1024xf32, #tpu.memory_space<vmem>>)
    %parallel_loop3A_343 = arith.constant 0 : i32
    %parallel_loop3A_344 = arith.constant 16384 : i32
    %parallel_loop3A_345 = arith.constant 16 : i32
    scf.for %parallel_loop3A_496 = %parallel_loop3A_343 to %parallel_loop3A_344 step %parallel_loop3A_345  : i32 {
      %parallel_loop3A_497 = arith.constant 1024 : i32
      %parallel_loop3A_498 = arith.divsi %parallel_loop3A_496, %parallel_loop3A_497 : i32
      %parallel_loop3A_499 = arith.constant 0 : i32
      %parallel_loop3A_500 = arith.cmpi sgt, %parallel_loop3A_496, %parallel_loop3A_499 : i32
      %parallel_loop3A_501 = arith.extui %parallel_loop3A_500 : i1 to i32
      %parallel_loop3A_502 = arith.constant 0 : i32
      %parallel_loop3A_503 = arith.cmpi slt, %parallel_loop3A_496, %parallel_loop3A_502 : i32
      %parallel_loop3A_504 = arith.extui %parallel_loop3A_503 : i1 to i32
      %parallel_loop3A_505 = arith.subi %parallel_loop3A_501, %parallel_loop3A_504 : i32
      %parallel_loop3A_506 = arith.constant 0 : i32
      %parallel_loop3A_507 = arith.cmpi sgt, %parallel_loop3A_497, %parallel_loop3A_506 : i32
      %parallel_loop3A_508 = arith.extui %parallel_loop3A_507 : i1 to i32
      %parallel_loop3A_509 = arith.constant 0 : i32
      %parallel_loop3A_510 = arith.cmpi slt, %parallel_loop3A_497, %parallel_loop3A_509 : i32
      %parallel_loop3A_511 = arith.extui %parallel_loop3A_510 : i1 to i32
      %parallel_loop3A_512 = arith.subi %parallel_loop3A_508, %parallel_loop3A_511 : i32
      %parallel_loop3A_513 = arith.cmpi ne, %parallel_loop3A_505, %parallel_loop3A_512 : i32
      %parallel_loop3A_514 = arith.remsi %parallel_loop3A_496, %parallel_loop3A_497 : i32
      %parallel_loop3A_515 = arith.constant 0 : i32
      %parallel_loop3A_516 = arith.cmpi ne, %parallel_loop3A_514, %parallel_loop3A_515 : i32
      %parallel_loop3A_517 = arith.andi %parallel_loop3A_513, %parallel_loop3A_516 : i1
      %parallel_loop3A_518 = arith.constant 1 : i32
      %parallel_loop3A_519 = arith.subi %parallel_loop3A_498, %parallel_loop3A_518 : i32
      %parallel_loop3A_520 = arith.select %parallel_loop3A_517, %parallel_loop3A_519, %parallel_loop3A_498 : i32
      %parallel_loop3A_521 = arith.constant 1024 : i32
      %parallel_loop3A_522 = arith.constant 0 : i32
      %parallel_loop3A_523 = arith.cmpi eq, %parallel_loop3A_521, %parallel_loop3A_522 : i32
      %parallel_loop3A_524 = arith.constant 1 : i32
      %parallel_loop3A_525 = arith.select %parallel_loop3A_523, %parallel_loop3A_524, %parallel_loop3A_521 : i32
      %parallel_loop3A_526 = arith.remsi %parallel_loop3A_496, %parallel_loop3A_525 : i32
      %parallel_loop3A_527 = arith.constant 0 : i32
      %parallel_loop3A_528 = arith.cmpi ne, %parallel_loop3A_526, %parallel_loop3A_527 : i32
      %parallel_loop3A_529 = arith.constant 0 : i32
      %parallel_loop3A_530 = arith.cmpi slt, %parallel_loop3A_526, %parallel_loop3A_529 : i32
      %parallel_loop3A_531 = arith.constant 0 : i32
      %parallel_loop3A_532 = arith.cmpi slt, %parallel_loop3A_525, %parallel_loop3A_531 : i32
      %parallel_loop3A_533 = arith.xori %parallel_loop3A_530, %parallel_loop3A_532 : i1
      %parallel_loop3A_534 = arith.andi %parallel_loop3A_533, %parallel_loop3A_528 : i1
      %parallel_loop3A_535 = arith.addi %parallel_loop3A_526, %parallel_loop3A_525 : i32
      %parallel_loop3A_536 = arith.select %parallel_loop3A_534, %parallel_loop3A_535, %parallel_loop3A_526 : i32
      %parallel_loop3A_537 = arith.index_cast %parallel_loop3A_520 : i32 to index
      %parallel_loop3A_538 = arith.index_cast %parallel_loop3A_536 : i32 to index
      %parallel_loop3A_539 = tpu.vector_load %arg5[%parallel_loop3A_537, %parallel_loop3A_538] {strides = array<i32>} : memref<16x1024xf32, #tpu.memory_space<vmem>>, vector<1x16xf32>,
      %parallel_loop3A_540 = vector.shape_cast %parallel_loop3A_539 : vector<1x16xf32> to vector<16xf32>
      %parallel_loop3A_541 = arith.index_cast %parallel_loop3A_520 : i32 to index
      %parallel_loop3A_542 = arith.index_cast %parallel_loop3A_536 : i32 to index
      %parallel_loop3A_543 = tpu.vector_load %arg8[%parallel_loop3A_541, %parallel_loop3A_542] {strides = array<i32>} : memref<16x1024xf32, #tpu.memory_space<vmem>>, vector<1x16xf32>,
      %parallel_loop3A_544 = vector.shape_cast %parallel_loop3A_543 : vector<1x16xf32> to vector<16xf32>
      %parallel_loop3A_545 = vector.shape_cast %parallel_loop3A_540 : vector<16xf32> to vector<1x16xf32>
      tpu.vector_store %arg8[%parallel_loop3A_541, %parallel_loop3A_542], %parallel_loop3A_545 {add = true, strides = array<i32>} : memref<16x1024xf32, #tpu.memory_space<vmem>>, vector<1x16xf32>,
    } {sc.loop_unroll_factor = 16 : i64, sc.parallel_access}
    %add3A_346 = arith.constant 4096 : i32
    %add3A_347 = arith.addi %add3A_346, %mul3A_2 : i32
    %add3A_348 = arith.constant 32 : i32
    %add3A_349 = arith.addi %add3A_347, %add3A_348 : i32
    %dma_start3A_350 = arith.constant 0 : i32
    %dma_start3A_351 = tpu.memref_slice %arg4[%add3A_349, %dma_start3A_350] : memref<8192x1024xf32, #tpu.memory_space<hbm>> -> memref<16x1024xf32, #tpu.memory_space<hbm>>
    %dma_start3A_352 = arith.constant 0 : i32
    %dma_start3A_353 = tpu.memref_slice %arg4[%add3A_349, %dma_start3A_352] : memref<8192x1024xf32, #tpu.memory_space<hbm>> -> memref<16x1024xf32, #tpu.memory_space<hbm>>
    tpu.enqueue_dma source(%arg8 : memref<16x1024xf32, #tpu.memory_space<vmem>>) target(%dma_start3A_353 : memref<16x1024xf32, #tpu.memory_space<hbm>>) target_semaphore(%arg16 : memref<!tpu.dma_semaphore, #tpu.memory_space<semaphore_mem>>)
    %dma_wait3A_354 = arith.constant 0 : i32
    %dma_wait3A_355 = tpu.memref_slice %arg4[%add3A_322, %dma_wait3A_354] : memref<8192x1024xf32, #tpu.memory_space<hbm>> -> memref<16x1024xf32, #tpu.memory_space<hbm>>
    %dma_wait3A_356 = arith.constant 0 : i32
    %dma_wait3A_357 = tpu.memref_slice %arg4[%add3A_322, %dma_wait3A_356] : memref<8192x1024xf32, #tpu.memory_space<hbm>> -> memref<16x1024xf32, #tpu.memory_space<hbm>>
    tpu.wait_dma2 semaphore(%arg15 : memref<!tpu.dma_semaphore, #tpu.memory_space<semaphore_mem>>) src(%arg7 : memref<16x1024xf32, #tpu.memory_space<vmem>>) dst(%dma_wait3A_357 : memref<16x1024xf32, #tpu.memory_space<hbm>>)
    %add3A_358 = arith.constant 0 : i32
    %add3A_359 = arith.addi %add3A_358, %mul3A_2 : i32
    %add3A_360 = arith.constant 48 : i32
    %add3A_361 = arith.addi %add3A_359, %add3A_360 : i32
    %dma_start3A_362 = arith.constant 0 : i32
    %dma_start3A_363 = tpu.memref_slice %arg2[%add3A_361, %dma_start3A_362] : memref<8192x1024xf32, #tpu.memory_space<hbm>> -> memref<16x1024xf32, #tpu.memory_space<hbm>>
    %dma_start3A_364 = arith.constant 0 : i32
    %dma_start3A_365 = tpu.memref_slice %arg2[%add3A_361, %dma_start3A_364] : memref<8192x1024xf32, #tpu.memory_space<hbm>> -> memref<16x1024xf32, #tpu.memory_space<hbm>>
    tpu.enqueue_dma source(%dma_start3A_365 : memref<16x1024xf32, #tpu.memory_space<hbm>>) target(%arg7 : memref<16x1024xf32, #tpu.memory_space<vmem>>) target_semaphore(%arg12 : memref<!tpu.dma_semaphore, #tpu.memory_space<semaphore_mem>>)
    %dma_wait3A_366 = arith.constant 0 : i32
    %dma_wait3A_367 = tpu.memref_slice %arg2[%add3A_334, %dma_wait3A_366] : memref<8192x1024xf32, #tpu.memory_space<hbm>> -> memref<16x1024xf32, #tpu.memory_space<hbm>>
    %dma_wait3A_368 = arith.constant 0 : i32
    %dma_wait3A_369 = tpu.memref_slice %arg2[%add3A_334, %dma_wait3A_368] : memref<8192x1024xf32, #tpu.memory_space<hbm>> -> memref<16x1024xf32, #tpu.memory_space<hbm>>
    tpu.wait_dma2 semaphore(%arg14 : memref<!tpu.dma_semaphore, #tpu.memory_space<semaphore_mem>>) src(%dma_wait3A_369 : memref<16x1024xf32, #tpu.memory_space<hbm>>) dst(%arg9 : memref<16x1024xf32, #tpu.memory_space<vmem>>)
    %parallel_loop3A_370 = arith.constant 0 : i32
    %parallel_loop3A_371 = arith.constant 16384 : i32
    %parallel_loop3A_372 = arith.constant 16 : i32
    scf.for %parallel_loop3A_496 = %parallel_loop3A_370 to %parallel_loop3A_371 step %parallel_loop3A_372  : i32 {
      %parallel_loop3A_497 = arith.constant 1024 : i32
      %parallel_loop3A_498 = arith.divsi %parallel_loop3A_496, %parallel_loop3A_497 : i32
      %parallel_loop3A_499 = arith.constant 0 : i32
      %parallel_loop3A_500 = arith.cmpi sgt, %parallel_loop3A_496, %parallel_loop3A_499 : i32
      %parallel_loop3A_501 = arith.extui %parallel_loop3A_500 : i1 to i32
      %parallel_loop3A_502 = arith.constant 0 : i32
      %parallel_loop3A_503 = arith.cmpi slt, %parallel_loop3A_496, %parallel_loop3A_502 : i32
      %parallel_loop3A_504 = arith.extui %parallel_loop3A_503 : i1 to i32
      %parallel_loop3A_505 = arith.subi %parallel_loop3A_501, %parallel_loop3A_504 : i32
      %parallel_loop3A_506 = arith.constant 0 : i32
      %parallel_loop3A_507 = arith.cmpi sgt, %parallel_loop3A_497, %parallel_loop3A_506 : i32
      %parallel_loop3A_508 = arith.extui %parallel_loop3A_507 : i1 to i32
      %parallel_loop3A_509 = arith.constant 0 : i32
      %parallel_loop3A_510 = arith.cmpi slt, %parallel_loop3A_497, %parallel_loop3A_509 : i32
      %parallel_loop3A_511 = arith.extui %parallel_loop3A_510 : i1 to i32
      %parallel_loop3A_512 = arith.subi %parallel_loop3A_508, %parallel_loop3A_511 : i32
      %parallel_loop3A_513 = arith.cmpi ne, %parallel_loop3A_505, %parallel_loop3A_512 : i32
      %parallel_loop3A_514 = arith.remsi %parallel_loop3A_496, %parallel_loop3A_497 : i32
      %parallel_loop3A_515 = arith.constant 0 : i32
      %parallel_loop3A_516 = arith.cmpi ne, %parallel_loop3A_514, %parallel_loop3A_515 : i32
      %parallel_loop3A_517 = arith.andi %parallel_loop3A_513, %parallel_loop3A_516 : i1
      %parallel_loop3A_518 = arith.constant 1 : i32
      %parallel_loop3A_519 = arith.subi %parallel_loop3A_498, %parallel_loop3A_518 : i32
      %parallel_loop3A_520 = arith.select %parallel_loop3A_517, %parallel_loop3A_519, %parallel_loop3A_498 : i32
      %parallel_loop3A_521 = arith.constant 1024 : i32
      %parallel_loop3A_522 = arith.constant 0 : i32
      %parallel_loop3A_523 = arith.cmpi eq, %parallel_loop3A_521, %parallel_loop3A_522 : i32
      %parallel_loop3A_524 = arith.constant 1 : i32
      %parallel_loop3A_525 = arith.select %parallel_loop3A_523, %parallel_loop3A_524, %parallel_loop3A_521 : i32
      %parallel_loop3A_526 = arith.remsi %parallel_loop3A_496, %parallel_loop3A_525 : i32
      %parallel_loop3A_527 = arith.constant 0 : i32
      %parallel_loop3A_528 = arith.cmpi ne, %parallel_loop3A_526, %parallel_loop3A_527 : i32
      %parallel_loop3A_529 = arith.constant 0 : i32
      %parallel_loop3A_530 = arith.cmpi slt, %parallel_loop3A_526, %parallel_loop3A_529 : i32
      %parallel_loop3A_531 = arith.constant 0 : i32
      %parallel_loop3A_532 = arith.cmpi slt, %parallel_loop3A_525, %parallel_loop3A_531 : i32
      %parallel_loop3A_533 = arith.xori %parallel_loop3A_530, %parallel_loop3A_532 : i1
      %parallel_loop3A_534 = arith.andi %parallel_loop3A_533, %parallel_loop3A_528 : i1
      %parallel_loop3A_535 = arith.addi %parallel_loop3A_526, %parallel_loop3A_525 : i32
      %parallel_loop3A_536 = arith.select %parallel_loop3A_534, %parallel_loop3A_535, %parallel_loop3A_526 : i32
      %parallel_loop3A_537 = arith.index_cast %parallel_loop3A_520 : i32 to index
      %parallel_loop3A_538 = arith.index_cast %parallel_loop3A_536 : i32 to index
      %parallel_loop3A_539 = tpu.vector_load %arg5[%parallel_loop3A_537, %parallel_loop3A_538] {strides = array<i32>} : memref<16x1024xf32, #tpu.memory_space<vmem>>, vector<1x16xf32>,
      %parallel_loop3A_540 = vector.shape_cast %parallel_loop3A_539 : vector<1x16xf32> to vector<16xf32>
      %parallel_loop3A_541 = arith.index_cast %parallel_loop3A_520 : i32 to index
      %parallel_loop3A_542 = arith.index_cast %parallel_loop3A_536 : i32 to index
      %parallel_loop3A_543 = tpu.vector_load %arg9[%parallel_loop3A_541, %parallel_loop3A_542] {strides = array<i32>} : memref<16x1024xf32, #tpu.memory_space<vmem>>, vector<1x16xf32>,
      %parallel_loop3A_544 = vector.shape_cast %parallel_loop3A_543 : vector<1x16xf32> to vector<16xf32>
      %parallel_loop3A_545 = vector.shape_cast %parallel_loop3A_540 : vector<16xf32> to vector<1x16xf32>
      tpu.vector_store %arg9[%parallel_loop3A_541, %parallel_loop3A_542], %parallel_loop3A_545 {add = true, strides = array<i32>} : memref<16x1024xf32, #tpu.memory_space<vmem>>, vector<1x16xf32>,
    } {sc.loop_unroll_factor = 16 : i64, sc.parallel_access}
    %add3A_373 = arith.constant 6144 : i32
    %add3A_374 = arith.addi %add3A_373, %mul3A_2 : i32
    %add3A_375 = arith.constant 32 : i32
    %add3A_376 = arith.addi %add3A_374, %add3A_375 : i32
    %dma_start3A_377 = arith.constant 0 : i32
    %dma_start3A_378 = tpu.memref_slice %arg4[%add3A_376, %dma_start3A_377] : memref<8192x1024xf32, #tpu.memory_space<hbm>> -> memref<16x1024xf32, #tpu.memory_space<hbm>>
    %dma_start3A_379 = arith.constant 0 : i32
    %dma_start3A_380 = tpu.memref_slice %arg4[%add3A_376, %dma_start3A_379] : memref<8192x1024xf32, #tpu.memory_space<hbm>> -> memref<16x1024xf32, #tpu.memory_space<hbm>>
    tpu.enqueue_dma source(%arg9 : memref<16x1024xf32, #tpu.memory_space<vmem>>) target(%dma_start3A_380 : memref<16x1024xf32, #tpu.memory_space<hbm>>) target_semaphore(%arg17 : memref<!tpu.dma_semaphore, #tpu.memory_space<semaphore_mem>>)
    %dma_wait3A_381 = arith.constant 0 : i32
    %dma_wait3A_382 = tpu.memref_slice %arg4[%add3A_349, %dma_wait3A_381] : memref<8192x1024xf32, #tpu.memory_space<hbm>> -> memref<16x1024xf32, #tpu.memory_space<hbm>>
    %dma_wait3A_383 = arith.constant 0 : i32
    %dma_wait3A_384 = tpu.memref_slice %arg4[%add3A_349, %dma_wait3A_383] : memref<8192x1024xf32, #tpu.memory_space<hbm>> -> memref<16x1024xf32, #tpu.memory_space<hbm>>
    tpu.wait_dma2 semaphore(%arg16 : memref<!tpu.dma_semaphore, #tpu.memory_space<semaphore_mem>>) src(%arg8 : memref<16x1024xf32, #tpu.memory_space<vmem>>) dst(%dma_wait3A_384 : memref<16x1024xf32, #tpu.memory_space<hbm>>)
    %add3A_385 = arith.constant 2048 : i32
    %add3A_386 = arith.addi %add3A_385, %mul3A_2 : i32
    %add3A_387 = arith.constant 48 : i32
    %add3A_388 = arith.addi %add3A_386, %add3A_387 : i32
    %dma_start3A_389 = arith.constant 0 : i32
    %dma_start3A_390 = tpu.memref_slice %arg2[%add3A_388, %dma_start3A_389] : memref<8192x1024xf32, #tpu.memory_space<hbm>> -> memref<16x1024xf32, #tpu.memory_space<hbm>>
    %dma_start3A_391 = arith.constant 0 : i32
    %dma_start3A_392 = tpu.memref_slice %arg2[%add3A_388, %dma_start3A_391] : memref<8192x1024xf32, #tpu.memory_space<hbm>> -> memref<16x1024xf32, #tpu.memory_space<hbm>>
    tpu.enqueue_dma source(%dma_start3A_392 : memref<16x1024xf32, #tpu.memory_space<hbm>>) target(%arg8 : memref<16x1024xf32, #tpu.memory_space<vmem>>) target_semaphore(%arg13 : memref<!tpu.dma_semaphore, #tpu.memory_space<semaphore_mem>>)
    %dma_wait3A_393 = arith.constant 0 : i32
    %dma_wait3A_394 = arith.constant 0 : i32
    %dma_wait3A_395 = tpu.memref_slice %arg3[%add3A_277, %dma_wait3A_393, %dma_wait3A_394] : memref<2049x1x1024xf32, #tpu.memory_space<hbm>> -> memref<16x1x1024xf32, #tpu.memory_space<hbm>>
    %dma_wait3A_396 = tpu.memref_squeeze %dma_wait3A_395 : memref<16x1x1024xf32, #tpu.memory_space<hbm>> -> memref<16x1024xf32, #tpu.memory_space<hbm>>
    %dma_wait3A_397 = arith.constant 0 : i32
    %dma_wait3A_398 = tpu.memref_slice %arg3[%add3A_277, %dma_wait3A_393, %dma_wait3A_397] : memref<2049x1x1024xf32, #tpu.memory_space<hbm>> -> memref<16x1x1024xf32, #tpu.memory_space<hbm>>
    %dma_wait3A_399 = tpu.memref_squeeze %dma_wait3A_398 : memref<16x1x1024xf32, #tpu.memory_space<hbm>> -> memref<16x1024xf32, #tpu.memory_space<hbm>>
    tpu.wait_dma2 semaphore(%arg11 : memref<!tpu.dma_semaphore, #tpu.memory_space<semaphore_mem>>) src(%dma_wait3A_399 : memref<16x1024xf32, #tpu.memory_space<hbm>>) dst(%arg6 : memref<16x1024xf32, #tpu.memory_space<vmem>>)
    %dma_wait3A_400 = arith.constant 0 : i32
    %dma_wait3A_401 = tpu.memref_slice %arg2[%add3A_361, %dma_wait3A_400] : memref<8192x1024xf32, #tpu.memory_space<hbm>> -> memref<16x1024xf32, #tpu.memory_space<hbm>>
    %dma_wait3A_402 = arith.constant 0 : i32
    %dma_wait3A_403 = tpu.memref_slice %arg2[%add3A_361, %dma_wait3A_402] : memref<8192x1024xf32, #tpu.memory_space<hbm>> -> memref<16x1024xf32, #tpu.memory_space<hbm>>
    tpu.wait_dma2 semaphore(%arg12 : memref<!tpu.dma_semaphore, #tpu.memory_space<semaphore_mem>>) src(%dma_wait3A_403 : memref<16x1024xf32, #tpu.memory_space<hbm>>) dst(%arg7 : memref<16x1024xf32, #tpu.memory_space<vmem>>)
    %parallel_loop3A_404 = arith.constant 0 : i32
    %parallel_loop3A_405 = arith.constant 16384 : i32
    %parallel_loop3A_406 = arith.constant 16 : i32
    scf.for %parallel_loop3A_496 = %parallel_loop3A_404 to %parallel_loop3A_405 step %parallel_loop3A_406  : i32 {
      %parallel_loop3A_497 = arith.constant 1024 : i32
      %parallel_loop3A_498 = arith.divsi %parallel_loop3A_496, %parallel_loop3A_497 : i32
      %parallel_loop3A_499 = arith.constant 0 : i32
      %parallel_loop3A_500 = arith.cmpi sgt, %parallel_loop3A_496, %parallel_loop3A_499 : i32
      %parallel_loop3A_501 = arith.extui %parallel_loop3A_500 : i1 to i32
      %parallel_loop3A_502 = arith.constant 0 : i32
      %parallel_loop3A_503 = arith.cmpi slt, %parallel_loop3A_496, %parallel_loop3A_502 : i32
      %parallel_loop3A_504 = arith.extui %parallel_loop3A_503 : i1 to i32
      %parallel_loop3A_505 = arith.subi %parallel_loop3A_501, %parallel_loop3A_504 : i32
      %parallel_loop3A_506 = arith.constant 0 : i32
      %parallel_loop3A_507 = arith.cmpi sgt, %parallel_loop3A_497, %parallel_loop3A_506 : i32
      %parallel_loop3A_508 = arith.extui %parallel_loop3A_507 : i1 to i32
      %parallel_loop3A_509 = arith.constant 0 : i32
      %parallel_loop3A_510 = arith.cmpi slt, %parallel_loop3A_497, %parallel_loop3A_509 : i32
      %parallel_loop3A_511 = arith.extui %parallel_loop3A_510 : i1 to i32
      %parallel_loop3A_512 = arith.subi %parallel_loop3A_508, %parallel_loop3A_511 : i32
      %parallel_loop3A_513 = arith.cmpi ne, %parallel_loop3A_505, %parallel_loop3A_512 : i32
      %parallel_loop3A_514 = arith.remsi %parallel_loop3A_496, %parallel_loop3A_497 : i32
      %parallel_loop3A_515 = arith.constant 0 : i32
      %parallel_loop3A_516 = arith.cmpi ne, %parallel_loop3A_514, %parallel_loop3A_515 : i32
      %parallel_loop3A_517 = arith.andi %parallel_loop3A_513, %parallel_loop3A_516 : i1
      %parallel_loop3A_518 = arith.constant 1 : i32
      %parallel_loop3A_519 = arith.subi %parallel_loop3A_498, %parallel_loop3A_518 : i32
      %parallel_loop3A_520 = arith.select %parallel_loop3A_517, %parallel_loop3A_519, %parallel_loop3A_498 : i32
      %parallel_loop3A_521 = arith.constant 1024 : i32
      %parallel_loop3A_522 = arith.constant 0 : i32
      %parallel_loop3A_523 = arith.cmpi eq, %parallel_loop3A_521, %parallel_loop3A_522 : i32
      %parallel_loop3A_524 = arith.constant 1 : i32
      %parallel_loop3A_525 = arith.select %parallel_loop3A_523, %parallel_loop3A_524, %parallel_loop3A_521 : i32
      %parallel_loop3A_526 = arith.remsi %parallel_loop3A_496, %parallel_loop3A_525 : i32
      %parallel_loop3A_527 = arith.constant 0 : i32
      %parallel_loop3A_528 = arith.cmpi ne, %parallel_loop3A_526, %parallel_loop3A_527 : i32
      %parallel_loop3A_529 = arith.constant 0 : i32
      %parallel_loop3A_530 = arith.cmpi slt, %parallel_loop3A_526, %parallel_loop3A_529 : i32
      %parallel_loop3A_531 = arith.constant 0 : i32
      %parallel_loop3A_532 = arith.cmpi slt, %parallel_loop3A_525, %parallel_loop3A_531 : i32
      %parallel_loop3A_533 = arith.xori %parallel_loop3A_530, %parallel_loop3A_532 : i1
      %parallel_loop3A_534 = arith.andi %parallel_loop3A_533, %parallel_loop3A_528 : i1
      %parallel_loop3A_535 = arith.addi %parallel_loop3A_526, %parallel_loop3A_525 : i32
      %parallel_loop3A_536 = arith.select %parallel_loop3A_534, %parallel_loop3A_535, %parallel_loop3A_526 : i32
      %parallel_loop3A_537 = arith.index_cast %parallel_loop3A_520 : i32 to index
      %parallel_loop3A_538 = arith.index_cast %parallel_loop3A_536 : i32 to index
      %parallel_loop3A_539 = tpu.vector_load %arg6[%parallel_loop3A_537, %parallel_loop3A_538] {strides = array<i32>} : memref<16x1024xf32, #tpu.memory_space<vmem>>, vector<1x16xf32>,
      %parallel_loop3A_540 = vector.shape_cast %parallel_loop3A_539 : vector<1x16xf32> to vector<16xf32>
      %parallel_loop3A_541 = arith.constant 2.000000e-03 : f32
      %parallel_loop3A_542 = vector.broadcast %parallel_loop3A_541 : f32 to vector<16xf32>
      %parallel_loop3A_543 = arith.mulf %parallel_loop3A_540, %parallel_loop3A_542 : vector<16xf32>
      %parallel_loop3A_544 = arith.index_cast %parallel_loop3A_520 : i32 to index
      %parallel_loop3A_545 = arith.index_cast %parallel_loop3A_536 : i32 to index
      %parallel_loop3A_546 = tpu.vector_load %arg6[%parallel_loop3A_544, %parallel_loop3A_545] {strides = array<i32>} : memref<16x1024xf32, #tpu.memory_space<vmem>>, vector<1x16xf32>,
      %parallel_loop3A_547 = vector.shape_cast %parallel_loop3A_546 : vector<1x16xf32> to vector<16xf32>
      %parallel_loop3A_548 = vector.shape_cast %parallel_loop3A_543 : vector<16xf32> to vector<1x16xf32>
      tpu.vector_store %arg6[%parallel_loop3A_544, %parallel_loop3A_545], %parallel_loop3A_548 {strides = array<i32>} : memref<16x1024xf32, #tpu.memory_space<vmem>>, vector<1x16xf32>,
      %parallel_loop3A_549 = arith.index_cast %parallel_loop3A_520 : i32 to index
      %parallel_loop3A_550 = arith.index_cast %parallel_loop3A_536 : i32 to index
      %parallel_loop3A_551 = tpu.vector_load %arg7[%parallel_loop3A_549, %parallel_loop3A_550] {strides = array<i32>} : memref<16x1024xf32, #tpu.memory_space<vmem>>, vector<1x16xf32>,
      %parallel_loop3A_552 = vector.shape_cast %parallel_loop3A_551 : vector<1x16xf32> to vector<16xf32>
      %parallel_loop3A_553 = vector.shape_cast %parallel_loop3A_543 : vector<16xf32> to vector<1x16xf32>
      tpu.vector_store %arg7[%parallel_loop3A_549, %parallel_loop3A_550], %parallel_loop3A_553 {add = true, strides = array<i32>} : memref<16x1024xf32, #tpu.memory_space<vmem>>, vector<1x16xf32>,
    } {sc.loop_unroll_factor = 8 : i64, sc.parallel_access}
    %add3A_407 = arith.constant 0 : i32
    %add3A_408 = arith.addi %add3A_407, %mul3A_2 : i32
    %add3A_409 = arith.constant 48 : i32
    %add3A_410 = arith.addi %add3A_408, %add3A_409 : i32
    %dma_start3A_411 = arith.constant 0 : i32
    %dma_start3A_412 = tpu.memref_slice %arg4[%add3A_410, %dma_start3A_411] : memref<8192x1024xf32, #tpu.memory_space<hbm>> -> memref<16x1024xf32, #tpu.memory_space<hbm>>
    %dma_start3A_413 = arith.constant 0 : i32
    %dma_start3A_414 = tpu.memref_slice %arg4[%add3A_410, %dma_start3A_413] : memref<8192x1024xf32, #tpu.memory_space<hbm>> -> memref<16x1024xf32, #tpu.memory_space<hbm>>
    tpu.enqueue_dma source(%arg7 : memref<16x1024xf32, #tpu.memory_space<vmem>>) target(%dma_start3A_414 : memref<16x1024xf32, #tpu.memory_space<hbm>>) target_semaphore(%arg15 : memref<!tpu.dma_semaphore, #tpu.memory_space<semaphore_mem>>)
    %dma_wait3A_415 = arith.constant 0 : i32
    %dma_wait3A_416 = tpu.memref_slice %arg4[%add3A_376, %dma_wait3A_415] : memref<8192x1024xf32, #tpu.memory_space<hbm>> -> memref<16x1024xf32, #tpu.memory_space<hbm>>
    %dma_wait3A_417 = arith.constant 0 : i32
    %dma_wait3A_418 = tpu.memref_slice %arg4[%add3A_376, %dma_wait3A_417] : memref<8192x1024xf32, #tpu.memory_space<hbm>> -> memref<16x1024xf32, #tpu.memory_space<hbm>>
    tpu.wait_dma2 semaphore(%arg17 : memref<!tpu.dma_semaphore, #tpu.memory_space<semaphore_mem>>) src(%arg9 : memref<16x1024xf32, #tpu.memory_space<vmem>>) dst(%dma_wait3A_418 : memref<16x1024xf32, #tpu.memory_space<hbm>>)
    %add3A_419 = arith.constant 4096 : i32
    %add3A_420 = arith.addi %add3A_419, %mul3A_2 : i32
    %add3A_421 = arith.constant 48 : i32
    %add3A_422 = arith.addi %add3A_420, %add3A_421 : i32
    %dma_start3A_423 = arith.constant 0 : i32
    %dma_start3A_424 = tpu.memref_slice %arg2[%add3A_422, %dma_start3A_423] : memref<8192x1024xf32, #tpu.memory_space<hbm>> -> memref<16x1024xf32, #tpu.memory_space<hbm>>
    %dma_start3A_425 = arith.constant 0 : i32
    %dma_start3A_426 = tpu.memref_slice %arg2[%add3A_422, %dma_start3A_425] : memref<8192x1024xf32, #tpu.memory_space<hbm>> -> memref<16x1024xf32, #tpu.memory_space<hbm>>
    tpu.enqueue_dma source(%dma_start3A_426 : memref<16x1024xf32, #tpu.memory_space<hbm>>) target(%arg9 : memref<16x1024xf32, #tpu.memory_space<vmem>>) target_semaphore(%arg14 : memref<!tpu.dma_semaphore, #tpu.memory_space<semaphore_mem>>)
    %dma_wait3A_427 = arith.constant 0 : i32
    %dma_wait3A_428 = tpu.memref_slice %arg2[%add3A_388, %dma_wait3A_427] : memref<8192x1024xf32, #tpu.memory_space<hbm>> -> memref<16x1024xf32, #tpu.memory_space<hbm>>
    %dma_wait3A_429 = arith.constant 0 : i32
    %dma_wait3A_430 = tpu.memref_slice %arg2[%add3A_388, %dma_wait3A_429] : memref<8192x1024xf32, #tpu.memory_space<hbm>> -> memref<16x1024xf32, #tpu.memory_space<hbm>>
    tpu.wait_dma2 semaphore(%arg13 : memref<!tpu.dma_semaphore, #tpu.memory_space<semaphore_mem>>) src(%dma_wait3A_430 : memref<16x1024xf32, #tpu.memory_space<hbm>>) dst(%arg8 : memref<16x1024xf32, #tpu.memory_space<vmem>>)
    %parallel_loop3A_431 = arith.constant 0 : i32
    %parallel_loop3A_432 = arith.constant 16384 : i32
    %parallel_loop3A_433 = arith.constant 16 : i32
    scf.for %parallel_loop3A_496 = %parallel_loop3A_431 to %parallel_loop3A_432 step %parallel_loop3A_433  : i32 {
      %parallel_loop3A_497 = arith.constant 1024 : i32
      %parallel_loop3A_498 = arith.divsi %parallel_loop3A_496, %parallel_loop3A_497 : i32
      %parallel_loop3A_499 = arith.constant 0 : i32
      %parallel_loop3A_500 = arith.cmpi sgt, %parallel_loop3A_496, %parallel_loop3A_499 : i32
      %parallel_loop3A_501 = arith.extui %parallel_loop3A_500 : i1 to i32
      %parallel_loop3A_502 = arith.constant 0 : i32
      %parallel_loop3A_503 = arith.cmpi slt, %parallel_loop3A_496, %parallel_loop3A_502 : i32
      %parallel_loop3A_504 = arith.extui %parallel_loop3A_503 : i1 to i32
      %parallel_loop3A_505 = arith.subi %parallel_loop3A_501, %parallel_loop3A_504 : i32
      %parallel_loop3A_506 = arith.constant 0 : i32
      %parallel_loop3A_507 = arith.cmpi sgt, %parallel_loop3A_497, %parallel_loop3A_506 : i32
      %parallel_loop3A_508 = arith.extui %parallel_loop3A_507 : i1 to i32
      %parallel_loop3A_509 = arith.constant 0 : i32
      %parallel_loop3A_510 = arith.cmpi slt, %parallel_loop3A_497, %parallel_loop3A_509 : i32
      %parallel_loop3A_511 = arith.extui %parallel_loop3A_510 : i1 to i32
      %parallel_loop3A_512 = arith.subi %parallel_loop3A_508, %parallel_loop3A_511 : i32
      %parallel_loop3A_513 = arith.cmpi ne, %parallel_loop3A_505, %parallel_loop3A_512 : i32
      %parallel_loop3A_514 = arith.remsi %parallel_loop3A_496, %parallel_loop3A_497 : i32
      %parallel_loop3A_515 = arith.constant 0 : i32
      %parallel_loop3A_516 = arith.cmpi ne, %parallel_loop3A_514, %parallel_loop3A_515 : i32
      %parallel_loop3A_517 = arith.andi %parallel_loop3A_513, %parallel_loop3A_516 : i1
      %parallel_loop3A_518 = arith.constant 1 : i32
      %parallel_loop3A_519 = arith.subi %parallel_loop3A_498, %parallel_loop3A_518 : i32
      %parallel_loop3A_520 = arith.select %parallel_loop3A_517, %parallel_loop3A_519, %parallel_loop3A_498 : i32
      %parallel_loop3A_521 = arith.constant 1024 : i32
      %parallel_loop3A_522 = arith.constant 0 : i32
      %parallel_loop3A_523 = arith.cmpi eq, %parallel_loop3A_521, %parallel_loop3A_522 : i32
      %parallel_loop3A_524 = arith.constant 1 : i32
      %parallel_loop3A_525 = arith.select %parallel_loop3A_523, %parallel_loop3A_524, %parallel_loop3A_521 : i32
      %parallel_loop3A_526 = arith.remsi %parallel_loop3A_496, %parallel_loop3A_525 : i32
      %parallel_loop3A_527 = arith.constant 0 : i32
      %parallel_loop3A_528 = arith.cmpi ne, %parallel_loop3A_526, %parallel_loop3A_527 : i32
      %parallel_loop3A_529 = arith.constant 0 : i32
      %parallel_loop3A_530 = arith.cmpi slt, %parallel_loop3A_526, %parallel_loop3A_529 : i32
      %parallel_loop3A_531 = arith.constant 0 : i32
      %parallel_loop3A_532 = arith.cmpi slt, %parallel_loop3A_525, %parallel_loop3A_531 : i32
      %parallel_loop3A_533 = arith.xori %parallel_loop3A_530, %parallel_loop3A_532 : i1
      %parallel_loop3A_534 = arith.andi %parallel_loop3A_533, %parallel_loop3A_528 : i1
      %parallel_loop3A_535 = arith.addi %parallel_loop3A_526, %parallel_loop3A_525 : i32
      %parallel_loop3A_536 = arith.select %parallel_loop3A_534, %parallel_loop3A_535, %parallel_loop3A_526 : i32
      %parallel_loop3A_537 = arith.index_cast %parallel_loop3A_520 : i32 to index
      %parallel_loop3A_538 = arith.index_cast %parallel_loop3A_536 : i32 to index
      %parallel_loop3A_539 = tpu.vector_load %arg6[%parallel_loop3A_537, %parallel_loop3A_538] {strides = array<i32>} : memref<16x1024xf32, #tpu.memory_space<vmem>>, vector<1x16xf32>,
      %parallel_loop3A_540 = vector.shape_cast %parallel_loop3A_539 : vector<1x16xf32> to vector<16xf32>
      %parallel_loop3A_541 = arith.index_cast %parallel_loop3A_520 : i32 to index
      %parallel_loop3A_542 = arith.index_cast %parallel_loop3A_536 : i32 to index
      %parallel_loop3A_543 = tpu.vector_load %arg8[%parallel_loop3A_541, %parallel_loop3A_542] {strides = array<i32>} : memref<16x1024xf32, #tpu.memory_space<vmem>>, vector<1x16xf32>,
      %parallel_loop3A_544 = vector.shape_cast %parallel_loop3A_543 : vector<1x16xf32> to vector<16xf32>
      %parallel_loop3A_545 = vector.shape_cast %parallel_loop3A_540 : vector<16xf32> to vector<1x16xf32>
      tpu.vector_store %arg8[%parallel_loop3A_541, %parallel_loop3A_542], %parallel_loop3A_545 {add = true, strides = array<i32>} : memref<16x1024xf32, #tpu.memory_space<vmem>>, vector<1x16xf32>,
    } {sc.loop_unroll_factor = 16 : i64, sc.parallel_access}
    %add3A_434 = arith.constant 2048 : i32
    %add3A_435 = arith.addi %add3A_434, %mul3A_2 : i32
    %add3A_436 = arith.constant 48 : i32
    %add3A_437 = arith.addi %add3A_435, %add3A_436 : i32
    %dma_start3A_438 = arith.constant 0 : i32
    %dma_start3A_439 = tpu.memref_slice %arg4[%add3A_437, %dma_start3A_438] : memref<8192x1024xf32, #tpu.memory_space<hbm>> -> memref<16x1024xf32, #tpu.memory_space<hbm>>
    %dma_start3A_440 = arith.constant 0 : i32
    %dma_start3A_441 = tpu.memref_slice %arg4[%add3A_437, %dma_start3A_440] : memref<8192x1024xf32, #tpu.memory_space<hbm>> -> memref<16x1024xf32, #tpu.memory_space<hbm>>
    tpu.enqueue_dma source(%arg8 : memref<16x1024xf32, #tpu.memory_space<vmem>>) target(%dma_start3A_441 : memref<16x1024xf32, #tpu.memory_space<hbm>>) target_semaphore(%arg16 : memref<!tpu.dma_semaphore, #tpu.memory_space<semaphore_mem>>)
    %dma_wait3A_442 = arith.constant 0 : i32
    %dma_wait3A_443 = tpu.memref_slice %arg4[%add3A_410, %dma_wait3A_442] : memref<8192x1024xf32, #tpu.memory_space<hbm>> -> memref<16x1024xf32, #tpu.memory_space<hbm>>
    %dma_wait3A_444 = arith.constant 0 : i32
    %dma_wait3A_445 = tpu.memref_slice %arg4[%add3A_410, %dma_wait3A_444] : memref<8192x1024xf32, #tpu.memory_space<hbm>> -> memref<16x1024xf32, #tpu.memory_space<hbm>>
    tpu.wait_dma2 semaphore(%arg15 : memref<!tpu.dma_semaphore, #tpu.memory_space<semaphore_mem>>) src(%arg7 : memref<16x1024xf32, #tpu.memory_space<vmem>>) dst(%dma_wait3A_445 : memref<16x1024xf32, #tpu.memory_space<hbm>>)
    %add3A_446 = arith.constant 6144 : i32
    %add3A_447 = arith.addi %add3A_446, %mul3A_2 : i32
    %add3A_448 = arith.constant 48 : i32
    %add3A_449 = arith.addi %add3A_447, %add3A_448 : i32
    %dma_start3A_450 = arith.constant 0 : i32
    %dma_start3A_451 = tpu.memref_slice %arg2[%add3A_449, %dma_start3A_450] : memref<8192x1024xf32, #tpu.memory_space<hbm>> -> memref<16x1024xf32, #tpu.memory_space<hbm>>
    %dma_start3A_452 = arith.constant 0 : i32
    %dma_start3A_453 = tpu.memref_slice %arg2[%add3A_449, %dma_start3A_452] : memref<8192x1024xf32, #tpu.memory_space<hbm>> -> memref<16x1024xf32, #tpu.memory_space<hbm>>
    tpu.enqueue_dma source(%dma_start3A_453 : memref<16x1024xf32, #tpu.memory_space<hbm>>) target(%arg7 : memref<16x1024xf32, #tpu.memory_space<vmem>>) target_semaphore(%arg12 : memref<!tpu.dma_semaphore, #tpu.memory_space<semaphore_mem>>)
    %dma_wait3A_454 = arith.constant 0 : i32
    %dma_wait3A_455 = tpu.memref_slice %arg2[%add3A_422, %dma_wait3A_454] : memref<8192x1024xf32, #tpu.memory_space<hbm>> -> memref<16x1024xf32, #tpu.memory_space<hbm>>
    %dma_wait3A_456 = arith.constant 0 : i32
    %dma_wait3A_457 = tpu.memref_slice %arg2[%add3A_422, %dma_wait3A_456] : memref<8192x1024xf32, #tpu.memory_space<hbm>> -> memref<16x1024xf32, #tpu.memory_space<hbm>>
    tpu.wait_dma2 semaphore(%arg14 : memref<!tpu.dma_semaphore, #tpu.memory_space<semaphore_mem>>) src(%dma_wait3A_457 : memref<16x1024xf32, #tpu.memory_space<hbm>>) dst(%arg9 : memref<16x1024xf32, #tpu.memory_space<vmem>>)
    %parallel_loop3A_458 = arith.constant 0 : i32
    %parallel_loop3A_459 = arith.constant 16384 : i32
    %parallel_loop3A_460 = arith.constant 16 : i32
    scf.for %parallel_loop3A_496 = %parallel_loop3A_458 to %parallel_loop3A_459 step %parallel_loop3A_460  : i32 {
      %parallel_loop3A_497 = arith.constant 1024 : i32
      %parallel_loop3A_498 = arith.divsi %parallel_loop3A_496, %parallel_loop3A_497 : i32
      %parallel_loop3A_499 = arith.constant 0 : i32
      %parallel_loop3A_500 = arith.cmpi sgt, %parallel_loop3A_496, %parallel_loop3A_499 : i32
      %parallel_loop3A_501 = arith.extui %parallel_loop3A_500 : i1 to i32
      %parallel_loop3A_502 = arith.constant 0 : i32
      %parallel_loop3A_503 = arith.cmpi slt, %parallel_loop3A_496, %parallel_loop3A_502 : i32
      %parallel_loop3A_504 = arith.extui %parallel_loop3A_503 : i1 to i32
      %parallel_loop3A_505 = arith.subi %parallel_loop3A_501, %parallel_loop3A_504 : i32
      %parallel_loop3A_506 = arith.constant 0 : i32
      %parallel_loop3A_507 = arith.cmpi sgt, %parallel_loop3A_497, %parallel_loop3A_506 : i32
      %parallel_loop3A_508 = arith.extui %parallel_loop3A_507 : i1 to i32
      %parallel_loop3A_509 = arith.constant 0 : i32
      %parallel_loop3A_510 = arith.cmpi slt, %parallel_loop3A_497, %parallel_loop3A_509 : i32
      %parallel_loop3A_511 = arith.extui %parallel_loop3A_510 : i1 to i32
      %parallel_loop3A_512 = arith.subi %parallel_loop3A_508, %parallel_loop3A_511 : i32
      %parallel_loop3A_513 = arith.cmpi ne, %parallel_loop3A_505, %parallel_loop3A_512 : i32
      %parallel_loop3A_514 = arith.remsi %parallel_loop3A_496, %parallel_loop3A_497 : i32
      %parallel_loop3A_515 = arith.constant 0 : i32
      %parallel_loop3A_516 = arith.cmpi ne, %parallel_loop3A_514, %parallel_loop3A_515 : i32
      %parallel_loop3A_517 = arith.andi %parallel_loop3A_513, %parallel_loop3A_516 : i1
      %parallel_loop3A_518 = arith.constant 1 : i32
      %parallel_loop3A_519 = arith.subi %parallel_loop3A_498, %parallel_loop3A_518 : i32
      %parallel_loop3A_520 = arith.select %parallel_loop3A_517, %parallel_loop3A_519, %parallel_loop3A_498 : i32
      %parallel_loop3A_521 = arith.constant 1024 : i32
      %parallel_loop3A_522 = arith.constant 0 : i32
      %parallel_loop3A_523 = arith.cmpi eq, %parallel_loop3A_521, %parallel_loop3A_522 : i32
      %parallel_loop3A_524 = arith.constant 1 : i32
      %parallel_loop3A_525 = arith.select %parallel_loop3A_523, %parallel_loop3A_524, %parallel_loop3A_521 : i32
      %parallel_loop3A_526 = arith.remsi %parallel_loop3A_496, %parallel_loop3A_525 : i32
      %parallel_loop3A_527 = arith.constant 0 : i32
      %parallel_loop3A_528 = arith.cmpi ne, %parallel_loop3A_526, %parallel_loop3A_527 : i32
      %parallel_loop3A_529 = arith.constant 0 : i32
      %parallel_loop3A_530 = arith.cmpi slt, %parallel_loop3A_526, %parallel_loop3A_529 : i32
      %parallel_loop3A_531 = arith.constant 0 : i32
      %parallel_loop3A_532 = arith.cmpi slt, %parallel_loop3A_525, %parallel_loop3A_531 : i32
      %parallel_loop3A_533 = arith.xori %parallel_loop3A_530, %parallel_loop3A_532 : i1
      %parallel_loop3A_534 = arith.andi %parallel_loop3A_533, %parallel_loop3A_528 : i1
      %parallel_loop3A_535 = arith.addi %parallel_loop3A_526, %parallel_loop3A_525 : i32
      %parallel_loop3A_536 = arith.select %parallel_loop3A_534, %parallel_loop3A_535, %parallel_loop3A_526 : i32
      %parallel_loop3A_537 = arith.index_cast %parallel_loop3A_520 : i32 to index
      %parallel_loop3A_538 = arith.index_cast %parallel_loop3A_536 : i32 to index
      %parallel_loop3A_539 = tpu.vector_load %arg6[%parallel_loop3A_537, %parallel_loop3A_538] {strides = array<i32>} : memref<16x1024xf32, #tpu.memory_space<vmem>>, vector<1x16xf32>,
      %parallel_loop3A_540 = vector.shape_cast %parallel_loop3A_539 : vector<1x16xf32> to vector<16xf32>
      %parallel_loop3A_541 = arith.index_cast %parallel_loop3A_520 : i32 to index
      %parallel_loop3A_542 = arith.index_cast %parallel_loop3A_536 : i32 to index
      %parallel_loop3A_543 = tpu.vector_load %arg9[%parallel_loop3A_541, %parallel_loop3A_542] {strides = array<i32>} : memref<16x1024xf32, #tpu.memory_space<vmem>>, vector<1x16xf32>,
      %parallel_loop3A_544 = vector.shape_cast %parallel_loop3A_543 : vector<1x16xf32> to vector<16xf32>
      %parallel_loop3A_545 = vector.shape_cast %parallel_loop3A_540 : vector<16xf32> to vector<1x16xf32>
      tpu.vector_store %arg9[%parallel_loop3A_541, %parallel_loop3A_542], %parallel_loop3A_545 {add = true, strides = array<i32>} : memref<16x1024xf32, #tpu.memory_space<vmem>>, vector<1x16xf32>,
    } {sc.loop_unroll_factor = 16 : i64, sc.parallel_access}
    %add3A_461 = arith.constant 4096 : i32
    %add3A_462 = arith.addi %add3A_461, %mul3A_2 : i32
    %add3A_463 = arith.constant 48 : i32
    %add3A_464 = arith.addi %add3A_462, %add3A_463 : i32
    %dma_start3A_465 = arith.constant 0 : i32
    %dma_start3A_466 = tpu.memref_slice %arg4[%add3A_464, %dma_start3A_465] : memref<8192x1024xf32, #tpu.memory_space<hbm>> -> memref<16x1024xf32, #tpu.memory_space<hbm>>
    %dma_start3A_467 = arith.constant 0 : i32
    %dma_start3A_468 = tpu.memref_slice %arg4[%add3A_464, %dma_start3A_467] : memref<8192x1024xf32, #tpu.memory_space<hbm>> -> memref<16x1024xf32, #tpu.memory_space<hbm>>
    tpu.enqueue_dma source(%arg9 : memref<16x1024xf32, #tpu.memory_space<vmem>>) target(%dma_start3A_468 : memref<16x1024xf32, #tpu.memory_space<hbm>>) target_semaphore(%arg17 : memref<!tpu.dma_semaphore, #tpu.memory_space<semaphore_mem>>)
    %dma_wait3A_469 = arith.constant 0 : i32
    %dma_wait3A_470 = tpu.memref_slice %arg2[%add3A_449, %dma_wait3A_469] : memref<8192x1024xf32, #tpu.memory_space<hbm>> -> memref<16x1024xf32, #tpu.memory_space<hbm>>
    %dma_wait3A_471 = arith.constant 0 : i32
    %dma_wait3A_472 = tpu.memref_slice %arg2[%add3A_449, %dma_wait3A_471] : memref<8192x1024xf32, #tpu.memory_space<hbm>> -> memref<16x1024xf32, #tpu.memory_space<hbm>>
    tpu.wait_dma2 semaphore(%arg12 : memref<!tpu.dma_semaphore, #tpu.memory_space<semaphore_mem>>) src(%dma_wait3A_472 : memref<16x1024xf32, #tpu.memory_space<hbm>>) dst(%arg7 : memref<16x1024xf32, #tpu.memory_space<vmem>>)
    %parallel_loop3A_473 = arith.constant 0 : i32
    %parallel_loop3A_474 = arith.constant 16384 : i32
    %parallel_loop3A_475 = arith.constant 16 : i32
    scf.for %parallel_loop3A_496 = %parallel_loop3A_473 to %parallel_loop3A_474 step %parallel_loop3A_475  : i32 {
      %parallel_loop3A_497 = arith.constant 1024 : i32
      %parallel_loop3A_498 = arith.divsi %parallel_loop3A_496, %parallel_loop3A_497 : i32
      %parallel_loop3A_499 = arith.constant 0 : i32
      %parallel_loop3A_500 = arith.cmpi sgt, %parallel_loop3A_496, %parallel_loop3A_499 : i32
      %parallel_loop3A_501 = arith.extui %parallel_loop3A_500 : i1 to i32
      %parallel_loop3A_502 = arith.constant 0 : i32
      %parallel_loop3A_503 = arith.cmpi slt, %parallel_loop3A_496, %parallel_loop3A_502 : i32
      %parallel_loop3A_504 = arith.extui %parallel_loop3A_503 : i1 to i32
      %parallel_loop3A_505 = arith.subi %parallel_loop3A_501, %parallel_loop3A_504 : i32
      %parallel_loop3A_506 = arith.constant 0 : i32
      %parallel_loop3A_507 = arith.cmpi sgt, %parallel_loop3A_497, %parallel_loop3A_506 : i32
      %parallel_loop3A_508 = arith.extui %parallel_loop3A_507 : i1 to i32
      %parallel_loop3A_509 = arith.constant 0 : i32
      %parallel_loop3A_510 = arith.cmpi slt, %parallel_loop3A_497, %parallel_loop3A_509 : i32
      %parallel_loop3A_511 = arith.extui %parallel_loop3A_510 : i1 to i32
      %parallel_loop3A_512 = arith.subi %parallel_loop3A_508, %parallel_loop3A_511 : i32
      %parallel_loop3A_513 = arith.cmpi ne, %parallel_loop3A_505, %parallel_loop3A_512 : i32
      %parallel_loop3A_514 = arith.remsi %parallel_loop3A_496, %parallel_loop3A_497 : i32
      %parallel_loop3A_515 = arith.constant 0 : i32
      %parallel_loop3A_516 = arith.cmpi ne, %parallel_loop3A_514, %parallel_loop3A_515 : i32
      %parallel_loop3A_517 = arith.andi %parallel_loop3A_513, %parallel_loop3A_516 : i1
      %parallel_loop3A_518 = arith.constant 1 : i32
      %parallel_loop3A_519 = arith.subi %parallel_loop3A_498, %parallel_loop3A_518 : i32
      %parallel_loop3A_520 = arith.select %parallel_loop3A_517, %parallel_loop3A_519, %parallel_loop3A_498 : i32
      %parallel_loop3A_521 = arith.constant 1024 : i32
      %parallel_loop3A_522 = arith.constant 0 : i32
      %parallel_loop3A_523 = arith.cmpi eq, %parallel_loop3A_521, %parallel_loop3A_522 : i32
      %parallel_loop3A_524 = arith.constant 1 : i32
      %parallel_loop3A_525 = arith.select %parallel_loop3A_523, %parallel_loop3A_524, %parallel_loop3A_521 : i32
      %parallel_loop3A_526 = arith.remsi %parallel_loop3A_496, %parallel_loop3A_525 : i32
      %parallel_loop3A_527 = arith.constant 0 : i32
      %parallel_loop3A_528 = arith.cmpi ne, %parallel_loop3A_526, %parallel_loop3A_527 : i32
      %parallel_loop3A_529 = arith.constant 0 : i32
      %parallel_loop3A_530 = arith.cmpi slt, %parallel_loop3A_526, %parallel_loop3A_529 : i32
      %parallel_loop3A_531 = arith.constant 0 : i32
      %parallel_loop3A_532 = arith.cmpi slt, %parallel_loop3A_525, %parallel_loop3A_531 : i32
      %parallel_loop3A_533 = arith.xori %parallel_loop3A_530, %parallel_loop3A_532 : i1
      %parallel_loop3A_534 = arith.andi %parallel_loop3A_533, %parallel_loop3A_528 : i1
      %parallel_loop3A_535 = arith.addi %parallel_loop3A_526, %parallel_loop3A_525 : i32
      %parallel_loop3A_536 = arith.select %parallel_loop3A_534, %parallel_loop3A_535, %parallel_loop3A_526 : i32
      %parallel_loop3A_537 = arith.index_cast %parallel_loop3A_520 : i32 to index
      %parallel_loop3A_538 = arith.index_cast %parallel_loop3A_536 : i32 to index
      %parallel_loop3A_539 = tpu.vector_load %arg6[%parallel_loop3A_537, %parallel_loop3A_538] {strides = array<i32>} : memref<16x1024xf32, #tpu.memory_space<vmem>>, vector<1x16xf32>,
      %parallel_loop3A_540 = vector.shape_cast %parallel_loop3A_539 : vector<1x16xf32> to vector<16xf32>
      %parallel_loop3A_541 = arith.index_cast %parallel_loop3A_520 : i32 to index
      %parallel_loop3A_542 = arith.index_cast %parallel_loop3A_536 : i32 to index
      %parallel_loop3A_543 = tpu.vector_load %arg7[%parallel_loop3A_541, %parallel_loop3A_542] {strides = array<i32>} : memref<16x1024xf32, #tpu.memory_space<vmem>>, vector<1x16xf32>,
      %parallel_loop3A_544 = vector.shape_cast %parallel_loop3A_543 : vector<1x16xf32> to vector<16xf32>
      %parallel_loop3A_545 = vector.shape_cast %parallel_loop3A_540 : vector<16xf32> to vector<1x16xf32>
      tpu.vector_store %arg7[%parallel_loop3A_541, %parallel_loop3A_542], %parallel_loop3A_545 {add = true, strides = array<i32>} : memref<16x1024xf32, #tpu.memory_space<vmem>>, vector<1x16xf32>,
    } {sc.loop_unroll_factor = 16 : i64, sc.parallel_access}
    %add3A_476 = arith.constant 6144 : i32
    %add3A_477 = arith.addi %add3A_476, %mul3A_2 : i32
    %add3A_478 = arith.constant 48 : i32
    %add3A_479 = arith.addi %add3A_477, %add3A_478 : i32
    %dma_start3A_480 = arith.constant 0 : i32
    %dma_start3A_481 = tpu.memref_slice %arg4[%add3A_479, %dma_start3A_480] : memref<8192x1024xf32, #tpu.memory_space<hbm>> -> memref<16x1024xf32, #tpu.memory_space<hbm>>
    %dma_start3A_482 = arith.constant 0 : i32
    %dma_start3A_483 = tpu.memref_slice %arg4[%add3A_479, %dma_start3A_482] : memref<8192x1024xf32, #tpu.memory_space<hbm>> -> memref<16x1024xf32, #tpu.memory_space<hbm>>
    tpu.enqueue_dma source(%arg7 : memref<16x1024xf32, #tpu.memory_space<vmem>>) target(%dma_start3A_483 : memref<16x1024xf32, #tpu.memory_space<hbm>>) target_semaphore(%arg15 : memref<!tpu.dma_semaphore, #tpu.memory_space<semaphore_mem>>)
    %dma_wait3A_484 = arith.constant 0 : i32
    %dma_wait3A_485 = tpu.memref_slice %arg4[%add3A_437, %dma_wait3A_484] : memref<8192x1024xf32, #tpu.memory_space<hbm>> -> memref<16x1024xf32, #tpu.memory_space<hbm>>
    %dma_wait3A_486 = arith.constant 0 : i32
    %dma_wait3A_487 = tpu.memref_slice %arg4[%add3A_437, %dma_wait3A_486] : memref<8192x1024xf32, #tpu.memory_space<hbm>> -> memref<16x1024xf32, #tpu.memory_space<hbm>>
    tpu.wait_dma2 semaphore(%arg16 : memref<!tpu.dma_semaphore, #tpu.memory_space<semaphore_mem>>) src(%arg8 : memref<16x1024xf32, #tpu.memory_space<vmem>>) dst(%dma_wait3A_487 : memref<16x1024xf32, #tpu.memory_space<hbm>>)
    %dma_wait3A_488 = arith.constant 0 : i32
    %dma_wait3A_489 = tpu.memref_slice %arg4[%add3A_464, %dma_wait3A_488] : memref<8192x1024xf32, #tpu.memory_space<hbm>> -> memref<16x1024xf32, #tpu.memory_space<hbm>>
    %dma_wait3A_490 = arith.constant 0 : i32
    %dma_wait3A_491 = tpu.memref_slice %arg4[%add3A_464, %dma_wait3A_490] : memref<8192x1024xf32, #tpu.memory_space<hbm>> -> memref<16x1024xf32, #tpu.memory_space<hbm>>
    tpu.wait_dma2 semaphore(%arg17 : memref<!tpu.dma_semaphore, #tpu.memory_space<semaphore_mem>>) src(%arg9 : memref<16x1024xf32, #tpu.memory_space<vmem>>) dst(%dma_wait3A_491 : memref<16x1024xf32, #tpu.memory_space<hbm>>)
    %dma_wait3A_492 = arith.constant 0 : i32
    %dma_wait3A_493 = tpu.memref_slice %arg4[%add3A_479, %dma_wait3A_492] : memref<8192x1024xf32, #tpu.memory_space<hbm>> -> memref<16x1024xf32, #tpu.memory_space<hbm>>
    %dma_wait3A_494 = arith.constant 0 : i32
    %dma_wait3A_495 = tpu.memref_slice %arg4[%add3A_479, %dma_wait3A_494] : memref<8192x1024xf32, #tpu.memory_space<hbm>> -> memref<16x1024xf32, #tpu.memory_space<hbm>>
    tpu.wait_dma2 semaphore(%arg15 : memref<!tpu.dma_semaphore, #tpu.memory_space<semaphore_mem>>) src(%arg7 : memref<16x1024xf32, #tpu.memory_space<vmem>>) dst(%dma_wait3A_495 : memref<16x1024xf32, #tpu.memory_space<hbm>>)
    return
  }
}

</mosaic_0001>

<sc_bundles>
// kernel: kernel.3.cloned.1.call-start
scs
__scs_entry_jumppad:
0x0: {  	(pc) =	sbr.rel $0x88, $3  }
0x1: {  	(tag) =	ssettag $0x0;
	lr =	simm.s32 $0x1  }
0x2: {  	[smem:$0x3F9F] =	sst lr;
	_ =	strace $0xD0000000  }
0x3: {  	_ = 	snop  }
0x4: {  	_ = 	snop  }
0x5: {  	_ = 	snop  }
0x6: {  	_ = 	snop  }
0x7: {  	_ = 	snop  }
__scs_overlays_trampoline_lowered:
0x8: {  	[smem:$0x3FAE] =	sst s0  }
0x9: {  	[smem:$0x3FAF] =	sst s1  }
0xa: {  	[smem:$0x3FB0] =	sst s2  }
0xb: {  	[smem:$0x3FB1] =	sst s3  }
0xc: {  	[smem:$0x3FB2] =	sst s4  }
0xd: {  	[smem:$0x3FB3] =	sst s5  }
0xe: {  	[smem:$0x3FB4] =	sst s6  }
0xf: {  	[smem:$0x3FB5] =	sst s7  }
0x10: {  	[smem:$0x3FB6] =	sst s8  }
0x11: {  	[smem:$0x3FB7] =	sst s9;
	s0 =	simm.s32 @!p0 $0x0  }
0x12: {  	s1 =	sld [smem:$0x3F9D];
	s0 =	simm.s32 @p0 $0x1  }
0x13: {  	[smem:$0x3FB8] =	sst s0;
	s0 =	simm.s32 @!p1 $0x0  }
0x14: {  	s2 =	sld [smem:$0x3F9C];
	s0 =	simm.s32 @p1 $0x1  }
0x15: {  	[smem:$0x3FB9] =	sst s0;
	s0 =	simm.s32 @!p2 $0x0  }
0x16: {  	s3 =	sld [smem:$0x3FDB];
	s0 =	simm.s32 @p2 $0x1  }
0x17: {  	s4 =	simm.s32 $0x1BF5;
	[smem:$0x3FBB] =	sst s0  }
0x18: {  	s0 =	sld [smem:$0x3F9E];
	_ =	swait.ge [sflag:s4], $0x0  }
0x19: {  	s7 =	sld [smem:$0x3F9F]  }
0x1a: {  	s8 =	sadd.s32 $0xFFFFE003, lr  }
0x1b: {  	s9 =	sadd.s32 $0xFFFFFEF7, lr;
	s5 =	simm.s32 $0xFFFFFFFF;
	p2 =	slt.u32 s8, $0xFFFFF086  }
0x1c: {  	p1 =	slt.u32 s9, $0xF7A;
	s5 =	simm.s32 @!p2 $0x0  }
0x1d: {  	s5 =	simm.s32 @p1 $0x1;
	p0 =	seq.s32 s7, s2  }
0x1e: {  	s7 =	smul.u32 @!p0 $0xF7A, s2;
	p2 =	seq.s32 @!p0 s5, $0x0  }
0x1f: {  	s9 =	smul.u32 $0xF7A, s1;
	s8 =	simm.s32 @!p0 $0x1BF5;
	p2 =	por !p2, p0  }
0x20: {  	[sflag:s8] =	ssyncset.s32 @!p0 $0xFFFFF086;
	s6 =	sadd.s32 @!p0 s3, s7;
	s7 =	simm.s32 @!p0 $0x108  }
0x21: {  	s3 =	sadd.s32 s3, s9;
	s6 =	sadd.s32 @!p0 $0x88, s6;
	s7 =	simm.s32 @p2 $0x1082  }
0x22: {  	[simem:s7], [sflag:s8] =	dma.local @!p0 [hbm:s6], $0xF7A  }
0x23: {  	s9 =	sor.u32 $0xD0000000, s2;
	s6 =	simm.s32 $0x108;
	_ =	swait.ge @!p0 [sflag:s8], $0x0  }
0x24: {  	s3 =	sadd.s32 $0x88, s3;
	s6 =	simm.s32 @!p1 $0x1082;
	[sflag:s4] =	ssyncset.s32 $0xFFFFF086  }
0x25: {  	[simem:s6], [sflag:s4] =	dma.local [hbm:s3], $0xF7A  }
0x26: {  	[smem:$0x3F9F] =	sst s1;
	(tag) =	ssettag s2;
	_ =	strace s9  }
0x27: {  	s1 =	sld [smem:$0x3FAF]  }
0x28: {  	s2 =	sld [smem:$0x3FB0]  }
0x29: {  	s4 =	sld [smem:$0x3FB2]  }
0x2a: {  	p0 =	seq.s32 s5, $0x0;
	s5 =	sld [smem:$0x3FB3]  }
0x2b: {  	s6 =	sld [smem:$0x3FB4]  }
0x2c: {  	s7 =	sld [smem:$0x3FB5]  }
0x2d: {  	s3 =	simm.s32 $0x108;
	s8 =	sld [smem:$0x3FB6]  }
0x2e: {  	s3 =	simm.s32 @!p0 $0x1082;
	s9 =	sld [smem:$0x3FB7]  }
0x2f: {  	lr =	sadd.s32 s0, s3;
	s0 =	sld [smem:$0x3FAE]  }
0x30: {  	s3 =	sld [smem:$0x3FB1]  }
0x31: {  	[smem:$0x3FBA] =	sst s10  }
0x32: {  	s10 =	sld [smem:$0x3FB8];
	_ =	sdelay $0x3  }
0x33: {  	p0 =	seq.s32 s10, $0x1;
	s10 =	sld [smem:$0x3FBA];
	_ =	sdelay $0x3  }
0x34: {  	[smem:$0x3FBA] =	sst s10  }
0x35: {  	s10 =	sld [smem:$0x3FB9];
	_ =	sdelay $0x3  }
0x36: {  	p1 =	seq.s32 s10, $0x1;
	s10 =	sld [smem:$0x3FBA];
	_ =	sdelay $0x3  }
0x37: {  	[smem:$0x3FBA] =	sst s10  }
0x38: {  	s10 =	sld [smem:$0x3FBB]  }
0x39: {  	_ = 	snop;
	(pc) =	sbr.ind lr, $3  }
0x3a: {  	_ = 	snop  }
0x3b: {  	_ = 	snop  }
0x3c: {  	p2 =	seq.s32 s10, $0x1;
	s10 =	sld [smem:$0x3FBA]  }
0x3d: {  	_ =	shalt  }
0x3e: {  	_ =	shalt  }
0x3f: {  	_ =	shalt  }
0x40: {  	_ =	shalt  }
0x41: {  	_ =	shalt  }
0x42: {  	_ =	shalt  }
0x43: {  	_ =	shalt  }
0x44: {  	_ =	shalt  }
0x45: {  	_ =	shalt  }
0x46: {  	_ =	shalt  }
0x47: {  	_ =	shalt  }
0x48: {  	_ =	shalt  }
0x49: {  	_ =	shalt  }
0x4a: {  	_ =	shalt  }
0x4b: {  	_ =	shalt  }
0x4c: {  	_ =	shalt  }
0x4d: {  	_ =	shalt  }
0x4e: {  	_ =	shalt  }
0x4f: {  	_ =	shalt  }
0x50: {  	_ =	shalt  }
0x51: {  	_ =	shalt  }
0x52: {  	_ =	shalt  }
0x53: {  	_ =	shalt  }
0x54: {  	_ =	shalt  }
0x55: {  	_ =	shalt  }
0x56: {  	_ =	shalt  }
0x57: {  	_ =	shalt  }
0x58: {  	_ =	shalt  }
0x59: {  	_ =	shalt  }
0x5a: {  	_ =	shalt  }
0x5b: {  	_ =	shalt  }
0x5c: {  	_ =	shalt  }
0x5d: {  	_ =	shalt  }
0x5e: {  	_ =	shalt  }
0x5f: {  	_ =	shalt  }
0x60: {  	_ =	shalt  }
0x61: {  	_ =	shalt  }
0x62: {  	_ =	shalt  }
0x63: {  	_ =	shalt  }
0x64: {  	_ =	shalt  }
0x65: {  	_ =	shalt  }
0x66: {  	_ =	shalt  }
0x67: {  	_ =	shalt  }
0x68: {  	_ =	shalt  }
0x69: {  	_ =	shalt  }
0x6a: {  	_ =	shalt  }
0x6b: {  	_ =	shalt  }
0x6c: {  	_ =	shalt  }
0x6d: {  	_ =	shalt  }
0x6e: {  	_ =	shalt  }
0x6f: {  	_ =	shalt  }
0x70: {  	_ =	shalt  }
0x71: {  	_ =	shalt  }
0x72: {  	_ =	shalt  }
0x73: {  	_ =	shalt  }
0x74: {  	_ =	shalt  }
0x75: {  	_ =	shalt  }
0x76: {  	_ =	shalt  }
0x77: {  	_ =	shalt  }
0x78: {  	_ =	shalt  }
0x79: {  	_ =	shalt  }
0x7a: {  	_ =	shalt  }
0x7b: {  	_ =	shalt  }
0x7c: {  	_ =	shalt  }
0x7d: {  	_ =	shalt  }
0x7e: {  	_ =	shalt  }
0x7f: {  	_ =	shalt  }
0x80: {  	_ =	shalt  }
0x81: {  	_ =	shalt  }
0x82: {  	_ =	shalt  }
0x83: {  	_ =	shalt  }
0x84: {  	_ =	shalt  }
0x85: {  	_ =	shalt  }
0x86: {  	_ =	shalt  }
0x87: {  	_ =	shalt  }
.Lfunc_end0:
.L_simem_size_0:
called_computation_lowered:
.L_overlay_start_0:
0x88: {  	s2 =	sld [smem:$0x3FD9]  }
0x89: {  	s3 =	sld [smem:$0x3FFE];
	_ =	sdelay $0x1  }
0x8a: {  	s1 =	srdreg.scid  }
0x8b: {  	s0 =	sand.u32 $0x1, s1  }
0x8c: {  	s18 =	sshll.u32 s0, $0xA;
	s2 =	sadd.s32 s3, s2  }
0x8d: {  	s2 =	sadd.s32 s2, s18  }
0x8e: {  	[smem:$0x3FC6] =	sst s2  }
0x8f: {  	_ = 	snop  }
0x90: {  	s2 =	sld [smem:$0x3FC9]  }
0x91: {  	s19 =	sld [smem:$0x3FC8]  }
0x92: {  	s4 =	sld [smem:$0x3FD0];
	(tm) =	ssettm $0x1  }
0x93: {  	s5 =	sld [smem:$0x3FFB];
	_ =	sdelay $0x3  }
0x94: {  	_ =	strace s5  }
0x95: {  	s5 =	sld [smem:$0x3FFC];
	_ =	sdelay $0x3  }
0x96: {  	_ =	strace s5  }
0x97: {  	s5 =	sld [smem:$0x3FFD];
	_ =	sdelay $0x3  }
0x98: {  	_ =	strace s5  }
0x99: {  	_ =	strace $0x8FFFFFFF  }
0x9a: {  	s20 =	sld [smem:$0x3FDB];
	_ =	sdelay $0x1  }
0x9b: {  	s6 =	simm.s32 $_scs_section_size  }
0x9c: {  	s7 =	simm.s32 $_size__tile_overlayer_lowered;
	s8 =	simm.s32 $_tile_overlayer_lowered  }
0x9d: {  	s23 =	simm.s32 $0x1BFF;
	s22 =	sshll.u32 s8, $0x1;
	s5 =	sadd.s32 s6, s20  }
0x9e: {  	s9 =	simm.s32 $0x0;
	s21 =	sshll.u32 s7, $0x1;
	s7 =	sadd.s32 s22, s5  }
0x9f: {  	[timem:s9], [sflag:s23] =	dma.local [hbm:s7], s21  }
0xa0: {  	_ =	swait.ge [sflag:s23], s21  }
0xa1: {  	s6 =	ssub.s32 $0x0, s21;
	[sflag:s23] =	ssyncset.done $0x0  }
0xa2: {  	[sflag:s23] =	ssyncadd.s32 s6;
	_ =	sdelay $0x1  }
0xa3: {  	s24 =	simm.s32 $0x1B8B  }
0xa4: {  	_ =	swait.ge [sflag:s24], $0x1  }
0xa5: {  	[sflag:s24] =	ssyncset.done $0x0  }
0xa6: {  	s25 =	simm.s32 $0x1B8E;
	[sflag:s24] =	ssyncadd.s32 $0xFFFFFFFF  }
0xa7: {  	s26 =	simm.s32 $execute0_lowered;
	[smem:$0x3FD2] =	sst s25  }
0xa8: {  	s6 =	sshll.u32 s26, $0x1;
	_ =	strace $0x80000046;
	[dreg:$0x1] =	wrdreg $0xFFFFFFFF  }
0xa9: {  	s28 =	simm.s32 $_size_execute0_lowered;
	s5 =	sadd.s32 s5, s6;
	[dreg:$0x0] =	wrdreg $0x0  }
0xaa: {  	s6 =	sshll.u32 s28, $0x1;
	[dreg:$0x2] =	wrdreg s5  }
0xab: {  	[dreg:$0x3] =	wrdreg s6  }
0xac: {  	[dreg:$0x4] =	wrdreg $0xC0  }
0xad: {  	_ =	task [dreg:s9], $0x5FFFF  }
0xae: {  	[dreg:$0x1] =	wrdreg $0xFFFFFFFF  }
0xaf: {  	[dreg:$0x0] =	wrdreg $0x60  }
0xb0: {  	[dreg:$0x2] =	wrdreg s2  }
0xb1: {  	[dreg:$0x3] =	wrdreg s19  }
0xb2: {  	[dreg:$0x4] =	wrdreg s4  }
0xb3: {  	[dreg:$0x5] =	wrdreg $0x9  }
0xb4: {  	_ =	task.clear_ibuf [dreg:s9], $0x6FFFF;
	_ =	strace $0x90000046  }
0xb5: {  	s29 =	simm.s32 $0x9;
	_ =	strace $0x80000048  }
0xb6: {  	_ =	swait.ge [sflag:s29], $0x1  }
0xb7: {  	[sflag:s29] =	ssyncadd.s32 $0xFFFFFFFF  }
0xb8: {  	_ =	strace $0x90000048  }
0xb9: {  	_ =	sfence  }
0xba: {  	s30 =	sld [smem:$0x0];
	_ =	sdelay $0x2  }
0xbb: {  	s31 =	sshll.u32 s1, $0xD;
	s1 =	sshrl.u32 s1, $0x2  }
0xbc: {  	s3 =	sand.u32 $0x4000, s31;
	s1 =	sadd.s32 s1, s30  }
0xbd: {  	s0 =	sor.u32 s3, s0;
	s1 =	sshll.u32 s1, $0x11  }
0xbe: {  	s0 =	sor.u32 s1, s0  }
0xbf: {  	s0 =	sadd.s32 $0x8F2B, s0  }
0xc0: {  	[sflag:s0] =	ssyncadd.remote.s32 $0x1  }
0xc1: {  	_ =	sfence.sel $0xFFFF  }
0xc2: {  	[dreg:$0x0] =	wrdreg $0xFFFFFFFF;
	(pc) =	sbr.abs _section_cstart, $3  }
0xc3: {  	[dreg:$0x1] =	wrdreg $0xFFFFFFFF  }
0xc4: {  	_ =	task.clear_ibuf [dreg:s9], $0x2FFFF;
	_ =	strace $0x9FFFFFFF  }
0xc5: {  	(tm) =	ssettm $0x7FFFFFFF  }
tec
execute0_lowered:
.L_overlay_start_1:
0x0: {  	(tag) =	ssettag $0x1  }
0x1: {  	s2 =	srdreg.scid  }
0x2: {  	s3 =	rddreg [dreg:$0x0];
	s1 =	stileid.u32;
	s2 =	sand.u32 $0x1, s2  }
0x3: {  	s6 =	sshll.u32 s1, $0xE;
	s4 =	ssub.s32 $0x2, s2;
	s2 =	sshll.u32 s2, $0xD  }
0x4: {  	s5 =	rddreg [dreg:$0x1];
	s6 =	sor.u32 s2, s6  }
0x5: {  	s0 =	rddreg [dreg:$0x2];
	s13 =	simm.s32 $0x0;
	s8 =	sor.u32 $0x40000, s6  }
0x6: {  	[smem:$0x7FF] =	sst s13;
	s10 =	sor.u32 $0x80000, s6;
	s24 =	sadd.s32 s3, s8  }
0x7: {  	s25 =	sadd.s32 s3, s10;
	[dreg:$0x5] =	wrdreg s24  }
0x8: {  	s11 =	sor.u32 $0xC0000, s6;
	s26 =	sadd.s32 s0, s8;
	[dreg:$0x6] =	wrdreg s25  }
0x9: {  	s28 =	sadd.s32 s3, s11;
	[dreg:$0x7] =	wrdreg s26  }
0xa: {  	s9 =	sor.u32 $0x800, s6;
	s31 =	sadd.s32 s0, s10;
	[dreg:$0x8] =	wrdreg s28  }
0xb: {  	s8 =	sadd.s32 s3, s9;
	[dreg:$0x9] =	wrdreg s31  }
0xc: {  	s15 =	sadd.s32 s0, s11;
	[dreg:$0xa] =	wrdreg s8  }
0xd: {  	s18 =	sor.u32 $0x80800, s6;
	s17 =	sadd.s32 s0, s9;
	[dreg:$0xb] =	wrdreg s15  }
0xe: {  	s19 =	sor.u32 $0xC0800, s6;
	s20 =	sadd.s32 s3, s18;
	[dreg:$0xd] =	wrdreg s17  }
0xf: {  	s22 =	sadd.s32 s3, s19;
	[dreg:$0xe] =	wrdreg s20  }
0x10: {  	s10 =	sor.u32 $0x40800, s6;
	s23 =	sadd.s32 s0, s18;
	[dreg:$0x10] =	wrdreg s22  }
0x11: {  	s16 =	sadd.s32 s3, s10;
	[dreg:$0x11] =	wrdreg s23  }
0x12: {  	s7 =	sshrl.u32 s4, $0x1;
	s21 =	sadd.s32 s0, s10;
	[dreg:$0xc] =	wrdreg s16  }
0x13: {  	s14 =	sor.u32 $0x1000, s6;
	s24 =	sadd.s32 s0, s19;
	[dreg:$0xf] =	wrdreg s21  }
0x14: {  	s7 =	ssub.s32 s4, s7;
	s26 =	sadd.s32 s3, s14;
	[dreg:$0x12] =	wrdreg s24  }
0x15: {  	s28 =	sor.u32 $0x41000, s6;
	s31 =	sadd.s32 s0, s14;
	[dreg:$0x13] =	wrdreg s26  }
0x16: {  	s4 =	sadd.s32 s5, s9;
	[dreg:$0x14] =	wrdreg s31;
	s9 =	sadd.s32 s3, s28  }
0x17: {  	s10 =	sor.u32 $0x81000, s6;
	s11 =	sadd.s32 s0, s28;
	[dreg:$0x15] =	wrdreg s9  }
0x18: {  	s12 =	sadd.s32 s5, s14;
	s14 =	sadd.s32 s3, s10;
	[dreg:$0x16] =	wrdreg s11  }
0x19: {  	s15 =	sor.u32 $0xC1000, s6;
	s16 =	sadd.s32 s0, s10;
	[dreg:$0x17] =	wrdreg s14  }
0x1a: {  	s17 =	sadd.s32 s3, s15;
	[dreg:$0x18] =	wrdreg s16  }
0x1b: {  	s25 =	sor.u32 $0x1800, s6;
	s18 =	sadd.s32 s0, s15;
	[dreg:$0x19] =	wrdreg s17  }
0x1c: {  	s20 =	sadd.s32 s3, s25;
	[dreg:$0x1a] =	wrdreg s18  }
0x1d: {  	s22 =	sor.u32 $0x41800, s6;
	s21 =	sadd.s32 s0, s25;
	[dreg:$0x1b] =	wrdreg s20  }
0x1e: {  	s23 =	sadd.s32 s3, s22;
	[dreg:$0x1c] =	wrdreg s21  }
0x1f: {  	s1 =	sadd.s32 s5, s6;
	s24 =	sadd.s32 s0, s22;
	[dreg:$0x1d] =	wrdreg s23  }
0x20: {  	s19 =	sadd.s32 s5, s25;
	s25 =	sadd.s32 s3, s6;
	[dreg:$0x1e] =	wrdreg s24  }
0x21: {  	s26 =	sadd.s32 s0, s6;
	s28 =	sor.u32 $0x81800, s6;
	[dreg:$0x1f] =	wrdreg s25  }
0x22: {  	s6 =	sor.u32 $0xC1800, s6;
	[smem:$0x7E9] =	sst s26;
	s31 =	sadd.s32 s3, s28  }
0x23: {  	s8 =	sadd.s32 s3, s6;
	[smem:$0x7EA] =	sst s31  }
0x24: {  	s9 =	sadd.s32 s0, s28;
	[smem:$0x7EB] =	sst s8  }
0x25: {  	s0 =	sadd.s32 s0, s6;
	[smem:$0x7EC] =	sst s9  }
0x26: {  	s10 =	smax.u32 s7, $0x1;
	[smem:$0x7ED] =	sst s0  }
0x27: {  	s11 =	sadd.s32 $0x10, s1;
	_ =	strace $0x80000047;
	[smem:$0x7EE] =	sst s10  }
0x28: {  	s14 =	sadd.s32 $0x20, s1;
	[smem:$0x7EF] =	sst s11  }
0x29: {  	s15 =	sadd.s32 $0x30, s1;
	[smem:$0x7F0] =	sst s14  }
0x2a: {  	s16 =	sadd.s32 $0x40, s1;
	[smem:$0x7F1] =	sst s15  }
0x2b: {  	s17 =	sadd.s32 $0x50, s1;
	[smem:$0x7F2] =	sst s16  }
0x2c: {  	s18 =	sadd.s32 $0x60, s1;
	[smem:$0x7F3] =	sst s17  }
0x2d: {  	s20 =	sadd.s32 $0x70, s1;
	[smem:$0x7F4] =	sst s18  }
0x2e: {  	s21 =	sadd.s32 $0x400, s1;
	[smem:$0x7F5] =	sst s20  }
0x2f: {  	s22 =	sadd.s32 $0x410, s1;
	[smem:$0x7F6] =	sst s21  }
0x30: {  	s23 =	sadd.s32 $0x420, s1;
	[smem:$0x7F7] =	sst s22  }
0x31: {  	s24 =	sadd.s32 $0x430, s1;
	[smem:$0x7F8] =	sst s23  }
0x32: {  	s25 =	sadd.s32 $0x440, s1;
	[smem:$0x7F9] =	sst s24  }
0x33: {  	s29 =	simm.s32 $0x80;
	s26 =	sadd.s32 $0x450, s1;
	[smem:$0x7FA] =	sst s25  }
0x34: {  	s30 =	simm.s32 $0x400;
	s28 =	sadd.s32 $0x460, s1;
	[smem:$0x7FB] =	sst s26  }
0x35: {  	s2 =	simm.s32 $0x8000;
	s7 =	simm.s32 $0x3;
	[smem:$0x7FC] =	sst s28  }
0x36: {  	s5 =	simm.s32 $0x8;
	s31 =	sadd.s32 $0x470, s1;
	[dreg:$0x4] =	wrdreg s1  }
0x37: {  	s6 =	simm.s32 $0x5;
	s9 =	simm.s32 $0xC000;
	[smem:$0x7FD] =	sst s31  }
0x38: {  	s14 =	simm.s32 $0x6;
	s15 =	simm.s32 $0x7;
	s1 =	simm.s32 $0x0  }
.LBB2_1:
0x39: {  	[smem:$0x7E8] =	sst s1  }
0x3a: {  	s0 =	rddreg [dreg:$0x4]  }
0x3b: {  	s26 =	sld [smem:$0x7EF]  }
0x3c: {  	[tilespmem:s13], [sflag:$0x1] =	stream.strided.gather [hbm4b:s0+s29], $0x400, s30, s29, $0x38;
	[tilespmem:$0x14000] =	vst v63  }
0x3d: {  	s28 =	sld [smem:$0x7F0]  }
0x3e: {  	[tilespmem:s30], [sflag:$0x1] =	stream.strided.gather [hbm4b:s26+s29], $0x400, s30, s29, $0x38;
	[tilespmem:$0x14000] =	vst v63  }
0x3f: {  	s31 =	simm.s32 $0x800;
	s3 =	sld [smem:$0x7F1]  }
0x40: {  	[tilespmem:s31], [sflag:$0x1] =	stream.strided.gather [hbm4b:s28+s29], $0x400, s30, s29, $0x38;
	[tilespmem:$0x14000] =	vst v63  }
0x41: {  	s8 =	simm.s32 $0xC00;
	s10 =	sld [smem:$0x7F2]  }
0x42: {  	[tilespmem:s8], [sflag:$0x1] =	stream.strided.gather [hbm4b:s3+s29], $0x400, s30, s29, $0x38;
	[tilespmem:$0x14000] =	vst v63  }
0x43: {  	s11 =	simm.s32 $0x1000;
	s16 =	sld [smem:$0x7F3]  }
0x44: {  	[tilespmem:s11], [sflag:$0x1] =	stream.strided.gather [hbm4b:s10+s29], $0x400, s30, s29, $0x38;
	[tilespmem:$0x14000] =	vst v63  }
0x45: {  	s17 =	simm.s32 $0x1400;
	s18 =	sld [smem:$0x7F4]  }
0x46: {  	[tilespmem:s17], [sflag:$0x1] =	stream.strided.gather [hbm4b:s16+s29], $0x400, s30, s29, $0x38;
	[tilespmem:$0x14000] =	vst v63  }
0x47: {  	s20 =	simm.s32 $0x1800;
	s21 =	sld [smem:$0x7F5]  }
0x48: {  	[tilespmem:s20], [sflag:$0x1] =	stream.strided.gather [hbm4b:s18+s29], $0x400, s30, s29, $0x38;
	[tilespmem:$0x14000] =	vst v63  }
0x49: {  	s22 =	simm.s32 $0x1C00;
	s23 =	sld [smem:$0x7F6]  }
0x4a: {  	[tilespmem:s22], [sflag:$0x1] =	stream.strided.gather [hbm4b:s21+s29], $0x400, s30, s29, $0x38;
	[tilespmem:$0x14000] =	vst v63  }
0x4b: {  	s24 =	simm.s32 $0x2000;
	s25 =	sld [smem:$0x7F7]  }
0x4c: {  	[tilespmem:s24], [sflag:$0x1] =	stream.strided.gather [hbm4b:s23+s29], $0x400, s30, s29, $0x38;
	[tilespmem:$0x14000] =	vst v63  }
0x4d: {  	s26 =	simm.s32 $0x2400;
	s28 =	sld [smem:$0x7F8]  }
0x4e: {  	[tilespmem:s26], [sflag:$0x1] =	stream.strided.gather [hbm4b:s25+s29], $0x400, s30, s29, $0x38;
	[tilespmem:$0x14000] =	vst v63  }
0x4f: {  	s1 =	sld [smem:$0x7F9];
	s31 =	simm.s32 $0x2800  }
0x50: {  	[tilespmem:s31], [sflag:$0x1] =	stream.strided.gather [hbm4b:s28+s29], $0x400, s30, s29, $0x38;
	[tilespmem:$0x14000] =	vst v63  }
0x51: {  	s3 =	simm.s32 $0x2C00;
	s8 =	sld [smem:$0x7FA]  }
0x52: {  	[tilespmem:s3], [sflag:$0x1] =	stream.strided.gather [hbm4b:s1+s29], $0x400, s30, s29, $0x38;
	[tilespmem:$0x14000] =	vst v63  }
0x53: {  	s10 =	simm.s32 $0x3000;
	s11 =	sld [smem:$0x7FB]  }
0x54: {  	[tilespmem:s10], [sflag:$0x1] =	stream.strided.gather [hbm4b:s8+s29], $0x400, s30, s29, $0x38;
	[tilespmem:$0x14000] =	vst v63  }
0x55: {  	s16 =	simm.s32 $0x3400;
	s17 =	sld [smem:$0x7FC]  }
0x56: {  	[tilespmem:s16], [sflag:$0x1] =	stream.strided.gather [hbm4b:s11+s29], $0x400, s30, s29, $0x38;
	[tilespmem:$0x14000] =	vst v63  }
0x57: {  	s18 =	simm.s32 $0x3800;
	s20 =	sld [smem:$0x7FD]  }
0x58: {  	[tilespmem:s18], [sflag:$0x1] =	stream.strided.gather [hbm4b:s17+s29], $0x400, s30, s29, $0x38;
	[tilespmem:$0x14000] =	vst v63  }
0x59: {  	s21 =	simm.s32 $0x3C00  }
0x5a: {  	[tilespmem:s21], [sflag:$0x1] =	stream.strided.gather [hbm4b:s20+s29], $0x400, s30, s29, $0x38;
	[tilespmem:$0x14000] =	vst v63  }
0x5b: {  	s22 =	rddreg [dreg:$0x1f]  }
0x5c: {  	[tilespmem:s2], [sflag:$0x3] =	stream.linear.gather [hbm4b:s22+s13], $0x4000, $0x38;
	[tilespmem:$0x14000] =	vst v63  }
0x5d: {  	s23 =	rddreg [dreg:$0x5];
	s24 =	simm.s32 $0x1  }
0x5e: {  	[tilespmem:s9], [sflag:$0x4] =	stream.linear.gather [hbm4b:s23+s13], $0x4000, $0x38;
	[tilespmem:$0x14000] =	vst v63  }
0x5f: {  	_ =	swait.ge [sflag:s24], $0x4000  }
0x60: {  	[sflag:s24] =	ssyncset.done $0x0  }
0x61: {  	s25 =	simm.s32 $0x4000;
	[sflag:s24] =	ssyncadd.s32 $0xFFFFC000  }
0x62: {  	[tilespmem:s25], [sflag:$0x2] =	stream.strided.gather [hbm4b:s4+s29], $0x400, s30, s29, $0x38;
	[tilespmem:$0x14000] =	vst v63  }
0x63: {  	s26 =	simm.s32 $0x4400;
	s8 =	sadd.s32 $0x10, s4  }
0x64: {  	[tilespmem:s26], [sflag:$0x2] =	stream.strided.gather [hbm4b:s8+s29], $0x400, s30, s29, $0x38;
	[tilespmem:$0x14000] =	vst v63  }
0x65: {  	s28 =	sadd.s32 $0x20, s4;
	s31 =	simm.s32 $0x4800  }
0x66: {  	[tilespmem:s31], [sflag:$0x2] =	stream.strided.gather [hbm4b:s28+s29], $0x400, s30, s29, $0x38;
	[tilespmem:$0x14000] =	vst v63  }
0x67: {  	s0 =	sadd.s32 $0x30, s4;
	s1 =	simm.s32 $0x4C00  }
0x68: {  	[tilespmem:s1], [sflag:$0x2] =	stream.strided.gather [hbm4b:s0+s29], $0x400, s30, s29, $0x38;
	[tilespmem:$0x14000] =	vst v63  }
0x69: {  	s3 =	sadd.s32 $0x40, s4;
	s9 =	simm.s32 $0x5000  }
0x6a: {  	[tilespmem:s9], [sflag:$0x2] =	stream.strided.gather [hbm4b:s3+s29], $0x400, s30, s29, $0x38;
	[tilespmem:$0x14000] =	vst v63  }
0x6b: {  	s10 =	sadd.s32 $0x50, s4;
	s11 =	simm.s32 $0x5400  }
0x6c: {  	[tilespmem:s11], [sflag:$0x2] =	stream.strided.gather [hbm4b:s10+s29], $0x400, s30, s29, $0x38;
	[tilespmem:$0x14000] =	vst v63  }
0x6d: {  	s16 =	sadd.s32 $0x60, s4;
	s17 =	simm.s32 $0x5800  }
0x6e: {  	[tilespmem:s17], [sflag:$0x2] =	stream.strided.gather [hbm4b:s16+s29], $0x400, s30, s29, $0x38;
	[tilespmem:$0x14000] =	vst v63  }
0x6f: {  	s18 =	sadd.s32 $0x70, s4;
	s20 =	simm.s32 $0x5C00  }
0x70: {  	[tilespmem:s20], [sflag:$0x2] =	stream.strided.gather [hbm4b:s18+s29], $0x400, s30, s29, $0x38;
	[tilespmem:$0x14000] =	vst v63  }
0x71: {  	s21 =	sadd.s32 $0x400, s4;
	s22 =	simm.s32 $0x6000  }
0x72: {  	[tilespmem:s22], [sflag:$0x2] =	stream.strided.gather [hbm4b:s21+s29], $0x400, s30, s29, $0x38;
	[tilespmem:$0x14000] =	vst v63  }
0x73: {  	s23 =	sadd.s32 $0x410, s4;
	s24 =	simm.s32 $0x6400  }
0x74: {  	[tilespmem:s24], [sflag:$0x2] =	stream.strided.gather [hbm4b:s23+s29], $0x400, s30, s29, $0x38;
	[tilespmem:$0x14000] =	vst v63  }
0x75: {  	s25 =	sadd.s32 $0x420, s4;
	s26 =	simm.s32 $0x6800  }
0x76: {  	[tilespmem:s26], [sflag:$0x2] =	stream.strided.gather [hbm4b:s25+s29], $0x400, s30, s29, $0x38;
	[tilespmem:$0x14000] =	vst v63  }
0x77: {  	s28 =	sadd.s32 $0x430, s4;
	s31 =	simm.s32 $0x6C00  }
0x78: {  	[tilespmem:s31], [sflag:$0x2] =	stream.strided.gather [hbm4b:s28+s29], $0x400, s30, s29, $0x38;
	[tilespmem:$0x14000] =	vst v63  }
0x79: {  	s0 =	sadd.s32 $0x440, s4;
	s1 =	simm.s32 $0x7000  }
0x7a: {  	[tilespmem:s1], [sflag:$0x2] =	stream.strided.gather [hbm4b:s0+s29], $0x400, s30, s29, $0x38;
	[tilespmem:$0x14000] =	vst v63  }
0x7b: {  	s3 =	sadd.s32 $0x450, s4;
	s9 =	simm.s32 $0x7400  }
0x7c: {  	[tilespmem:s9], [sflag:$0x2] =	stream.strided.gather [hbm4b:s3+s29], $0x400, s30, s29, $0x38;
	[tilespmem:$0x14000] =	vst v63  }
0x7d: {  	s10 =	sadd.s32 $0x460, s4;
	s11 =	simm.s32 $0x7800  }
0x7e: {  	[tilespmem:s11], [sflag:$0x2] =	stream.strided.gather [hbm4b:s10+s29], $0x400, s30, s29, $0x38;
	[tilespmem:$0x14000] =	vst v63  }
0x7f: {  	s16 =	sadd.s32 $0x470, s4;
	s17 =	simm.s32 $0x7C00;
	s18 =	simm.s32 $0x0  }
0x80: {  	[tilespmem:s17], [sflag:$0x2] =	stream.strided.gather [hbm4b:s16+s29], $0x400, s30, s29, $0x38;
	[tilespmem:$0x14000] =	vst v63  }
0x81: {  	s8 =	sand.u32 $0x2000, s18;
	s11 =	sand.u32 $0x1C00, s13;
	_ =	swait.ge [sflag:s7], $0x4000  }
0x82: {  	s20 =	sand.u32 $0x380, s13;
	s8 =	sor.u32 s8, s11;
	[sflag:s7] =	ssyncset.done $0x0  }
0x83: {  	s20 =	sor.u32 s20, s8;
	[sflag:s7] =	ssyncadd.s32 $0xFFFFC000  }
0x84: {  	v0 =	vld [tilespmem:s20+$0x0]  }
0x85: {  	v1 =	vld [tilespmem:s20+$0x50]  }
0x86: {  	v2 =	vld [tilespmem:s20+$0x70]  }
0x87: {  	v3 =	vld [tilespmem:s20+$0x10]  }
0x88: {  	v6 =	vld [tilespmem:s20+$0x30]  }
0x89: {  	v4 =	vld [tilespmem:s20+$0x40];
	v0 =	vmul.f32 $2.000000090e-03, v0  }
0x8a: {  	v1 =	vmul.f32 $2.000000090e-03, v1  }
0x8b: {  	v7 =	vmul.f32 $2.000000090e-03, v2;
	[tilespmem:s20+$0x0] =	vst v0  }
0x8c: {  	v3 =	vmul.f32 $2.000000090e-03, v3;
	[tilespmem:s20+$0x50] =	vst v1  }
0x8d: {  	v6 =	vmul.f32 $2.000000090e-03, v6;
	[tilespmem:s20+$0x70] =	vst v7  }
0x8e: {  	v4 =	vmul.f32 $2.000000090e-03, v4;
	[tilespmem:s20+$0x10] =	vst v3  }
0x8f: {  	v5 =	vld [tilespmem:s20+$0x60];
	[tilespmem:s20+$0x30] =	vst v6  }
0x90: {  	s8 =	sor.u32 $0x8000, s20;
	v2 =	vld [tilespmem:s20+$0x20];
	[tilespmem:s20+$0x40] =	vst v4  }
0x91: {  	s23 =	sor.u32 $0x8050, s20;
	[tilespmem:s8+$0x0] =	vst.add.f32.msk $0xffff, v0  }
0x92: {  	s18 =	simm.s32 $0x400;
	s24 =	sor.u32 $0x8010, s20;
	[tilespmem:s23+$0x0] =	vst.add.f32.msk $0xffff, v1  }
0x93: {  	s22 =	sand.u32 $0x1C00, s18;
	s17 =	simm.s32 $0x80;
	s25 =	sor.u32 $0x8040, s20;
	[tilespmem:s24+$0x0] =	vst.add.f32.msk $0xffff, v3  }
0x94: {  	s11 =	simm.s32 $0x10;
	s21 =	sand.u32 $0x2000, s17;
	s26 =	sor.u32 $0x8030, s20;
	[tilespmem:s25+$0x0] =	vst.add.f32.msk $0xffff, v4  }
0x95: {  	s31 =	sor.u32 $0x8070, s20;
	s21 =	sor.u32 s21, s22;
	s22 =	sand.u32 $0x380, s11;
	[tilespmem:s26+$0x0] =	vst.add.f32.msk $0xffff, v6  }
0x96: {  	s8 =	sor.u32 s22, s21;
	[tilespmem:s31+$0x0] =	vst.add.f32.msk $0xffff, v7  }
0x97: {  	v1 =	vld [tilespmem:s8+$0x40]  }
0x98: {  	v8 =	vld [tilespmem:s8+$0x0]  }
0x99: {  	v10 =	vld [tilespmem:s8+$0x60]  }
0x9a: {  	v9 =	vmul.f32 $2.000000090e-03, v2;
	v2 =	vmul.f32 $2.000000090e-03, v5;
	v5 =	vld [tilespmem:s8+$0x50]  }
0x9b: {  	v0 =	vld [tilespmem:s8+$0x10]  }
0x9c: {  	v3 =	vld [tilespmem:s8+$0x70];
	[tilespmem:s20+$0x20] =	vst v9  }
0x9d: {  	s28 =	sor.u32 $0x8020, s20;
	[tilespmem:s20+$0x60] =	vst v2;
	v6 =	vmul.f32 $2.000000090e-03, v8  }
0x9e: {  	s21 =	sor.u32 $0x8060, s20;
	s22 =	sor.u32 $0x8000, s8;
	s20 =	sor.u32 $0x8060, s8;
	[tilespmem:s28+$0x0] =	vst.add.f32.msk $0xffff, v9;
	v1 =	vmul.f32 $2.000000090e-03, v1;
	v4 =	vmul.f32 $2.000000090e-03, v10  }
.LBB2_2:
0x9f: {  	s17 =	sadd.s32 $0x80, s17;
	[tilespmem:s8+$0x0] =	vst v6;
	v7 =	vld [tilespmem:s8+$0x30];
	v5 =	vmul.f32 $2.000000090e-03, v5;
	s18 =	sadd.s32 $0x400, s18;
	s11 =	sadd.s32 $0x10, s11  }
0xa0: {  	s23 =	sand.u32 $0x2000, s17;
	s24 =	sand.u32 $0x1C00, s18;
	p0 =	slt.u32 s17, $0x3F80;
	[tilespmem:s22+$0x0] =	vst.add.f32.msk $0xffff, v6  }
0xa1: {  	v8 =	vmul.f32 $2.000000090e-03, v3;
	v6 =	vmul.f32 $2.000000090e-03, v0;
	s22 =	sor.u32 s23, s24;
	s23 =	sand.u32 $0x380, s11;
	[tilespmem:s21+$0x0] =	vst.add.f32.msk $0xffff, v2;
	v2 =	vmov v4;
	s21 =	smov.u32 s20  }
0xa2: {  	s23 =	sor.u32 s23, s22;
	v3 =	vld [tilespmem:s8+$0x20];
	[tilespmem:s8+$0x50] =	vst v5  }
0xa3: {  	s24 =	sor.u32 $0x8050, s8;
	s22 =	sor.u32 $0x8000, s23;
	v0 =	vld [tilespmem:s23+$0x10];
	s20 =	sor.u32 $0x8060, s23;
	[tilespmem:s8+$0x70] =	vst v8  }
0xa4: {  	[tilespmem:s24+$0x0] =	vst.add.f32.msk $0xffff, v5  }
0xa5: {  	s24 =	sor.u32 $0x8010, s8;
	v7 =	vmul.f32 $2.000000090e-03, v7;
	v4 =	vld [tilespmem:s23+$0x40];
	[tilespmem:s8+$0x10] =	vst v6  }
0xa6: {  	[tilespmem:s24+$0x0] =	vst.add.f32.msk $0xffff, v6  }
0xa7: {  	v6 =	vld [tilespmem:s23+$0x0];
	v9 =	vmul.f32 $2.000000090e-03, v3;
	[tilespmem:s8+$0x30] =	vst v7  }
0xa8: {  	v10 =	vld [tilespmem:s23+$0x60];
	[tilespmem:s8+$0x40] =	vst v1  }
0xa9: {  	v3 =	vld [tilespmem:s23+$0x70];
	[tilespmem:s8+$0x20] =	vst v9  }
.Ltmp0:
0xaa: {  	s24 =	sor.u32 $0x8040, s8;
	v5 =	vld [tilespmem:s23+$0x50];
	[tilespmem:s8+$0x60] =	vst v2;
	(pc) =	sbr.rel @p0 .LBB2_2-.Ltmp0, $4  }
0xab: {  	s25 =	sor.u32 $0x8030, s8;
	[tilespmem:s24+$0x0] =	vst.add.f32.msk $0xffff, v1  }
0xac: {  	v1 =	vmul.f32 $2.000000090e-03, v4;
	s24 =	sor.u32 $0x8020, s8;
	[tilespmem:s25+$0x0] =	vst.add.f32.msk $0xffff, v7  }
0xad: {  	v6 =	vmul.f32 $2.000000090e-03, v6;
	[tilespmem:s24+$0x0] =	vst.add.f32.msk $0xffff, v9;
	s24 =	sor.u32 $0x8070, s8;
	s8 =	smov.u32 s23  }
0xae: {  	v4 =	vmul.f32 $2.000000090e-03, v10;
	[tilespmem:s24+$0x0] =	vst.add.f32.msk $0xffff, v8  }
0xaf: {  	[tilespmem:s8+$0x0] =	vst v6  }
0xb0: {  	[tilespmem:s21+$0x0] =	vst.add.f32.msk $0xffff, v2  }
0xb1: {  	[tilespmem:s8+$0x40] =	vst v1  }
0xb2: {  	[tilespmem:s22+$0x0] =	vst.add.f32.msk $0xffff, v6  }
0xb3: {  	v5 =	vmul.f32 $2.000000090e-03, v5;
	s25 =	sor.u32 $0x8040, s8;
	[tilespmem:s8+$0x60] =	vst v4  }
0xb4: {  	v3 =	vmul.f32 $2.000000090e-03, v3;
	[tilespmem:s25+$0x0] =	vst.add.f32.msk $0xffff, v1  }
0xb5: {  	v7 =	vld [tilespmem:s8+$0x30];
	v0 =	vmul.f32 $2.000000090e-03, v0;
	[tilespmem:s8+$0x50] =	vst v5  }
0xb6: {  	v2 =	vld [tilespmem:s8+$0x20];
	[tilespmem:s8+$0x70] =	vst v3  }
0xb7: {  	[tilespmem:s8+$0x10] =	vst v0  }
0xb8: {  	s11 =	sor.u32 $0x8050, s8;
	[tilespmem:s20+$0x0] =	vst.add.f32.msk $0xffff, v4  }
0xb9: {  	s24 =	sor.u32 $0x8010, s8;
	[tilespmem:s11+$0x0] =	vst.add.f32.msk $0xffff, v5  }
0xba: {  	s28 =	sor.u32 $0x8070, s8;
	[tilespmem:s24+$0x0] =	vst.add.f32.msk $0xffff, v0;
	v5 =	vmul.f32 $2.000000090e-03, v7  }
0xbb: {  	[tilespmem:s28+$0x0] =	vst.add.f32.msk $0xffff, v3;
	v0 =	vmul.f32 $2.000000090e-03, v2  }
0xbc: {  	[tilespmem:s8+$0x30] =	vst v5  }
0xbd: {  	s17 =	sor.u32 $0x8030, s8;
	[tilespmem:s8+$0x20] =	vst v0  }
0xbe: {  	s26 =	sor.u32 $0x8020, s8;
	[tilespmem:s17+$0x0] =	vst.add.f32.msk $0xffff, v5  }
0xbf: {  	[tilespmem:s26+$0x0] =	vst.add.f32.msk $0xffff, v0  }
0xc0: {  	s0 =	sld [smem:$0x7E9];
	_ =	sdelay $0x1  }
0xc1: {  	s1 =	simm.s32 $0x10000;
	s17 =	simm.s32 $0x0  }
0xc2: {  	[hbm4b:s0+s17] =	stream.linear.scatter [tilespmem:s2], [sflag:$0x6], $0x4000, $0x38;
	[tilespmem:$0x14000] =	vst v63  }
0xc3: {  	s8 =	simm.s32 $0x0;
	s31 =	rddreg [dreg:$0x6];
	s2 =	simm.s32 $0x4  }
0xc4: {  	[tilespmem:s1], [sflag:$0x5] =	stream.linear.gather [hbm4b:s31+s17], $0x4000, $0x38;
	[tilespmem:$0x14000] =	vst v63  }
0xc5: {  	s3 =	sand.u32 $0x2000, s8;
	s18 =	sand.u32 $0x1800, s17;
	_ =	swait.ge [sflag:s2], $0x4000  }
0xc6: {  	s10 =	sand.u32 $0x380, s17;
	s11 =	sor.u32 s3, s18;
	[sflag:s2] =	ssyncset.done $0x0  }
0xc7: {  	s11 =	sor.u32 s10, s11;
	[sflag:s2] =	ssyncadd.s32 $0xFFFFC000  }
0xc8: {  	v0 =	vld [tilespmem:s11+$0x470]  }
0xc9: {  	v4 =	vld [tilespmem:s11+$0x0]  }
0xca: {  	v5 =	vld [tilespmem:s11+$0x10]  }
0xcb: {  	v62 =	vld [tilespmem:s11+$0x20]  }
0xcc: {  	v63 =	vld [tilespmem:s11+$0x30]  }
0xcd: {  	v8 =	vld [tilespmem:s11+$0x40]  }
0xce: {  	v9 =	vld [tilespmem:s11+$0x50]  }
0xcf: {  	v10 =	vld [tilespmem:s11+$0x60]  }
0xd0: {  	v11 =	vld [tilespmem:s11+$0x70]  }
0xd1: {  	v12 =	vld [tilespmem:s11+$0x400]  }
0xd2: {  	v13 =	vld [tilespmem:s11+$0x410]  }
0xd3: {  	v14 =	vld [tilespmem:s11+$0x420]  }
0xd4: {  	v3 =	vld [tilespmem:s11+$0x430]  }
0xd5: {  	v2 =	vld [tilespmem:s11+$0x440]  }
0xd6: {  	s18 =	sor.u32 $0xC470, s11;
	v1 =	vld [tilespmem:s11+$0x460]  }
0xd7: {  	[tilespmem:s18+$0x0] =	vst.add.f32.msk $0xffff, v0  }
0xd8: {  	s13 =	sor.u32 $0xC000, s11;
	v0 =	vld [tilespmem:s11+$0x450]  }
0xd9: {  	s16 =	sor.u32 $0xC010, s11;
	[tilespmem:s13+$0x0] =	vst.add.f32.msk $0xffff, v4  }
0xda: {  	s21 =	sor.u32 $0xC020, s11;
	[tilespmem:s16+$0x0] =	vst.add.f32.msk $0xffff, v5  }
0xdb: {  	s22 =	sor.u32 $0xC030, s11;
	[tilespmem:s21+$0x0] =	vst.add.f32.msk $0xffff, v62  }
0xdc: {  	s23 =	sor.u32 $0xC040, s11;
	[tilespmem:s22+$0x0] =	vst.add.f32.msk $0xffff, v63  }
0xdd: {  	s24 =	sor.u32 $0xC050, s11;
	[tilespmem:s23+$0x0] =	vst.add.f32.msk $0xffff, v8  }
0xde: {  	s25 =	sor.u32 $0xC060, s11;
	[tilespmem:s24+$0x0] =	vst.add.f32.msk $0xffff, v9  }
0xdf: {  	s26 =	sor.u32 $0xC070, s11;
	[tilespmem:s25+$0x0] =	vst.add.f32.msk $0xffff, v10  }
0xe0: {  	s28 =	sor.u32 $0xC400, s11;
	[tilespmem:s26+$0x0] =	vst.add.f32.msk $0xffff, v11  }
0xe1: {  	s9 =	simm.s32 $0x8000;
	s31 =	sor.u32 $0xC410, s11;
	[tilespmem:s28+$0x0] =	vst.add.f32.msk $0xffff, v12  }
0xe2: {  	s20 =	sor.u32 $0xC460, s11;
	s23 =	sor.u32 $0xC420, s11;
	s22 =	sor.u32 $0xC430, s11;
	[tilespmem:s31+$0x0] =	vst.add.f32.msk $0xffff, v13  }
0xe3: {  	s21 =	sor.u32 $0xC440, s11;
	s18 =	sor.u32 $0xC450, s11;
	s11 =	simm.s32 $0x0;
	[tilespmem:s23+$0x0] =	vst.add.f32.msk $0xffff, v14  }
.LBB2_4:
0xe4: {  	s8 =	sadd.s32 $0x100, s8;
	[tilespmem:s22+$0x0] =	vst.add.f32.msk $0xffff, v3;
	s17 =	sadd.s32 $0x800, s17  }
0xe5: {  	s11 =	sadd.s32 $0x20, s11;
	s22 =	sand.u32 $0x2000, s8;
	s23 =	sand.u32 $0x1800, s17;
	[tilespmem:s21+$0x0] =	vst.add.f32.msk $0xffff, v2  }
0xe6: {  	p0 =	slt.u32 s8, $0x3F00;
	s21 =	sor.u32 s22, s23;
	s22 =	sand.u32 $0x380, s11;
	[tilespmem:s18+$0x0] =	vst.add.f32.msk $0xffff, v0  }
0xe7: {  	s23 =	sor.u32 s22, s21;
	[tilespmem:s20+$0x0] =	vst.add.f32.msk $0xffff, v1  }
0xe8: {  	s24 =	sor.u32 $0xC000, s23;
	s25 =	sor.u32 $0xC010, s23;
	s26 =	sor.u32 $0xC020, s23;
	v0 =	vld [tilespmem:s23+$0x470]  }
0xe9: {  	s28 =	sor.u32 $0xC030, s23;
	s2 =	sor.u32 $0xC040, s23;
	s1 =	sor.u32 $0xC050, s23;
	v4 =	vld [tilespmem:s23+$0x0]  }
0xea: {  	s3 =	sor.u32 $0xC060, s23;
	s16 =	sor.u32 $0xC070, s23;
	s0 =	sor.u32 $0xC400, s23;
	v5 =	vld [tilespmem:s23+$0x10]  }
0xeb: {  	s13 =	sor.u32 $0xC410, s23;
	s31 =	sor.u32 $0xC420, s23;
	s22 =	sor.u32 $0xC430, s23;
	v6 =	vld [tilespmem:s23+$0x20]  }
0xec: {  	s21 =	sor.u32 $0xC440, s23;
	s18 =	sor.u32 $0xC450, s23;
	s10 =	sor.u32 $0xC470, s23;
	v7 =	vld [tilespmem:s23+$0x30]  }
0xed: {  	s20 =	sor.u32 $0xC460, s23;
	[tilespmem:s10+$0x0] =	vst.add.f32.msk $0xffff, v0  }
0xee: {  	v8 =	vld [tilespmem:s23+$0x40]  }
0xef: {  	v9 =	vld [tilespmem:s23+$0x50]  }
0xf0: {  	v10 =	vld [tilespmem:s23+$0x60]  }
0xf1: {  	v11 =	vld [tilespmem:s23+$0x70]  }
0xf2: {  	v12 =	vld [tilespmem:s23+$0x400]  }
0xf3: {  	v13 =	vld [tilespmem:s23+$0x410]  }
0xf4: {  	v14 =	vld [tilespmem:s23+$0x420]  }
0xf5: {  	v3 =	vld [tilespmem:s23+$0x430]  }
0xf6: {  	v2 =	vld [tilespmem:s23+$0x440]  }
0xf7: {  	v0 =	vld [tilespmem:s23+$0x450]  }
0xf8: {  	v1 =	vld [tilespmem:s23+$0x460]  }
0xf9: {  	[tilespmem:s24+$0x0] =	vst.add.f32.msk $0xffff, v4  }
0xfa: {  	[tilespmem:s25+$0x0] =	vst.add.f32.msk $0xffff, v5  }
0xfb: {  	[tilespmem:s26+$0x0] =	vst.add.f32.msk $0xffff, v6  }
0xfc: {  	[tilespmem:s28+$0x0] =	vst.add.f32.msk $0xffff, v7  }
0xfd: {  	[tilespmem:s2+$0x0] =	vst.add.f32.msk $0xffff, v8  }
0xfe: {  	[tilespmem:s1+$0x0] =	vst.add.f32.msk $0xffff, v9  }
.Ltmp1:
0xff: {  	[tilespmem:s3+$0x0] =	vst.add.f32.msk $0xffff, v10;
	(pc) =	sbr.rel @p0 .LBB2_4-.Ltmp1, $4  }
0x100: {  	[tilespmem:s16+$0x0] =	vst.add.f32.msk $0xffff, v11  }
0x101: {  	[tilespmem:s0+$0x0] =	vst.add.f32.msk $0xffff, v12  }
0x102: {  	[tilespmem:s13+$0x0] =	vst.add.f32.msk $0xffff, v13  }
0x103: {  	[tilespmem:s31+$0x0] =	vst.add.f32.msk $0xffff, v14  }
0x104: {  	[tilespmem:s22+$0x0] =	vst.add.f32.msk $0xffff, v3  }
0x105: {  	[tilespmem:s21+$0x0] =	vst.add.f32.msk $0xffff, v2  }
0x106: {  	[tilespmem:s18+$0x0] =	vst.add.f32.msk $0xffff, v0  }
0x107: {  	[tilespmem:s20+$0x0] =	vst.add.f32.msk $0xffff, v1  }
0x108: {  	s17 =	simm.s32 $0x0;
	s1 =	simm.s32 $0xC000;
	s0 =	rddreg [dreg:$0x7]  }
0x109: {  	[hbm4b:s0+s17] =	stream.linear.scatter [tilespmem:s1], [sflag:$0x7], $0x4000, $0x38;
	[tilespmem:$0x14000] =	vst v63  }
0x10a: {  	_ =	swait.ge [sflag:s14], $0x4000  }
0x10b: {  	[sflag:s14] =	ssyncset.done $0x0  }
0x10c: {  	s8 =	simm.s32 $0x0;
	s10 =	rddreg [dreg:$0x8];
	[sflag:s14] =	ssyncadd.s32 $0xFFFFC000  }
0x10d: {  	[tilespmem:s9], [sflag:$0x3] =	stream.linear.gather [hbm4b:s10+s17], $0x4000, $0x38;
	[tilespmem:$0x14000] =	vst v63  }
0x10e: {  	s11 =	sand.u32 $0x2000, s8;
	s13 =	sand.u32 $0x1800, s17;
	_ =	swait.ge [sflag:s6], $0x4000  }
0x10f: {  	s16 =	sand.u32 $0x380, s17;
	s0 =	sor.u32 s11, s13;
	[sflag:s6] =	ssyncset.done $0x0  }
0x110: {  	s0 =	sor.u32 s16, s0;
	[sflag:s6] =	ssyncadd.s32 $0xFFFFC000  }
0x111: {  	v0 =	vld [tilespmem:s0+$0x470]  }
0x112: {  	v4 =	vld [tilespmem:s0+$0x0]  }
0x113: {  	v5 =	vld [tilespmem:s0+$0x10]  }
0x114: {  	v6 =	vld [tilespmem:s0+$0x20]  }
0x115: {  	v7 =	vld [tilespmem:s0+$0x30]  }
0x116: {  	v8 =	vld [tilespmem:s0+$0x40]  }
0x117: {  	v9 =	vld [tilespmem:s0+$0x50]  }
0x118: {  	v10 =	vld [tilespmem:s0+$0x60]  }
0x119: {  	v11 =	vld [tilespmem:s0+$0x70]  }
0x11a: {  	v12 =	vld [tilespmem:s0+$0x400]  }
0x11b: {  	v13 =	vld [tilespmem:s0+$0x410]  }
0x11c: {  	v14 =	vld [tilespmem:s0+$0x420]  }
0x11d: {  	v3 =	vld [tilespmem:s0+$0x430]  }
0x11e: {  	v2 =	vld [tilespmem:s0+$0x440]  }
0x11f: {  	s1 =	sor.u32 $0x10470, s0;
	v1 =	vld [tilespmem:s0+$0x460]  }
0x120: {  	[tilespmem:s1+$0x0] =	vst.add.f32.msk $0xffff, v0  }
0x121: {  	s18 =	sor.u32 $0x10000, s0;
	v0 =	vld [tilespmem:s0+$0x450]  }
0x122: {  	s2 =	sor.u32 $0x10010, s0;
	[tilespmem:s18+$0x0] =	vst.add.f32.msk $0xffff, v4  }
0x123: {  	s20 =	sor.u32 $0x10020, s0;
	[tilespmem:s2+$0x0] =	vst.add.f32.msk $0xffff, v5  }
0x124: {  	s21 =	sor.u32 $0x10030, s0;
	[tilespmem:s20+$0x0] =	vst.add.f32.msk $0xffff, v6  }
0x125: {  	s22 =	sor.u32 $0x10040, s0;
	[tilespmem:s21+$0x0] =	vst.add.f32.msk $0xffff, v7  }
0x126: {  	s23 =	sor.u32 $0x10050, s0;
	[tilespmem:s22+$0x0] =	vst.add.f32.msk $0xffff, v8  }
0x127: {  	s24 =	sor.u32 $0x10060, s0;
	[tilespmem:s23+$0x0] =	vst.add.f32.msk $0xffff, v9  }
0x128: {  	s25 =	sor.u32 $0x10070, s0;
	[tilespmem:s24+$0x0] =	vst.add.f32.msk $0xffff, v10  }
0x129: {  	s26 =	sor.u32 $0x10400, s0;
	[tilespmem:s25+$0x0] =	vst.add.f32.msk $0xffff, v11  }
0x12a: {  	s28 =	sor.u32 $0x10410, s0;
	[tilespmem:s26+$0x0] =	vst.add.f32.msk $0xffff, v12  }
0x12b: {  	s11 =	simm.s32 $0x0;
	s31 =	sor.u32 $0x10420, s0;
	s22 =	sor.u32 $0x10430, s0;
	[tilespmem:s28+$0x0] =	vst.add.f32.msk $0xffff, v13  }
0x12c: {  	s21 =	sor.u32 $0x10440, s0;
	s18 =	sor.u32 $0x10450, s0;
	s20 =	sor.u32 $0x10460, s0;
	[tilespmem:s31+$0x0] =	vst.add.f32.msk $0xffff, v14  }
.LBB2_6:
0x12d: {  	s8 =	sadd.s32 $0x100, s8;
	[tilespmem:s22+$0x0] =	vst.add.f32.msk $0xffff, v3;
	s17 =	sadd.s32 $0x800, s17  }
0x12e: {  	s11 =	sadd.s32 $0x20, s11;
	s0 =	sand.u32 $0x2000, s8;
	s1 =	sand.u32 $0x1800, s17;
	[tilespmem:s21+$0x0] =	vst.add.f32.msk $0xffff, v2  }
0x12f: {  	p0 =	slt.u32 s8, $0x3F00;
	s0 =	sor.u32 s0, s1;
	s1 =	sand.u32 $0x380, s11;
	[tilespmem:s18+$0x0] =	vst.add.f32.msk $0xffff, v0  }
0x130: {  	s0 =	sor.u32 s1, s0;
	[tilespmem:s20+$0x0] =	vst.add.f32.msk $0xffff, v1  }
0x131: {  	s1 =	sor.u32 $0x10000, s0;
	s2 =	sor.u32 $0x10010, s0;
	s3 =	sor.u32 $0x10020, s0;
	v0 =	vld [tilespmem:s0+$0x470]  }
0x132: {  	s10 =	sor.u32 $0x10030, s0;
	s13 =	sor.u32 $0x10040, s0;
	s16 =	sor.u32 $0x10050, s0;
	v4 =	vld [tilespmem:s0+$0x0]  }
0x133: {  	s23 =	sor.u32 $0x10060, s0;
	s24 =	sor.u32 $0x10070, s0;
	s25 =	sor.u32 $0x10400, s0;
	v5 =	vld [tilespmem:s0+$0x10]  }
0x134: {  	s26 =	sor.u32 $0x10410, s0;
	s28 =	sor.u32 $0x10420, s0;
	s22 =	sor.u32 $0x10430, s0;
	v6 =	vld [tilespmem:s0+$0x20]  }
0x135: {  	s21 =	sor.u32 $0x10440, s0;
	s18 =	sor.u32 $0x10450, s0;
	s31 =	sor.u32 $0x10470, s0;
	v7 =	vld [tilespmem:s0+$0x30]  }
0x136: {  	s20 =	sor.u32 $0x10460, s0;
	[tilespmem:s31+$0x0] =	vst.add.f32.msk $0xffff, v0  }
0x137: {  	v8 =	vld [tilespmem:s0+$0x40]  }
0x138: {  	v9 =	vld [tilespmem:s0+$0x50]  }
0x139: {  	v10 =	vld [tilespmem:s0+$0x60]  }
0x13a: {  	v11 =	vld [tilespmem:s0+$0x70]  }
0x13b: {  	v12 =	vld [tilespmem:s0+$0x400]  }
0x13c: {  	v13 =	vld [tilespmem:s0+$0x410]  }
0x13d: {  	v14 =	vld [tilespmem:s0+$0x420]  }
0x13e: {  	v3 =	vld [tilespmem:s0+$0x430]  }
0x13f: {  	v2 =	vld [tilespmem:s0+$0x440]  }
0x140: {  	v0 =	vld [tilespmem:s0+$0x450]  }
0x141: {  	v1 =	vld [tilespmem:s0+$0x460]  }
0x142: {  	[tilespmem:s1+$0x0] =	vst.add.f32.msk $0xffff, v4  }
0x143: {  	[tilespmem:s2+$0x0] =	vst.add.f32.msk $0xffff, v5  }
0x144: {  	[tilespmem:s3+$0x0] =	vst.add.f32.msk $0xffff, v6  }
0x145: {  	[tilespmem:s10+$0x0] =	vst.add.f32.msk $0xffff, v7  }
0x146: {  	[tilespmem:s13+$0x0] =	vst.add.f32.msk $0xffff, v8  }
0x147: {  	[tilespmem:s16+$0x0] =	vst.add.f32.msk $0xffff, v9  }
.Ltmp2:
0x148: {  	[tilespmem:s23+$0x0] =	vst.add.f32.msk $0xffff, v10;
	(pc) =	sbr.rel @p0 .LBB2_6-.Ltmp2, $4  }
0x149: {  	[tilespmem:s24+$0x0] =	vst.add.f32.msk $0xffff, v11  }
0x14a: {  	[tilespmem:s25+$0x0] =	vst.add.f32.msk $0xffff, v12  }
0x14b: {  	[tilespmem:s26+$0x0] =	vst.add.f32.msk $0xffff, v13  }
0x14c: {  	[tilespmem:s28+$0x0] =	vst.add.f32.msk $0xffff, v14  }
0x14d: {  	[tilespmem:s22+$0x0] =	vst.add.f32.msk $0xffff, v3  }
0x14e: {  	[tilespmem:s21+$0x0] =	vst.add.f32.msk $0xffff, v2  }
0x14f: {  	[tilespmem:s18+$0x0] =	vst.add.f32.msk $0xffff, v0  }
0x150: {  	[tilespmem:s20+$0x0] =	vst.add.f32.msk $0xffff, v1  }
0x151: {  	s17 =	simm.s32 $0x0;
	s1 =	simm.s32 $0x10000;
	s0 =	rddreg [dreg:$0x9]  }
0x152: {  	[hbm4b:s0+s17] =	stream.linear.scatter [tilespmem:s1], [sflag:$0x8], $0x4000, $0x38;
	[tilespmem:$0x14000] =	vst v63  }
0x153: {  	_ =	swait.ge [sflag:s15], $0x4000  }
0x154: {  	s9 =	simm.s32 $0xC000;
	[sflag:s15] =	ssyncset.done $0x0  }
0x155: {  	s8 =	simm.s32 $0x0;
	s10 =	rddreg [dreg:$0xa];
	[sflag:s15] =	ssyncadd.s32 $0xFFFFC000  }
0x156: {  	[tilespmem:s9], [sflag:$0x4] =	stream.linear.gather [hbm4b:s10+s17], $0x4000, $0x38;
	[tilespmem:$0x14000] =	vst v63  }
0x157: {  	s11 =	sand.u32 $0x2000, s8;
	s13 =	sand.u32 $0x1800, s17;
	_ =	swait.ge [sflag:s7], $0x4000  }
0x158: {  	s16 =	sand.u32 $0x380, s17;
	s0 =	sor.u32 s11, s13;
	[sflag:s7] =	ssyncset.done $0x0  }
0x159: {  	s0 =	sor.u32 s16, s0;
	[sflag:s7] =	ssyncadd.s32 $0xFFFFC000  }
0x15a: {  	v0 =	vld [tilespmem:s0+$0x470]  }
0x15b: {  	v4 =	vld [tilespmem:s0+$0x0]  }
0x15c: {  	v5 =	vld [tilespmem:s0+$0x10]  }
0x15d: {  	v6 =	vld [tilespmem:s0+$0x20]  }
0x15e: {  	v7 =	vld [tilespmem:s0+$0x30]  }
0x15f: {  	v8 =	vld [tilespmem:s0+$0x40]  }
0x160: {  	v9 =	vld [tilespmem:s0+$0x50]  }
0x161: {  	v10 =	vld [tilespmem:s0+$0x60]  }
0x162: {  	v11 =	vld [tilespmem:s0+$0x70]  }
0x163: {  	v12 =	vld [tilespmem:s0+$0x400]  }
0x164: {  	v13 =	vld [tilespmem:s0+$0x410]  }
0x165: {  	v14 =	vld [tilespmem:s0+$0x420]  }
0x166: {  	v3 =	vld [tilespmem:s0+$0x430]  }
0x167: {  	v2 =	vld [tilespmem:s0+$0x440]  }
0x168: {  	s1 =	sor.u32 $0x8470, s0;
	v1 =	vld [tilespmem:s0+$0x460]  }
0x169: {  	[tilespmem:s1+$0x0] =	vst.add.f32.msk $0xffff, v0  }
0x16a: {  	s18 =	sor.u32 $0x8000, s0;
	v0 =	vld [tilespmem:s0+$0x450]  }
0x16b: {  	s2 =	sor.u32 $0x8010, s0;
	[tilespmem:s18+$0x0] =	vst.add.f32.msk $0xffff, v4  }
0x16c: {  	s20 =	sor.u32 $0x8020, s0;
	[tilespmem:s2+$0x0] =	vst.add.f32.msk $0xffff, v5  }
0x16d: {  	s21 =	sor.u32 $0x8030, s0;
	[tilespmem:s20+$0x0] =	vst.add.f32.msk $0xffff, v6  }
0x16e: {  	s22 =	sor.u32 $0x8040, s0;
	[tilespmem:s21+$0x0] =	vst.add.f32.msk $0xffff, v7  }
0x16f: {  	s23 =	sor.u32 $0x8050, s0;
	[tilespmem:s22+$0x0] =	vst.add.f32.msk $0xffff, v8  }
0x170: {  	s24 =	sor.u32 $0x8060, s0;
	[tilespmem:s23+$0x0] =	vst.add.f32.msk $0xffff, v9  }
0x171: {  	s25 =	sor.u32 $0x8070, s0;
	[tilespmem:s24+$0x0] =	vst.add.f32.msk $0xffff, v10  }
0x172: {  	s26 =	sor.u32 $0x8400, s0;
	[tilespmem:s25+$0x0] =	vst.add.f32.msk $0xffff, v11  }
0x173: {  	s28 =	sor.u32 $0x8410, s0;
	[tilespmem:s26+$0x0] =	vst.add.f32.msk $0xffff, v12  }
0x174: {  	s11 =	simm.s32 $0x0;
	s31 =	sor.u32 $0x8420, s0;
	s22 =	sor.u32 $0x8430, s0;
	[tilespmem:s28+$0x0] =	vst.add.f32.msk $0xffff, v13  }
0x175: {  	s21 =	sor.u32 $0x8440, s0;
	s18 =	sor.u32 $0x8450, s0;
	s20 =	sor.u32 $0x8460, s0;
	[tilespmem:s31+$0x0] =	vst.add.f32.msk $0xffff, v14  }
.LBB2_8:
0x176: {  	s8 =	sadd.s32 $0x100, s8;
	[tilespmem:s22+$0x0] =	vst.add.f32.msk $0xffff, v3;
	s17 =	sadd.s32 $0x800, s17  }
0x177: {  	s11 =	sadd.s32 $0x20, s11;
	s0 =	sand.u32 $0x2000, s8;
	s1 =	sand.u32 $0x1800, s17;
	[tilespmem:s21+$0x0] =	vst.add.f32.msk $0xffff, v2  }
0x178: {  	p0 =	slt.u32 s8, $0x3F00;
	s0 =	sor.u32 s0, s1;
	s1 =	sand.u32 $0x380, s11;
	[tilespmem:s18+$0x0] =	vst.add.f32.msk $0xffff, v0  }
0x179: {  	s0 =	sor.u32 s1, s0;
	[tilespmem:s20+$0x0] =	vst.add.f32.msk $0xffff, v1  }
0x17a: {  	s1 =	sor.u32 $0x8000, s0;
	s2 =	sor.u32 $0x8010, s0;
	s3 =	sor.u32 $0x8020, s0;
	v0 =	vld [tilespmem:s0+$0x470]  }
0x17b: {  	s10 =	sor.u32 $0x8030, s0;
	s13 =	sor.u32 $0x8040, s0;
	s16 =	sor.u32 $0x8050, s0;
	v4 =	vld [tilespmem:s0+$0x0]  }
0x17c: {  	s23 =	sor.u32 $0x8060, s0;
	s24 =	sor.u32 $0x8070, s0;
	s25 =	sor.u32 $0x8400, s0;
	v5 =	vld [tilespmem:s0+$0x10]  }
0x17d: {  	s26 =	sor.u32 $0x8410, s0;
	s28 =	sor.u32 $0x8420, s0;
	s22 =	sor.u32 $0x8430, s0;
	v6 =	vld [tilespmem:s0+$0x20]  }
0x17e: {  	s21 =	sor.u32 $0x8440, s0;
	s18 =	sor.u32 $0x8450, s0;
	s31 =	sor.u32 $0x8470, s0;
	v7 =	vld [tilespmem:s0+$0x30]  }
0x17f: {  	s20 =	sor.u32 $0x8460, s0;
	[tilespmem:s31+$0x0] =	vst.add.f32.msk $0xffff, v0  }
0x180: {  	v8 =	vld [tilespmem:s0+$0x40]  }
0x181: {  	v9 =	vld [tilespmem:s0+$0x50]  }
0x182: {  	v10 =	vld [tilespmem:s0+$0x60]  }
0x183: {  	v11 =	vld [tilespmem:s0+$0x70]  }
0x184: {  	v12 =	vld [tilespmem:s0+$0x400]  }
0x185: {  	v13 =	vld [tilespmem:s0+$0x410]  }
0x186: {  	v14 =	vld [tilespmem:s0+$0x420]  }
0x187: {  	v3 =	vld [tilespmem:s0+$0x430]  }
0x188: {  	v2 =	vld [tilespmem:s0+$0x440]  }
0x189: {  	v0 =	vld [tilespmem:s0+$0x450]  }
0x18a: {  	v1 =	vld [tilespmem:s0+$0x460]  }
0x18b: {  	[tilespmem:s1+$0x0] =	vst.add.f32.msk $0xffff, v4  }
0x18c: {  	[tilespmem:s2+$0x0] =	vst.add.f32.msk $0xffff, v5  }
0x18d: {  	[tilespmem:s3+$0x0] =	vst.add.f32.msk $0xffff, v6  }
0x18e: {  	[tilespmem:s10+$0x0] =	vst.add.f32.msk $0xffff, v7  }
0x18f: {  	[tilespmem:s13+$0x0] =	vst.add.f32.msk $0xffff, v8  }
0x190: {  	[tilespmem:s16+$0x0] =	vst.add.f32.msk $0xffff, v9  }
.Ltmp3:
0x191: {  	[tilespmem:s23+$0x0] =	vst.add.f32.msk $0xffff, v10;
	(pc) =	sbr.rel @p0 .LBB2_8-.Ltmp3, $4  }
0x192: {  	[tilespmem:s24+$0x0] =	vst.add.f32.msk $0xffff, v11  }
0x193: {  	[tilespmem:s25+$0x0] =	vst.add.f32.msk $0xffff, v12  }
0x194: {  	[tilespmem:s26+$0x0] =	vst.add.f32.msk $0xffff, v13  }
0x195: {  	[tilespmem:s28+$0x0] =	vst.add.f32.msk $0xffff, v14  }
0x196: {  	[tilespmem:s22+$0x0] =	vst.add.f32.msk $0xffff, v3  }
0x197: {  	[tilespmem:s21+$0x0] =	vst.add.f32.msk $0xffff, v2  }
0x198: {  	[tilespmem:s18+$0x0] =	vst.add.f32.msk $0xffff, v0  }
0x199: {  	[tilespmem:s20+$0x0] =	vst.add.f32.msk $0xffff, v1  }
0x19a: {  	s0 =	simm.s32 $0x0;
	s10 =	simm.s32 $0x8000;
	s1 =	rddreg [dreg:$0xb]  }
0x19b: {  	[hbm4b:s1+s0] =	stream.linear.scatter [tilespmem:s10], [sflag:$0x6], $0x4000, $0x38;
	[tilespmem:$0x14000] =	vst v63  }
0x19c: {  	_ =	swait.ge [sflag:s5], $0x4000  }
0x19d: {  	s2 =	simm.s32 $0x10000;
	[sflag:s5] =	ssyncset.done $0x0  }
0x19e: {  	s16 =	simm.s32 $0x2;
	s13 =	rddreg [dreg:$0xc];
	[sflag:s5] =	ssyncadd.s32 $0xFFFFC000  }
0x19f: {  	[tilespmem:s2], [sflag:$0x5] =	stream.linear.gather [hbm4b:s13+s0], $0x4000, $0x38;
	[tilespmem:$0x14000] =	vst v63  }
0x1a0: {  	_ =	swait.ge [sflag:s16], $0x4000  }
0x1a1: {  	[sflag:s16] =	ssyncset.done $0x0  }
0x1a2: {  	[sflag:s16] =	ssyncadd.s32 $0xFFFFC000  }
0x1a3: {  	[tilespmem:s0], [sflag:$0x1] =	stream.strided.gather [hbm4b:s12+s29], $0x400, s30, s29, $0x38;
	[tilespmem:$0x14000] =	vst v63  }
0x1a4: {  	s17 =	sadd.s32 $0x10, s12  }
0x1a5: {  	[tilespmem:s30], [sflag:$0x1] =	stream.strided.gather [hbm4b:s17+s29], $0x400, s30, s29, $0x38;
	[tilespmem:$0x14000] =	vst v63  }
0x1a6: {  	s18 =	sadd.s32 $0x20, s12;
	s20 =	simm.s32 $0x800  }
0x1a7: {  	[tilespmem:s20], [sflag:$0x1] =	stream.strided.gather [hbm4b:s18+s29], $0x400, s30, s29, $0x38;
	[tilespmem:$0x14000] =	vst v63  }
0x1a8: {  	s21 =	sadd.s32 $0x30, s12;
	s22 =	simm.s32 $0xC00  }
0x1a9: {  	[tilespmem:s22], [sflag:$0x1] =	stream.strided.gather [hbm4b:s21+s29], $0x400, s30, s29, $0x38;
	[tilespmem:$0x14000] =	vst v63  }
0x1aa: {  	s23 =	sadd.s32 $0x40, s12;
	s24 =	simm.s32 $0x1000  }
0x1ab: {  	[tilespmem:s24], [sflag:$0x1] =	stream.strided.gather [hbm4b:s23+s29], $0x400, s30, s29, $0x38;
	[tilespmem:$0x14000] =	vst v63  }
0x1ac: {  	s25 =	sadd.s32 $0x50, s12;
	s26 =	simm.s32 $0x1400  }
0x1ad: {  	[tilespmem:s26], [sflag:$0x1] =	stream.strided.gather [hbm4b:s25+s29], $0x400, s30, s29, $0x38;
	[tilespmem:$0x14000] =	vst v63  }
0x1ae: {  	s28 =	sadd.s32 $0x60, s12;
	s31 =	simm.s32 $0x1800  }
0x1af: {  	[tilespmem:s31], [sflag:$0x1] =	stream.strided.gather [hbm4b:s28+s29], $0x400, s30, s29, $0x38;
	[tilespmem:$0x14000] =	vst v63  }
0x1b0: {  	s3 =	sadd.s32 $0x70, s12;
	s8 =	simm.s32 $0x1C00  }
0x1b1: {  	[tilespmem:s8], [sflag:$0x1] =	stream.strided.gather [hbm4b:s3+s29], $0x400, s30, s29, $0x38;
	[tilespmem:$0x14000] =	vst v63  }
0x1b2: {  	s11 =	sadd.s32 $0x400, s12;
	s13 =	simm.s32 $0x2000  }
0x1b3: {  	[tilespmem:s13], [sflag:$0x1] =	stream.strided.gather [hbm4b:s11+s29], $0x400, s30, s29, $0x38;
	[tilespmem:$0x14000] =	vst v63  }
0x1b4: {  	s16 =	sadd.s32 $0x410, s12;
	s17 =	simm.s32 $0x2400  }
0x1b5: {  	[tilespmem:s17], [sflag:$0x1] =	stream.strided.gather [hbm4b:s16+s29], $0x400, s30, s29, $0x38;
	[tilespmem:$0x14000] =	vst v63  }
0x1b6: {  	s18 =	sadd.s32 $0x420, s12;
	s20 =	simm.s32 $0x2800  }
0x1b7: {  	[tilespmem:s20], [sflag:$0x1] =	stream.strided.gather [hbm4b:s18+s29], $0x400, s30, s29, $0x38;
	[tilespmem:$0x14000] =	vst v63  }
0x1b8: {  	s21 =	sadd.s32 $0x430, s12;
	s22 =	simm.s32 $0x2C00  }
0x1b9: {  	[tilespmem:s22], [sflag:$0x1] =	stream.strided.gather [hbm4b:s21+s29], $0x400, s30, s29, $0x38;
	[tilespmem:$0x14000] =	vst v63  }
0x1ba: {  	s23 =	sadd.s32 $0x440, s12;
	s24 =	simm.s32 $0x3000  }
0x1bb: {  	[tilespmem:s24], [sflag:$0x1] =	stream.strided.gather [hbm4b:s23+s29], $0x400, s30, s29, $0x38;
	[tilespmem:$0x14000] =	vst v63  }
0x1bc: {  	s25 =	sadd.s32 $0x450, s12;
	s26 =	simm.s32 $0x3400  }
0x1bd: {  	[tilespmem:s26], [sflag:$0x1] =	stream.strided.gather [hbm4b:s25+s29], $0x400, s30, s29, $0x38;
	[tilespmem:$0x14000] =	vst v63  }
0x1be: {  	s28 =	sadd.s32 $0x460, s12;
	s31 =	simm.s32 $0x3800  }
0x1bf: {  	[tilespmem:s31], [sflag:$0x1] =	stream.strided.gather [hbm4b:s28+s29], $0x400, s30, s29, $0x38;
	[tilespmem:$0x14000] =	vst v63  }
0x1c0: {  	s3 =	sadd.s32 $0x470, s12;
	s8 =	simm.s32 $0x3C00  }
0x1c1: {  	[tilespmem:s8], [sflag:$0x1] =	stream.strided.gather [hbm4b:s3+s29], $0x400, s30, s29, $0x38;
	[tilespmem:$0x14000] =	vst v63  }
0x1c2: {  	s11 =	simm.s32 $0x0;
	s3 =	simm.s32 $0x4  }
0x1c3: {  	s13 =	sand.u32 $0x1C00, s0;
	s1 =	sand.u32 $0x2000, s11;
	_ =	swait.ge [sflag:s3], $0x4000  }
0x1c4: {  	s0 =	sand.u32 $0x380, s0;
	s1 =	sor.u32 s1, s13;
	[sflag:s3] =	ssyncset.done $0x0  }
0x1c5: {  	s0 =	sor.u32 s0, s1;
	[sflag:s3] =	ssyncadd.s32 $0xFFFFC000  }
0x1c6: {  	v0 =	vld [tilespmem:s0+$0x4000]  }
0x1c7: {  	v1 =	vld [tilespmem:s0+$0x4050]  }
0x1c8: {  	v3 =	vld [tilespmem:s0+$0x4010]  }
0x1c9: {  	s17 =	simm.s32 $0x80;
	s18 =	simm.s32 $0x400;
	v2 =	vld [tilespmem:s0+$0x4070]  }
0x1ca: {  	s11 =	simm.s32 $0x10;
	s16 =	sand.u32 $0x2000, s17;
	s20 =	sand.u32 $0x1C00, s18;
	v6 =	vld [tilespmem:s0+$0x4030]  }
0x1cb: {  	s21 =	sor.u32 s16, s20;
	s22 =	sand.u32 $0x380, s11;
	v4 =	vld [tilespmem:s0+$0x4040];
	v0 =	vmul.f32 $2.000000090e-03, v0  }
0x1cc: {  	s8 =	sor.u32 s22, s21;
	v5 =	vld [tilespmem:s0+$0x4060];
	v1 =	vmul.f32 $2.000000090e-03, v1  }
0x1cd: {  	v8 =	vld [tilespmem:s8+$0x4000];
	v3 =	vmul.f32 $2.000000090e-03, v3;
	[tilespmem:s0+$0x4000] =	vst v0  }
0x1ce: {  	v10 =	vld [tilespmem:s8+$0x4060];
	[tilespmem:s0+$0x4050] =	vst v1  }
0x1cf: {  	s1 =	sor.u32 $0xC000, s0;
	v7 =	vmul.f32 $2.000000090e-03, v2;
	v2 =	vld [tilespmem:s0+$0x4020];
	v6 =	vmul.f32 $2.000000090e-03, v6;
	[tilespmem:s0+$0x4010] =	vst v3  }
0x1d0: {  	[tilespmem:s1+$0x0] =	vst.add.f32.msk $0xffff, v0  }
0x1d1: {  	s23 =	sor.u32 $0xC050, s0;
	v4 =	vmul.f32 $2.000000090e-03, v4;
	[tilespmem:s0+$0x4030] =	vst v6;
	v0 =	vld [tilespmem:s8+$0x4010]  }
0x1d2: {  	[tilespmem:s23+$0x0] =	vst.add.f32.msk $0xffff, v1  }
0x1d3: {  	s24 =	sor.u32 $0xC010, s0;
	[tilespmem:s0+$0x4040] =	vst v4;
	v1 =	vld [tilespmem:s8+$0x4040]  }
0x1d4: {  	s25 =	sor.u32 $0xC040, s0;
	[tilespmem:s24+$0x0] =	vst.add.f32.msk $0xffff, v3  }
0x1d5: {  	s26 =	sor.u32 $0xC030, s0;
	[tilespmem:s25+$0x0] =	vst.add.f32.msk $0xffff, v4  }
0x1d6: {  	[tilespmem:s26+$0x0] =	vst.add.f32.msk $0xffff, v6  }
0x1d7: {  	s31 =	sor.u32 $0xC070, s0;
	[tilespmem:s0+$0x4070] =	vst v7;
	v9 =	vmul.f32 $2.000000090e-03, v2;
	v2 =	vmul.f32 $2.000000090e-03, v5;
	v5 =	vld [tilespmem:s8+$0x4050]  }
0x1d8: {  	[tilespmem:s31+$0x0] =	vst.add.f32.msk $0xffff, v7  }
0x1d9: {  	v3 =	vld [tilespmem:s8+$0x4070];
	[tilespmem:s0+$0x4020] =	vst v9  }
0x1da: {  	s28 =	sor.u32 $0xC020, s0;
	v6 =	vmul.f32 $2.000000090e-03, v8;
	[tilespmem:s0+$0x4060] =	vst v2  }
0x1db: {  	s21 =	sor.u32 $0xC060, s0;
	s22 =	sor.u32 $0xC000, s8;
	s20 =	sor.u32 $0xC060, s8;
	v4 =	vmul.f32 $2.000000090e-03, v10;
	[tilespmem:s28+$0x0] =	vst.add.f32.msk $0xffff, v9;
	v1 =	vmul.f32 $2.000000090e-03, v1  }
.LBB2_10:
0x1dc: {  	s17 =	sadd.s32 $0x80, s17;
	[tilespmem:s8+$0x4000] =	vst v6;
	v7 =	vld [tilespmem:s8+$0x4030];
	v5 =	vmul.f32 $2.000000090e-03, v5;
	s18 =	sadd.s32 $0x400, s18;
	s11 =	sadd.s32 $0x10, s11  }
0x1dd: {  	s0 =	sand.u32 $0x2000, s17;
	s1 =	sand.u32 $0x1C00, s18;
	p0 =	slt.u32 s17, $0x3F80;
	[tilespmem:s22+$0x0] =	vst.add.f32.msk $0xffff, v6  }
0x1de: {  	v8 =	vmul.f32 $2.000000090e-03, v3;
	v6 =	vmul.f32 $2.000000090e-03, v0;
	s0 =	sor.u32 s0, s1;
	s1 =	sand.u32 $0x380, s11;
	[tilespmem:s21+$0x0] =	vst.add.f32.msk $0xffff, v2;
	v2 =	vmov v4;
	s21 =	smov.u32 s20  }
0x1df: {  	s0 =	sor.u32 s1, s0;
	v3 =	vld [tilespmem:s8+$0x4020];
	[tilespmem:s8+$0x4050] =	vst v5  }
0x1e0: {  	s1 =	sor.u32 $0xC050, s8;
	s22 =	sor.u32 $0xC000, s0;
	v0 =	vld [tilespmem:s0+$0x4010];
	s20 =	sor.u32 $0xC060, s0;
	[tilespmem:s8+$0x4070] =	vst v8  }
0x1e1: {  	[tilespmem:s1+$0x0] =	vst.add.f32.msk $0xffff, v5  }
0x1e2: {  	s1 =	sor.u32 $0xC010, s8;
	v7 =	vmul.f32 $2.000000090e-03, v7;
	v4 =	vld [tilespmem:s0+$0x4040];
	[tilespmem:s8+$0x4010] =	vst v6  }
0x1e3: {  	[tilespmem:s1+$0x0] =	vst.add.f32.msk $0xffff, v6  }
0x1e4: {  	v6 =	vld [tilespmem:s0+$0x4000];
	v9 =	vmul.f32 $2.000000090e-03, v3;
	[tilespmem:s8+$0x4030] =	vst v7  }
0x1e5: {  	v10 =	vld [tilespmem:s0+$0x4060];
	[tilespmem:s8+$0x4040] =	vst v1  }
0x1e6: {  	v3 =	vld [tilespmem:s0+$0x4070];
	[tilespmem:s8+$0x4020] =	vst v9  }
.Ltmp4:
0x1e7: {  	s1 =	sor.u32 $0xC040, s8;
	v5 =	vld [tilespmem:s0+$0x4050];
	[tilespmem:s8+$0x4060] =	vst v2;
	(pc) =	sbr.rel @p0 .LBB2_10-.Ltmp4, $4  }
0x1e8: {  	s2 =	sor.u32 $0xC030, s8;
	[tilespmem:s1+$0x0] =	vst.add.f32.msk $0xffff, v1  }
0x1e9: {  	v1 =	vmul.f32 $2.000000090e-03, v4;
	s1 =	sor.u32 $0xC020, s8;
	[tilespmem:s2+$0x0] =	vst.add.f32.msk $0xffff, v7  }
0x1ea: {  	v6 =	vmul.f32 $2.000000090e-03, v6;
	[tilespmem:s1+$0x0] =	vst.add.f32.msk $0xffff, v9;
	s1 =	sor.u32 $0xC070, s8;
	s8 =	smov.u32 s0  }
0x1eb: {  	v4 =	vmul.f32 $2.000000090e-03, v10;
	[tilespmem:s1+$0x0] =	vst.add.f32.msk $0xffff, v8  }
0x1ec: {  	[tilespmem:s8+$0x4000] =	vst v6  }
0x1ed: {  	[tilespmem:s21+$0x0] =	vst.add.f32.msk $0xffff, v2  }
0x1ee: {  	[tilespmem:s8+$0x4040] =	vst v1  }
0x1ef: {  	[tilespmem:s22+$0x0] =	vst.add.f32.msk $0xffff, v6  }
0x1f0: {  	v5 =	vmul.f32 $2.000000090e-03, v5;
	s31 =	sor.u32 $0xC040, s8;
	[tilespmem:s8+$0x4060] =	vst v4  }
0x1f1: {  	v3 =	vmul.f32 $2.000000090e-03, v3;
	[tilespmem:s31+$0x0] =	vst.add.f32.msk $0xffff, v1  }
0x1f2: {  	v7 =	vld [tilespmem:s8+$0x4030];
	v0 =	vmul.f32 $2.000000090e-03, v0;
	[tilespmem:s8+$0x4050] =	vst v5  }
0x1f3: {  	v2 =	vld [tilespmem:s8+$0x4020];
	[tilespmem:s8+$0x4070] =	vst v3  }
0x1f4: {  	[tilespmem:s8+$0x4010] =	vst v0  }
0x1f5: {  	s0 =	sor.u32 $0xC050, s8;
	[tilespmem:s20+$0x0] =	vst.add.f32.msk $0xffff, v4  }
0x1f6: {  	s28 =	sor.u32 $0xC010, s8;
	[tilespmem:s0+$0x0] =	vst.add.f32.msk $0xffff, v5  }
0x1f7: {  	s3 =	sor.u32 $0xC070, s8;
	[tilespmem:s28+$0x0] =	vst.add.f32.msk $0xffff, v0;
	v5 =	vmul.f32 $2.000000090e-03, v7  }
0x1f8: {  	[tilespmem:s3+$0x0] =	vst.add.f32.msk $0xffff, v3;
	v0 =	vmul.f32 $2.000000090e-03, v2  }
0x1f9: {  	[tilespmem:s8+$0x4030] =	vst v5  }
0x1fa: {  	s1 =	sor.u32 $0xC030, s8;
	[tilespmem:s8+$0x4020] =	vst v0  }
0x1fb: {  	s2 =	sor.u32 $0xC020, s8;
	[tilespmem:s1+$0x0] =	vst.add.f32.msk $0xffff, v5  }
0x1fc: {  	[tilespmem:s2+$0x0] =	vst.add.f32.msk $0xffff, v0  }
0x1fd: {  	s17 =	simm.s32 $0x0;
	s0 =	rddreg [dreg:$0xd]  }
0x1fe: {  	[hbm4b:s0+s17] =	stream.linear.scatter [tilespmem:s9], [sflag:$0x7], $0x4000, $0x38;
	[tilespmem:$0x14000] =	vst v63  }
0x1ff: {  	_ =	swait.ge [sflag:s14], $0x4000  }
0x200: {  	[sflag:s14] =	ssyncset.done $0x0  }
0x201: {  	s8 =	rddreg [dreg:$0xe];
	[sflag:s14] =	ssyncadd.s32 $0xFFFFC000  }
0x202: {  	[tilespmem:s10], [sflag:$0x3] =	stream.linear.gather [hbm4b:s8+s17], $0x4000, $0x38;
	[tilespmem:$0x14000] =	vst v63  }
0x203: {  	s8 =	simm.s32 $0x0  }
0x204: {  	s13 =	sand.u32 $0x1800, s17;
	_ =	swait.ge [sflag:s6], $0x4000;
	s11 =	sand.u32 $0x2000, s8  }
0x205: {  	s16 =	sand.u32 $0x380, s17;
	[sflag:s6] =	ssyncset.done $0x0;
	s0 =	sor.u32 s11, s13  }
0x206: {  	[sflag:s6] =	ssyncadd.s32 $0xFFFFC000;
	s0 =	sor.u32 s16, s0  }
0x207: {  	v0 =	vld [tilespmem:s0+$0x4470]  }
0x208: {  	v4 =	vld [tilespmem:s0+$0x4000]  }
0x209: {  	v5 =	vld [tilespmem:s0+$0x4010]  }
0x20a: {  	v62 =	vld [tilespmem:s0+$0x4020]  }
0x20b: {  	v63 =	vld [tilespmem:s0+$0x4030]  }
0x20c: {  	v8 =	vld [tilespmem:s0+$0x4040]  }
0x20d: {  	v9 =	vld [tilespmem:s0+$0x4050]  }
0x20e: {  	v10 =	vld [tilespmem:s0+$0x4060]  }
0x20f: {  	v11 =	vld [tilespmem:s0+$0x4070]  }
0x210: {  	v12 =	vld [tilespmem:s0+$0x4400]  }
0x211: {  	v13 =	vld [tilespmem:s0+$0x4410]  }
0x212: {  	v14 =	vld [tilespmem:s0+$0x4420]  }
0x213: {  	v3 =	vld [tilespmem:s0+$0x4430]  }
0x214: {  	v2 =	vld [tilespmem:s0+$0x4440]  }
0x215: {  	s1 =	sor.u32 $0x10470, s0;
	v1 =	vld [tilespmem:s0+$0x4460]  }
0x216: {  	[tilespmem:s1+$0x0] =	vst.add.f32.msk $0xffff, v0  }
0x217: {  	s18 =	sor.u32 $0x10000, s0;
	v0 =	vld [tilespmem:s0+$0x4450]  }
0x218: {  	s2 =	sor.u32 $0x10010, s0;
	[tilespmem:s18+$0x0] =	vst.add.f32.msk $0xffff, v4  }
0x219: {  	s20 =	sor.u32 $0x10020, s0;
	[tilespmem:s2+$0x0] =	vst.add.f32.msk $0xffff, v5  }
0x21a: {  	s21 =	sor.u32 $0x10030, s0;
	[tilespmem:s20+$0x0] =	vst.add.f32.msk $0xffff, v62  }
0x21b: {  	s22 =	sor.u32 $0x10040, s0;
	[tilespmem:s21+$0x0] =	vst.add.f32.msk $0xffff, v63  }
0x21c: {  	s23 =	sor.u32 $0x10050, s0;
	[tilespmem:s22+$0x0] =	vst.add.f32.msk $0xffff, v8  }
0x21d: {  	s24 =	sor.u32 $0x10060, s0;
	[tilespmem:s23+$0x0] =	vst.add.f32.msk $0xffff, v9  }
0x21e: {  	s25 =	sor.u32 $0x10070, s0;
	[tilespmem:s24+$0x0] =	vst.add.f32.msk $0xffff, v10  }
0x21f: {  	s26 =	sor.u32 $0x10400, s0;
	[tilespmem:s25+$0x0] =	vst.add.f32.msk $0xffff, v11  }
0x220: {  	s28 =	sor.u32 $0x10410, s0;
	[tilespmem:s26+$0x0] =	vst.add.f32.msk $0xffff, v12  }
0x221: {  	s11 =	simm.s32 $0x0;
	s31 =	sor.u32 $0x10420, s0;
	s22 =	sor.u32 $0x10430, s0;
	[tilespmem:s28+$0x0] =	vst.add.f32.msk $0xffff, v13  }
0x222: {  	s21 =	sor.u32 $0x10440, s0;
	s18 =	sor.u32 $0x10450, s0;
	s20 =	sor.u32 $0x10460, s0;
	[tilespmem:s31+$0x0] =	vst.add.f32.msk $0xffff, v14  }
.LBB2_12:
0x223: {  	s8 =	sadd.s32 $0x100, s8;
	[tilespmem:s22+$0x0] =	vst.add.f32.msk $0xffff, v3;
	s17 =	sadd.s32 $0x800, s17  }
0x224: {  	s11 =	sadd.s32 $0x20, s11;
	s0 =	sand.u32 $0x2000, s8;
	s1 =	sand.u32 $0x1800, s17;
	[tilespmem:s21+$0x0] =	vst.add.f32.msk $0xffff, v2  }
0x225: {  	p0 =	slt.u32 s8, $0x3F00;
	s0 =	sor.u32 s0, s1;
	s1 =	sand.u32 $0x380, s11;
	[tilespmem:s18+$0x0] =	vst.add.f32.msk $0xffff, v0  }
0x226: {  	s0 =	sor.u32 s1, s0;
	[tilespmem:s20+$0x0] =	vst.add.f32.msk $0xffff, v1  }
0x227: {  	s1 =	sor.u32 $0x10000, s0;
	s2 =	sor.u32 $0x10010, s0;
	s3 =	sor.u32 $0x10020, s0;
	v0 =	vld [tilespmem:s0+$0x4470]  }
0x228: {  	s10 =	sor.u32 $0x10030, s0;
	s13 =	sor.u32 $0x10040, s0;
	s16 =	sor.u32 $0x10050, s0;
	v4 =	vld [tilespmem:s0+$0x4000]  }
0x229: {  	s23 =	sor.u32 $0x10060, s0;
	s24 =	sor.u32 $0x10070, s0;
	s25 =	sor.u32 $0x10400, s0;
	v5 =	vld [tilespmem:s0+$0x4010]  }
0x22a: {  	s26 =	sor.u32 $0x10410, s0;
	s28 =	sor.u32 $0x10420, s0;
	s22 =	sor.u32 $0x10430, s0;
	v6 =	vld [tilespmem:s0+$0x4020]  }
0x22b: {  	s21 =	sor.u32 $0x10440, s0;
	s18 =	sor.u32 $0x10450, s0;
	s31 =	sor.u32 $0x10470, s0;
	v7 =	vld [tilespmem:s0+$0x4030]  }
0x22c: {  	s20 =	sor.u32 $0x10460, s0;
	[tilespmem:s31+$0x0] =	vst.add.f32.msk $0xffff, v0  }
0x22d: {  	v8 =	vld [tilespmem:s0+$0x4040]  }
0x22e: {  	v9 =	vld [tilespmem:s0+$0x4050]  }
0x22f: {  	v10 =	vld [tilespmem:s0+$0x4060]  }
0x230: {  	v11 =	vld [tilespmem:s0+$0x4070]  }
0x231: {  	v12 =	vld [tilespmem:s0+$0x4400]  }
0x232: {  	v13 =	vld [tilespmem:s0+$0x4410]  }
0x233: {  	v14 =	vld [tilespmem:s0+$0x4420]  }
0x234: {  	v3 =	vld [tilespmem:s0+$0x4430]  }
0x235: {  	v2 =	vld [tilespmem:s0+$0x4440]  }
0x236: {  	v0 =	vld [tilespmem:s0+$0x4450]  }
0x237: {  	v1 =	vld [tilespmem:s0+$0x4460]  }
0x238: {  	[tilespmem:s1+$0x0] =	vst.add.f32.msk $0xffff, v4  }
0x239: {  	[tilespmem:s2+$0x0] =	vst.add.f32.msk $0xffff, v5  }
0x23a: {  	[tilespmem:s3+$0x0] =	vst.add.f32.msk $0xffff, v6  }
0x23b: {  	[tilespmem:s10+$0x0] =	vst.add.f32.msk $0xffff, v7  }
0x23c: {  	[tilespmem:s13+$0x0] =	vst.add.f32.msk $0xffff, v8  }
0x23d: {  	[tilespmem:s16+$0x0] =	vst.add.f32.msk $0xffff, v9  }
.Ltmp5:
0x23e: {  	[tilespmem:s23+$0x0] =	vst.add.f32.msk $0xffff, v10;
	(pc) =	sbr.rel @p0 .LBB2_12-.Ltmp5, $4  }
0x23f: {  	[tilespmem:s24+$0x0] =	vst.add.f32.msk $0xffff, v11  }
0x240: {  	[tilespmem:s25+$0x0] =	vst.add.f32.msk $0xffff, v12  }
0x241: {  	[tilespmem:s26+$0x0] =	vst.add.f32.msk $0xffff, v13  }
0x242: {  	[tilespmem:s28+$0x0] =	vst.add.f32.msk $0xffff, v14  }
0x243: {  	[tilespmem:s22+$0x0] =	vst.add.f32.msk $0xffff, v3  }
0x244: {  	[tilespmem:s21+$0x0] =	vst.add.f32.msk $0xffff, v2  }
0x245: {  	[tilespmem:s18+$0x0] =	vst.add.f32.msk $0xffff, v0  }
0x246: {  	[tilespmem:s20+$0x0] =	vst.add.f32.msk $0xffff, v1  }
0x247: {  	s17 =	simm.s32 $0x0;
	s1 =	simm.s32 $0x10000;
	s0 =	rddreg [dreg:$0xf]  }
0x248: {  	[hbm4b:s0+s17] =	stream.linear.scatter [tilespmem:s1], [sflag:$0x8], $0x4000, $0x38;
	[tilespmem:$0x14000] =	vst v63  }
0x249: {  	_ =	swait.ge [sflag:s15], $0x4000  }
0x24a: {  	[sflag:s15] =	ssyncset.done $0x0  }
0x24b: {  	s8 =	simm.s32 $0x0;
	s10 =	rddreg [dreg:$0x10];
	[sflag:s15] =	ssyncadd.s32 $0xFFFFC000  }
0x24c: {  	[tilespmem:s9], [sflag:$0x4] =	stream.linear.gather [hbm4b:s10+s17], $0x4000, $0x38;
	[tilespmem:$0x14000] =	vst v63  }
0x24d: {  	s11 =	sand.u32 $0x2000, s8;
	s13 =	sand.u32 $0x1800, s17;
	_ =	swait.ge [sflag:s7], $0x4000  }
0x24e: {  	s16 =	sand.u32 $0x380, s17;
	s0 =	sor.u32 s11, s13;
	[sflag:s7] =	ssyncset.done $0x0  }
0x24f: {  	s0 =	sor.u32 s16, s0;
	[sflag:s7] =	ssyncadd.s32 $0xFFFFC000  }
0x250: {  	v0 =	vld [tilespmem:s0+$0x4470]  }
0x251: {  	v4 =	vld [tilespmem:s0+$0x4000]  }
0x252: {  	v5 =	vld [tilespmem:s0+$0x4010]  }
0x253: {  	v6 =	vld [tilespmem:s0+$0x4020]  }
0x254: {  	v7 =	vld [tilespmem:s0+$0x4030]  }
0x255: {  	v8 =	vld [tilespmem:s0+$0x4040]  }
0x256: {  	v9 =	vld [tilespmem:s0+$0x4050]  }
0x257: {  	v10 =	vld [tilespmem:s0+$0x4060]  }
0x258: {  	v11 =	vld [tilespmem:s0+$0x4070]  }
0x259: {  	v12 =	vld [tilespmem:s0+$0x4400]  }
0x25a: {  	v13 =	vld [tilespmem:s0+$0x4410]  }
0x25b: {  	v14 =	vld [tilespmem:s0+$0x4420]  }
0x25c: {  	v3 =	vld [tilespmem:s0+$0x4430]  }
0x25d: {  	v2 =	vld [tilespmem:s0+$0x4440]  }
0x25e: {  	s1 =	sor.u32 $0x8470, s0;
	v1 =	vld [tilespmem:s0+$0x4460]  }
0x25f: {  	[tilespmem:s1+$0x0] =	vst.add.f32.msk $0xffff, v0  }
0x260: {  	s18 =	sor.u32 $0x8000, s0;
	v0 =	vld [tilespmem:s0+$0x4450]  }
0x261: {  	s2 =	sor.u32 $0x8010, s0;
	[tilespmem:s18+$0x0] =	vst.add.f32.msk $0xffff, v4  }
0x262: {  	s20 =	sor.u32 $0x8020, s0;
	[tilespmem:s2+$0x0] =	vst.add.f32.msk $0xffff, v5  }
0x263: {  	s21 =	sor.u32 $0x8030, s0;
	[tilespmem:s20+$0x0] =	vst.add.f32.msk $0xffff, v6  }
0x264: {  	s22 =	sor.u32 $0x8040, s0;
	[tilespmem:s21+$0x0] =	vst.add.f32.msk $0xffff, v7  }
0x265: {  	s23 =	sor.u32 $0x8050, s0;
	[tilespmem:s22+$0x0] =	vst.add.f32.msk $0xffff, v8  }
0x266: {  	s24 =	sor.u32 $0x8060, s0;
	[tilespmem:s23+$0x0] =	vst.add.f32.msk $0xffff, v9  }
0x267: {  	s25 =	sor.u32 $0x8070, s0;
	[tilespmem:s24+$0x0] =	vst.add.f32.msk $0xffff, v10  }
0x268: {  	s26 =	sor.u32 $0x8400, s0;
	[tilespmem:s25+$0x0] =	vst.add.f32.msk $0xffff, v11  }
0x269: {  	s28 =	sor.u32 $0x8410, s0;
	[tilespmem:s26+$0x0] =	vst.add.f32.msk $0xffff, v12  }
0x26a: {  	s11 =	simm.s32 $0x0;
	s31 =	sor.u32 $0x8420, s0;
	s22 =	sor.u32 $0x8430, s0;
	[tilespmem:s28+$0x0] =	vst.add.f32.msk $0xffff, v13  }
0x26b: {  	s21 =	sor.u32 $0x8440, s0;
	s18 =	sor.u32 $0x8450, s0;
	s20 =	sor.u32 $0x8460, s0;
	[tilespmem:s31+$0x0] =	vst.add.f32.msk $0xffff, v14  }
.LBB2_14:
0x26c: {  	s8 =	sadd.s32 $0x100, s8;
	[tilespmem:s22+$0x0] =	vst.add.f32.msk $0xffff, v3;
	s17 =	sadd.s32 $0x800, s17  }
0x26d: {  	s11 =	sadd.s32 $0x20, s11;
	s0 =	sand.u32 $0x2000, s8;
	s1 =	sand.u32 $0x1800, s17;
	[tilespmem:s21+$0x0] =	vst.add.f32.msk $0xffff, v2  }
0x26e: {  	p0 =	slt.u32 s8, $0x3F00;
	s0 =	sor.u32 s0, s1;
	s1 =	sand.u32 $0x380, s11;
	[tilespmem:s18+$0x0] =	vst.add.f32.msk $0xffff, v0  }
0x26f: {  	s0 =	sor.u32 s1, s0;
	[tilespmem:s20+$0x0] =	vst.add.f32.msk $0xffff, v1  }
0x270: {  	s1 =	sor.u32 $0x8000, s0;
	s2 =	sor.u32 $0x8010, s0;
	s3 =	sor.u32 $0x8020, s0;
	v0 =	vld [tilespmem:s0+$0x4470]  }
0x271: {  	s10 =	sor.u32 $0x8030, s0;
	s13 =	sor.u32 $0x8040, s0;
	s16 =	sor.u32 $0x8050, s0;
	v4 =	vld [tilespmem:s0+$0x4000]  }
0x272: {  	s23 =	sor.u32 $0x8060, s0;
	s24 =	sor.u32 $0x8070, s0;
	s25 =	sor.u32 $0x8400, s0;
	v5 =	vld [tilespmem:s0+$0x4010]  }
0x273: {  	s26 =	sor.u32 $0x8410, s0;
	s28 =	sor.u32 $0x8420, s0;
	s22 =	sor.u32 $0x8430, s0;
	v6 =	vld [tilespmem:s0+$0x4020]  }
0x274: {  	s21 =	sor.u32 $0x8440, s0;
	s18 =	sor.u32 $0x8450, s0;
	s31 =	sor.u32 $0x8470, s0;
	v7 =	vld [tilespmem:s0+$0x4030]  }
0x275: {  	s20 =	sor.u32 $0x8460, s0;
	[tilespmem:s31+$0x0] =	vst.add.f32.msk $0xffff, v0  }
0x276: {  	v8 =	vld [tilespmem:s0+$0x4040]  }
0x277: {  	v9 =	vld [tilespmem:s0+$0x4050]  }
0x278: {  	v10 =	vld [tilespmem:s0+$0x4060]  }
0x279: {  	v11 =	vld [tilespmem:s0+$0x4070]  }
0x27a: {  	v12 =	vld [tilespmem:s0+$0x4400]  }
0x27b: {  	v13 =	vld [tilespmem:s0+$0x4410]  }
0x27c: {  	v14 =	vld [tilespmem:s0+$0x4420]  }
0x27d: {  	v3 =	vld [tilespmem:s0+$0x4430]  }
0x27e: {  	v2 =	vld [tilespmem:s0+$0x4440]  }
0x27f: {  	v0 =	vld [tilespmem:s0+$0x4450]  }
0x280: {  	v1 =	vld [tilespmem:s0+$0x4460]  }
0x281: {  	[tilespmem:s1+$0x0] =	vst.add.f32.msk $0xffff, v4  }
0x282: {  	[tilespmem:s2+$0x0] =	vst.add.f32.msk $0xffff, v5  }
0x283: {  	[tilespmem:s3+$0x0] =	vst.add.f32.msk $0xffff, v6  }
0x284: {  	[tilespmem:s10+$0x0] =	vst.add.f32.msk $0xffff, v7  }
0x285: {  	[tilespmem:s13+$0x0] =	vst.add.f32.msk $0xffff, v8  }
0x286: {  	[tilespmem:s16+$0x0] =	vst.add.f32.msk $0xffff, v9  }
.Ltmp6:
0x287: {  	[tilespmem:s23+$0x0] =	vst.add.f32.msk $0xffff, v10;
	(pc) =	sbr.rel @p0 .LBB2_14-.Ltmp6, $4  }
0x288: {  	[tilespmem:s24+$0x0] =	vst.add.f32.msk $0xffff, v11  }
0x289: {  	[tilespmem:s25+$0x0] =	vst.add.f32.msk $0xffff, v12  }
0x28a: {  	[tilespmem:s26+$0x0] =	vst.add.f32.msk $0xffff, v13  }
0x28b: {  	[tilespmem:s28+$0x0] =	vst.add.f32.msk $0xffff, v14  }
0x28c: {  	[tilespmem:s22+$0x0] =	vst.add.f32.msk $0xffff, v3  }
0x28d: {  	[tilespmem:s21+$0x0] =	vst.add.f32.msk $0xffff, v2  }
0x28e: {  	[tilespmem:s18+$0x0] =	vst.add.f32.msk $0xffff, v0  }
0x28f: {  	[tilespmem:s20+$0x0] =	vst.add.f32.msk $0xffff, v1  }
0x290: {  	s17 =	simm.s32 $0x0;
	s1 =	simm.s32 $0x8000;
	s0 =	rddreg [dreg:$0x11]  }
0x291: {  	[hbm4b:s0+s17] =	stream.linear.scatter [tilespmem:s1], [sflag:$0x6], $0x4000, $0x38;
	[tilespmem:$0x14000] =	vst v63  }
0x292: {  	_ =	swait.ge [sflag:s5], $0x4000  }
0x293: {  	[sflag:s5] =	ssyncset.done $0x0  }
0x294: {  	s8 =	simm.s32 $0x10000;
	s3 =	rddreg [dreg:$0x13];
	[sflag:s5] =	ssyncadd.s32 $0xFFFFC000  }
0x295: {  	[tilespmem:s8], [sflag:$0x5] =	stream.linear.gather [hbm4b:s3+s17], $0x4000, $0x38;
	[tilespmem:$0x14000] =	vst v63  }
0x296: {  	s2 =	simm.s32 $0x4;
	s8 =	simm.s32 $0x0  }
0x297: {  	s11 =	sand.u32 $0x1800, s17;
	_ =	swait.ge [sflag:s2], $0x4000;
	s10 =	sand.u32 $0x2000, s8  }
0x298: {  	s13 =	sand.u32 $0x380, s17;
	[sflag:s2] =	ssyncset.done $0x0;
	s0 =	sor.u32 s10, s11  }
0x299: {  	[sflag:s2] =	ssyncadd.s32 $0xFFFFC000;
	s0 =	sor.u32 s13, s0  }
0x29a: {  	v0 =	vld [tilespmem:s0+$0x4470]  }
0x29b: {  	v4 =	vld [tilespmem:s0+$0x4000]  }
0x29c: {  	v5 =	vld [tilespmem:s0+$0x4010]  }
0x29d: {  	v6 =	vld [tilespmem:s0+$0x4020]  }
0x29e: {  	v7 =	vld [tilespmem:s0+$0x4030]  }
0x29f: {  	v8 =	vld [tilespmem:s0+$0x4040]  }
0x2a0: {  	v9 =	vld [tilespmem:s0+$0x4050]  }
0x2a1: {  	v10 =	vld [tilespmem:s0+$0x4060]  }
0x2a2: {  	v11 =	vld [tilespmem:s0+$0x4070]  }
0x2a3: {  	v12 =	vld [tilespmem:s0+$0x4400]  }
0x2a4: {  	v13 =	vld [tilespmem:s0+$0x4410]  }
0x2a5: {  	v14 =	vld [tilespmem:s0+$0x4420]  }
0x2a6: {  	v3 =	vld [tilespmem:s0+$0x4430]  }
0x2a7: {  	v2 =	vld [tilespmem:s0+$0x4440]  }
0x2a8: {  	s1 =	sor.u32 $0xC470, s0;
	v1 =	vld [tilespmem:s0+$0x4460]  }
0x2a9: {  	[tilespmem:s1+$0x0] =	vst.add.f32.msk $0xffff, v0  }
0x2aa: {  	s16 =	sor.u32 $0xC000, s0;
	v0 =	vld [tilespmem:s0+$0x4450]  }
0x2ab: {  	s18 =	sor.u32 $0xC010, s0;
	[tilespmem:s16+$0x0] =	vst.add.f32.msk $0xffff, v4  }
0x2ac: {  	s20 =	sor.u32 $0xC020, s0;
	[tilespmem:s18+$0x0] =	vst.add.f32.msk $0xffff, v5  }
0x2ad: {  	s21 =	sor.u32 $0xC030, s0;
	[tilespmem:s20+$0x0] =	vst.add.f32.msk $0xffff, v6  }
0x2ae: {  	s22 =	sor.u32 $0xC040, s0;
	[tilespmem:s21+$0x0] =	vst.add.f32.msk $0xffff, v7  }
0x2af: {  	s23 =	sor.u32 $0xC050, s0;
	[tilespmem:s22+$0x0] =	vst.add.f32.msk $0xffff, v8  }
0x2b0: {  	s24 =	sor.u32 $0xC060, s0;
	[tilespmem:s23+$0x0] =	vst.add.f32.msk $0xffff, v9  }
0x2b1: {  	s25 =	sor.u32 $0xC070, s0;
	[tilespmem:s24+$0x0] =	vst.add.f32.msk $0xffff, v10  }
0x2b2: {  	s26 =	sor.u32 $0xC400, s0;
	[tilespmem:s25+$0x0] =	vst.add.f32.msk $0xffff, v11  }
0x2b3: {  	s28 =	sor.u32 $0xC410, s0;
	[tilespmem:s26+$0x0] =	vst.add.f32.msk $0xffff, v12  }
0x2b4: {  	s11 =	simm.s32 $0x0;
	s31 =	sor.u32 $0xC420, s0;
	s22 =	sor.u32 $0xC430, s0;
	[tilespmem:s28+$0x0] =	vst.add.f32.msk $0xffff, v13  }
0x2b5: {  	s21 =	sor.u32 $0xC440, s0;
	s18 =	sor.u32 $0xC450, s0;
	s20 =	sor.u32 $0xC460, s0;
	[tilespmem:s31+$0x0] =	vst.add.f32.msk $0xffff, v14  }
.LBB2_16:
0x2b6: {  	s8 =	sadd.s32 $0x100, s8;
	[tilespmem:s22+$0x0] =	vst.add.f32.msk $0xffff, v3;
	s17 =	sadd.s32 $0x800, s17  }
0x2b7: {  	s11 =	sadd.s32 $0x20, s11;
	s0 =	sand.u32 $0x2000, s8;
	s1 =	sand.u32 $0x1800, s17;
	[tilespmem:s21+$0x0] =	vst.add.f32.msk $0xffff, v2  }
0x2b8: {  	p0 =	slt.u32 s8, $0x3F00;
	s0 =	sor.u32 s0, s1;
	s1 =	sand.u32 $0x380, s11;
	[tilespmem:s18+$0x0] =	vst.add.f32.msk $0xffff, v0  }
0x2b9: {  	s0 =	sor.u32 s1, s0;
	[tilespmem:s20+$0x0] =	vst.add.f32.msk $0xffff, v1  }
0x2ba: {  	s1 =	sor.u32 $0xC000, s0;
	s2 =	sor.u32 $0xC010, s0;
	s3 =	sor.u32 $0xC020, s0;
	v0 =	vld [tilespmem:s0+$0x4470]  }
0x2bb: {  	s10 =	sor.u32 $0xC030, s0;
	s13 =	sor.u32 $0xC040, s0;
	s16 =	sor.u32 $0xC050, s0;
	v4 =	vld [tilespmem:s0+$0x4000]  }
0x2bc: {  	s23 =	sor.u32 $0xC060, s0;
	s24 =	sor.u32 $0xC070, s0;
	s25 =	sor.u32 $0xC400, s0;
	v5 =	vld [tilespmem:s0+$0x4010]  }
0x2bd: {  	s26 =	sor.u32 $0xC410, s0;
	s28 =	sor.u32 $0xC420, s0;
	s22 =	sor.u32 $0xC430, s0;
	v6 =	vld [tilespmem:s0+$0x4020]  }
0x2be: {  	s21 =	sor.u32 $0xC440, s0;
	s18 =	sor.u32 $0xC450, s0;
	s31 =	sor.u32 $0xC470, s0;
	v7 =	vld [tilespmem:s0+$0x4030]  }
0x2bf: {  	s20 =	sor.u32 $0xC460, s0;
	[tilespmem:s31+$0x0] =	vst.add.f32.msk $0xffff, v0  }
0x2c0: {  	v8 =	vld [tilespmem:s0+$0x4040]  }
0x2c1: {  	v9 =	vld [tilespmem:s0+$0x4050]  }
0x2c2: {  	v10 =	vld [tilespmem:s0+$0x4060]  }
0x2c3: {  	v11 =	vld [tilespmem:s0+$0x4070]  }
0x2c4: {  	v12 =	vld [tilespmem:s0+$0x4400]  }
0x2c5: {  	v13 =	vld [tilespmem:s0+$0x4410]  }
0x2c6: {  	v14 =	vld [tilespmem:s0+$0x4420]  }
0x2c7: {  	v3 =	vld [tilespmem:s0+$0x4430]  }
0x2c8: {  	v2 =	vld [tilespmem:s0+$0x4440]  }
0x2c9: {  	v0 =	vld [tilespmem:s0+$0x4450]  }
0x2ca: {  	v1 =	vld [tilespmem:s0+$0x4460]  }
0x2cb: {  	[tilespmem:s1+$0x0] =	vst.add.f32.msk $0xffff, v4  }
0x2cc: {  	[tilespmem:s2+$0x0] =	vst.add.f32.msk $0xffff, v5  }
0x2cd: {  	[tilespmem:s3+$0x0] =	vst.add.f32.msk $0xffff, v6  }
0x2ce: {  	[tilespmem:s10+$0x0] =	vst.add.f32.msk $0xffff, v7  }
0x2cf: {  	[tilespmem:s13+$0x0] =	vst.add.f32.msk $0xffff, v8  }
0x2d0: {  	[tilespmem:s16+$0x0] =	vst.add.f32.msk $0xffff, v9  }
.Ltmp7:
0x2d1: {  	[tilespmem:s23+$0x0] =	vst.add.f32.msk $0xffff, v10;
	(pc) =	sbr.rel @p0 .LBB2_16-.Ltmp7, $4  }
0x2d2: {  	[tilespmem:s24+$0x0] =	vst.add.f32.msk $0xffff, v11  }
0x2d3: {  	[tilespmem:s25+$0x0] =	vst.add.f32.msk $0xffff, v12  }
0x2d4: {  	[tilespmem:s26+$0x0] =	vst.add.f32.msk $0xffff, v13  }
0x2d5: {  	[tilespmem:s28+$0x0] =	vst.add.f32.msk $0xffff, v14  }
0x2d6: {  	[tilespmem:s22+$0x0] =	vst.add.f32.msk $0xffff, v3  }
0x2d7: {  	[tilespmem:s21+$0x0] =	vst.add.f32.msk $0xffff, v2  }
0x2d8: {  	[tilespmem:s18+$0x0] =	vst.add.f32.msk $0xffff, v0  }
0x2d9: {  	[tilespmem:s20+$0x0] =	vst.add.f32.msk $0xffff, v1  }
0x2da: {  	s0 =	simm.s32 $0x0;
	s1 =	rddreg [dreg:$0x12]  }
0x2db: {  	[hbm4b:s1+s0] =	stream.linear.scatter [tilespmem:s9], [sflag:$0x7], $0x4000, $0x38;
	[tilespmem:$0x14000] =	vst v63  }
0x2dc: {  	_ =	swait.ge [sflag:s14], $0x4000  }
0x2dd: {  	s2 =	simm.s32 $0x8000;
	[sflag:s14] =	ssyncset.done $0x0  }
0x2de: {  	s21 =	simm.s32 $0x1;
	s20 =	rddreg [dreg:$0x15];
	[sflag:s14] =	ssyncadd.s32 $0xFFFFC000  }
0x2df: {  	[tilespmem:s2], [sflag:$0x3] =	stream.linear.gather [hbm4b:s20+s0], $0x4000, $0x38;
	[tilespmem:$0x14000] =	vst v63  }
0x2e0: {  	_ =	swait.ge [sflag:s21], $0x4000  }
0x2e1: {  	[sflag:s21] =	ssyncset.done $0x0  }
0x2e2: {  	s22 =	simm.s32 $0x4000;
	[sflag:s21] =	ssyncadd.s32 $0xFFFFC000  }
0x2e3: {  	[tilespmem:s22], [sflag:$0x2] =	stream.strided.gather [hbm4b:s19+s29], $0x400, s30, s29, $0x38;
	[tilespmem:$0x14000] =	vst v63  }
0x2e4: {  	s23 =	sadd.s32 $0x10, s19;
	s24 =	simm.s32 $0x4400  }
0x2e5: {  	[tilespmem:s24], [sflag:$0x2] =	stream.strided.gather [hbm4b:s23+s29], $0x400, s30, s29, $0x38;
	[tilespmem:$0x14000] =	vst v63  }
0x2e6: {  	s25 =	sadd.s32 $0x20, s19;
	s26 =	simm.s32 $0x4800  }
0x2e7: {  	[tilespmem:s26], [sflag:$0x2] =	stream.strided.gather [hbm4b:s25+s29], $0x400, s30, s29, $0x38;
	[tilespmem:$0x14000] =	vst v63  }
0x2e8: {  	s28 =	sadd.s32 $0x30, s19;
	s31 =	simm.s32 $0x4C00  }
0x2e9: {  	[tilespmem:s31], [sflag:$0x2] =	stream.strided.gather [hbm4b:s28+s29], $0x400, s30, s29, $0x38;
	[tilespmem:$0x14000] =	vst v63  }
0x2ea: {  	s3 =	simm.s32 $0x5000;
	s2 =	sadd.s32 $0x40, s19  }
0x2eb: {  	[tilespmem:s3], [sflag:$0x2] =	stream.strided.gather [hbm4b:s2+s29], $0x400, s30, s29, $0x38;
	[tilespmem:$0x14000] =	vst v63  }
0x2ec: {  	s8 =	sadd.s32 $0x50, s19;
	s10 =	simm.s32 $0x5400  }
0x2ed: {  	[tilespmem:s10], [sflag:$0x2] =	stream.strided.gather [hbm4b:s8+s29], $0x400, s30, s29, $0x38;
	[tilespmem:$0x14000] =	vst v63  }
0x2ee: {  	s11 =	sadd.s32 $0x60, s19;
	s13 =	simm.s32 $0x5800  }
0x2ef: {  	[tilespmem:s13], [sflag:$0x2] =	stream.strided.gather [hbm4b:s11+s29], $0x400, s30, s29, $0x38;
	[tilespmem:$0x14000] =	vst v63  }
0x2f0: {  	s16 =	sadd.s32 $0x70, s19;
	s17 =	simm.s32 $0x5C00  }
0x2f1: {  	[tilespmem:s17], [sflag:$0x2] =	stream.strided.gather [hbm4b:s16+s29], $0x400, s30, s29, $0x38;
	[tilespmem:$0x14000] =	vst v63  }
0x2f2: {  	s18 =	sadd.s32 $0x400, s19;
	s20 =	simm.s32 $0x6000  }
0x2f3: {  	[tilespmem:s20], [sflag:$0x2] =	stream.strided.gather [hbm4b:s18+s29], $0x400, s30, s29, $0x38;
	[tilespmem:$0x14000] =	vst v63  }
0x2f4: {  	s21 =	sadd.s32 $0x410, s19;
	s22 =	simm.s32 $0x6400  }
0x2f5: {  	[tilespmem:s22], [sflag:$0x2] =	stream.strided.gather [hbm4b:s21+s29], $0x400, s30, s29, $0x38;
	[tilespmem:$0x14000] =	vst v63  }
0x2f6: {  	s23 =	sadd.s32 $0x420, s19;
	s24 =	simm.s32 $0x6800  }
0x2f7: {  	[tilespmem:s24], [sflag:$0x2] =	stream.strided.gather [hbm4b:s23+s29], $0x400, s30, s29, $0x38;
	[tilespmem:$0x14000] =	vst v63  }
0x2f8: {  	s25 =	sadd.s32 $0x430, s19;
	s26 =	simm.s32 $0x6C00  }
0x2f9: {  	[tilespmem:s26], [sflag:$0x2] =	stream.strided.gather [hbm4b:s25+s29], $0x400, s30, s29, $0x38;
	[tilespmem:$0x14000] =	vst v63  }
0x2fa: {  	s28 =	sadd.s32 $0x440, s19;
	s31 =	simm.s32 $0x7000  }
0x2fb: {  	[tilespmem:s31], [sflag:$0x2] =	stream.strided.gather [hbm4b:s28+s29], $0x400, s30, s29, $0x38;
	[tilespmem:$0x14000] =	vst v63  }
0x2fc: {  	s3 =	sadd.s32 $0x450, s19;
	s8 =	simm.s32 $0x7400  }
0x2fd: {  	[tilespmem:s8], [sflag:$0x2] =	stream.strided.gather [hbm4b:s3+s29], $0x400, s30, s29, $0x38;
	[tilespmem:$0x14000] =	vst v63  }
0x2fe: {  	s10 =	sadd.s32 $0x460, s19;
	s11 =	simm.s32 $0x7800  }
0x2ff: {  	[tilespmem:s11], [sflag:$0x2] =	stream.strided.gather [hbm4b:s10+s29], $0x400, s30, s29, $0x38;
	[tilespmem:$0x14000] =	vst v63  }
0x300: {  	s13 =	sadd.s32 $0x470, s19;
	s16 =	simm.s32 $0x7C00;
	s17 =	simm.s32 $0x0  }
0x301: {  	[tilespmem:s16], [sflag:$0x2] =	stream.strided.gather [hbm4b:s13+s29], $0x400, s30, s29, $0x38;
	[tilespmem:$0x14000] =	vst v63  }
0x302: {  	s1 =	sand.u32 $0x2000, s17;
	s18 =	sand.u32 $0x1C00, s0;
	_ =	swait.ge [sflag:s6], $0x4000  }
0x303: {  	s0 =	sand.u32 $0x380, s0;
	s1 =	sor.u32 s1, s18;
	[sflag:s6] =	ssyncset.done $0x0  }
0x304: {  	s0 =	sor.u32 s0, s1;
	[sflag:s6] =	ssyncadd.s32 $0xFFFFC000  }
0x305: {  	v0 =	vld [tilespmem:s0+$0x0]  }
0x306: {  	v1 =	vld [tilespmem:s0+$0x50]  }
0x307: {  	v3 =	vld [tilespmem:s0+$0x10]  }
0x308: {  	s17 =	simm.s32 $0x80;
	s18 =	simm.s32 $0x400;
	v2 =	vld [tilespmem:s0+$0x70]  }
0x309: {  	s20 =	sand.u32 $0x2000, s17;
	s3 =	sand.u32 $0x1C00, s18;
	s11 =	simm.s32 $0x10;
	v6 =	vld [tilespmem:s0+$0x30]  }
0x30a: {  	s21 =	sor.u32 s20, s3;
	s22 =	sand.u32 $0x380, s11;
	v4 =	vld [tilespmem:s0+$0x40];
	v0 =	vmul.f32 $2.000000090e-03, v0  }
0x30b: {  	s8 =	sor.u32 s22, s21;
	v5 =	vld [tilespmem:s0+$0x60];
	v1 =	vmul.f32 $2.000000090e-03, v1  }
0x30c: {  	v8 =	vld [tilespmem:s8+$0x0];
	v3 =	vmul.f32 $2.000000090e-03, v3;
	[tilespmem:s0+$0x0] =	vst v0  }
0x30d: {  	v10 =	vld [tilespmem:s8+$0x60];
	[tilespmem:s0+$0x50] =	vst v1  }
0x30e: {  	s1 =	sor.u32 $0x10000, s0;
	v7 =	vmul.f32 $2.000000090e-03, v2;
	v2 =	vld [tilespmem:s0+$0x20];
	v6 =	vmul.f32 $2.000000090e-03, v6;
	[tilespmem:s0+$0x10] =	vst v3  }
0x30f: {  	[tilespmem:s1+$0x0] =	vst.add.f32.msk $0xffff, v0  }
0x310: {  	s23 =	sor.u32 $0x10050, s0;
	v4 =	vmul.f32 $2.000000090e-03, v4;
	[tilespmem:s0+$0x30] =	vst v6;
	v0 =	vld [tilespmem:s8+$0x10]  }
0x311: {  	[tilespmem:s23+$0x0] =	vst.add.f32.msk $0xffff, v1  }
0x312: {  	s24 =	sor.u32 $0x10010, s0;
	[tilespmem:s0+$0x40] =	vst v4;
	v1 =	vld [tilespmem:s8+$0x40]  }
0x313: {  	s25 =	sor.u32 $0x10040, s0;
	[tilespmem:s24+$0x0] =	vst.add.f32.msk $0xffff, v3  }
0x314: {  	s26 =	sor.u32 $0x10030, s0;
	[tilespmem:s25+$0x0] =	vst.add.f32.msk $0xffff, v4  }
0x315: {  	[tilespmem:s26+$0x0] =	vst.add.f32.msk $0xffff, v6  }
0x316: {  	s31 =	sor.u32 $0x10070, s0;
	[tilespmem:s0+$0x70] =	vst v7;
	v9 =	vmul.f32 $2.000000090e-03, v2;
	v2 =	vmul.f32 $2.000000090e-03, v5;
	v5 =	vld [tilespmem:s8+$0x50]  }
0x317: {  	[tilespmem:s31+$0x0] =	vst.add.f32.msk $0xffff, v7  }
0x318: {  	v3 =	vld [tilespmem:s8+$0x70];
	[tilespmem:s0+$0x20] =	vst v9  }
0x319: {  	s28 =	sor.u32 $0x10020, s0;
	v6 =	vmul.f32 $2.000000090e-03, v8;
	[tilespmem:s0+$0x60] =	vst v2  }
0x31a: {  	s21 =	sor.u32 $0x10060, s0;
	s22 =	sor.u32 $0x10000, s8;
	s20 =	sor.u32 $0x10060, s8;
	v4 =	vmul.f32 $2.000000090e-03, v10;
	[tilespmem:s28+$0x0] =	vst.add.f32.msk $0xffff, v9;
	v1 =	vmul.f32 $2.000000090e-03, v1  }
.LBB2_18:
0x31b: {  	s17 =	sadd.s32 $0x80, s17;
	[tilespmem:s8+$0x0] =	vst v6;
	v7 =	vld [tilespmem:s8+$0x30];
	v5 =	vmul.f32 $2.000000090e-03, v5;
	s18 =	sadd.s32 $0x400, s18;
	s11 =	sadd.s32 $0x10, s11  }
0x31c: {  	s0 =	sand.u32 $0x2000, s17;
	s1 =	sand.u32 $0x1C00, s18;
	p0 =	slt.u32 s17, $0x3F80;
	[tilespmem:s22+$0x0] =	vst.add.f32.msk $0xffff, v6  }
0x31d: {  	v8 =	vmul.f32 $2.000000090e-03, v3;
	v6 =	vmul.f32 $2.000000090e-03, v0;
	s0 =	sor.u32 s0, s1;
	s1 =	sand.u32 $0x380, s11;
	[tilespmem:s21+$0x0] =	vst.add.f32.msk $0xffff, v2;
	v2 =	vmov v4;
	s21 =	smov.u32 s20  }
0x31e: {  	s0 =	sor.u32 s1, s0;
	v3 =	vld [tilespmem:s8+$0x20];
	[tilespmem:s8+$0x50] =	vst v5  }
0x31f: {  	s1 =	sor.u32 $0x10050, s8;
	s22 =	sor.u32 $0x10000, s0;
	v0 =	vld [tilespmem:s0+$0x10];
	s20 =	sor.u32 $0x10060, s0;
	[tilespmem:s8+$0x70] =	vst v8  }
0x320: {  	[tilespmem:s1+$0x0] =	vst.add.f32.msk $0xffff, v5  }
0x321: {  	s1 =	sor.u32 $0x10010, s8;
	v7 =	vmul.f32 $2.000000090e-03, v7;
	v4 =	vld [tilespmem:s0+$0x40];
	[tilespmem:s8+$0x10] =	vst v6  }
0x322: {  	[tilespmem:s1+$0x0] =	vst.add.f32.msk $0xffff, v6  }
0x323: {  	v6 =	vld [tilespmem:s0+$0x0];
	v9 =	vmul.f32 $2.000000090e-03, v3;
	[tilespmem:s8+$0x30] =	vst v7  }
0x324: {  	v10 =	vld [tilespmem:s0+$0x60];
	[tilespmem:s8+$0x40] =	vst v1  }
0x325: {  	v3 =	vld [tilespmem:s0+$0x70];
	[tilespmem:s8+$0x20] =	vst v9  }
.Ltmp8:
0x326: {  	s1 =	sor.u32 $0x10040, s8;
	v5 =	vld [tilespmem:s0+$0x50];
	[tilespmem:s8+$0x60] =	vst v2;
	(pc) =	sbr.rel @p0 .LBB2_18-.Ltmp8, $4  }
0x327: {  	s2 =	sor.u32 $0x10030, s8;
	[tilespmem:s1+$0x0] =	vst.add.f32.msk $0xffff, v1  }
0x328: {  	v1 =	vmul.f32 $2.000000090e-03, v4;
	s1 =	sor.u32 $0x10020, s8;
	[tilespmem:s2+$0x0] =	vst.add.f32.msk $0xffff, v7  }
0x329: {  	v6 =	vmul.f32 $2.000000090e-03, v6;
	[tilespmem:s1+$0x0] =	vst.add.f32.msk $0xffff, v9;
	s1 =	sor.u32 $0x10070, s8;
	s8 =	smov.u32 s0  }
0x32a: {  	v4 =	vmul.f32 $2.000000090e-03, v10;
	[tilespmem:s1+$0x0] =	vst.add.f32.msk $0xffff, v8  }
0x32b: {  	[tilespmem:s8+$0x0] =	vst v6  }
0x32c: {  	[tilespmem:s21+$0x0] =	vst.add.f32.msk $0xffff, v2  }
0x32d: {  	[tilespmem:s8+$0x40] =	vst v1  }
0x32e: {  	[tilespmem:s22+$0x0] =	vst.add.f32.msk $0xffff, v6  }
0x32f: {  	v5 =	vmul.f32 $2.000000090e-03, v5;
	s31 =	sor.u32 $0x10040, s8;
	[tilespmem:s8+$0x60] =	vst v4  }
0x330: {  	v3 =	vmul.f32 $2.000000090e-03, v3;
	[tilespmem:s31+$0x0] =	vst.add.f32.msk $0xffff, v1  }
0x331: {  	v7 =	vld [tilespmem:s8+$0x30];
	v0 =	vmul.f32 $2.000000090e-03, v0;
	[tilespmem:s8+$0x50] =	vst v5  }
0x332: {  	v2 =	vld [tilespmem:s8+$0x20];
	[tilespmem:s8+$0x70] =	vst v3  }
0x333: {  	[tilespmem:s8+$0x10] =	vst v0  }
0x334: {  	s0 =	sor.u32 $0x10050, s8;
	[tilespmem:s20+$0x0] =	vst.add.f32.msk $0xffff, v4  }
0x335: {  	s28 =	sor.u32 $0x10010, s8;
	[tilespmem:s0+$0x0] =	vst.add.f32.msk $0xffff, v5  }
0x336: {  	s3 =	sor.u32 $0x10070, s8;
	[tilespmem:s28+$0x0] =	vst.add.f32.msk $0xffff, v0;
	v5 =	vmul.f32 $2.000000090e-03, v7  }
0x337: {  	[tilespmem:s3+$0x0] =	vst.add.f32.msk $0xffff, v3;
	v0 =	vmul.f32 $2.000000090e-03, v2  }
0x338: {  	[tilespmem:s8+$0x30] =	vst v5  }
0x339: {  	s1 =	sor.u32 $0x10030, s8;
	[tilespmem:s8+$0x20] =	vst v0  }
0x33a: {  	s2 =	sor.u32 $0x10020, s8;
	[tilespmem:s1+$0x0] =	vst.add.f32.msk $0xffff, v5  }
0x33b: {  	[tilespmem:s2+$0x0] =	vst.add.f32.msk $0xffff, v0  }
0x33c: {  	s17 =	simm.s32 $0x0;
	s8 =	simm.s32 $0x10000;
	s0 =	rddreg [dreg:$0x14]  }
0x33d: {  	[hbm4b:s0+s17] =	stream.linear.scatter [tilespmem:s8], [sflag:$0x8], $0x4000, $0x38;
	[tilespmem:$0x14000] =	vst v63  }
0x33e: {  	_ =	swait.ge [sflag:s15], $0x4000  }
0x33f: {  	[sflag:s15] =	ssyncset.done $0x0  }
0x340: {  	s8 =	simm.s32 $0x0;
	s10 =	rddreg [dreg:$0x17];
	[sflag:s15] =	ssyncadd.s32 $0xFFFFC000  }
0x341: {  	[tilespmem:s9], [sflag:$0x4] =	stream.linear.gather [hbm4b:s10+s17], $0x4000, $0x38;
	[tilespmem:$0x14000] =	vst v63  }
0x342: {  	s13 =	sand.u32 $0x1800, s17;
	s11 =	sand.u32 $0x2000, s8;
	_ =	swait.ge [sflag:s7], $0x4000  }
0x343: {  	s16 =	sand.u32 $0x380, s17;
	s0 =	sor.u32 s11, s13;
	[sflag:s7] =	ssyncset.done $0x0  }
0x344: {  	s0 =	sor.u32 s16, s0;
	[sflag:s7] =	ssyncadd.s32 $0xFFFFC000  }
0x345: {  	v0 =	vld [tilespmem:s0+$0x470]  }
0x346: {  	v4 =	vld [tilespmem:s0+$0x0]  }
0x347: {  	v5 =	vld [tilespmem:s0+$0x10]  }
0x348: {  	v62 =	vld [tilespmem:s0+$0x20]  }
0x349: {  	v63 =	vld [tilespmem:s0+$0x30]  }
0x34a: {  	v8 =	vld [tilespmem:s0+$0x40]  }
0x34b: {  	v9 =	vld [tilespmem:s0+$0x50]  }
0x34c: {  	v10 =	vld [tilespmem:s0+$0x60]  }
0x34d: {  	v11 =	vld [tilespmem:s0+$0x70]  }
0x34e: {  	v12 =	vld [tilespmem:s0+$0x400]  }
0x34f: {  	v13 =	vld [tilespmem:s0+$0x410]  }
0x350: {  	v14 =	vld [tilespmem:s0+$0x420]  }
0x351: {  	v3 =	vld [tilespmem:s0+$0x430]  }
0x352: {  	v2 =	vld [tilespmem:s0+$0x440]  }
0x353: {  	s1 =	sor.u32 $0x8470, s0;
	v1 =	vld [tilespmem:s0+$0x460]  }
0x354: {  	[tilespmem:s1+$0x0] =	vst.add.f32.msk $0xffff, v0  }
0x355: {  	s18 =	sor.u32 $0x8000, s0;
	v0 =	vld [tilespmem:s0+$0x450]  }
0x356: {  	s2 =	sor.u32 $0x8010, s0;
	[tilespmem:s18+$0x0] =	vst.add.f32.msk $0xffff, v4  }
0x357: {  	s20 =	sor.u32 $0x8020, s0;
	[tilespmem:s2+$0x0] =	vst.add.f32.msk $0xffff, v5  }
0x358: {  	s21 =	sor.u32 $0x8030, s0;
	[tilespmem:s20+$0x0] =	vst.add.f32.msk $0xffff, v62  }
0x359: {  	s22 =	sor.u32 $0x8040, s0;
	[tilespmem:s21+$0x0] =	vst.add.f32.msk $0xffff, v63  }
0x35a: {  	s23 =	sor.u32 $0x8050, s0;
	[tilespmem:s22+$0x0] =	vst.add.f32.msk $0xffff, v8  }
0x35b: {  	s24 =	sor.u32 $0x8060, s0;
	[tilespmem:s23+$0x0] =	vst.add.f32.msk $0xffff, v9  }
0x35c: {  	s25 =	sor.u32 $0x8070, s0;
	[tilespmem:s24+$0x0] =	vst.add.f32.msk $0xffff, v10  }
0x35d: {  	s26 =	sor.u32 $0x8400, s0;
	[tilespmem:s25+$0x0] =	vst.add.f32.msk $0xffff, v11  }
0x35e: {  	s28 =	sor.u32 $0x8410, s0;
	[tilespmem:s26+$0x0] =	vst.add.f32.msk $0xffff, v12  }
0x35f: {  	s11 =	simm.s32 $0x0;
	s31 =	sor.u32 $0x8420, s0;
	s22 =	sor.u32 $0x8430, s0;
	[tilespmem:s28+$0x0] =	vst.add.f32.msk $0xffff, v13  }
0x360: {  	s21 =	sor.u32 $0x8440, s0;
	s18 =	sor.u32 $0x8450, s0;
	s20 =	sor.u32 $0x8460, s0;
	[tilespmem:s31+$0x0] =	vst.add.f32.msk $0xffff, v14  }
.LBB2_20:
0x361: {  	s8 =	sadd.s32 $0x100, s8;
	[tilespmem:s22+$0x0] =	vst.add.f32.msk $0xffff, v3;
	s17 =	sadd.s32 $0x800, s17  }
0x362: {  	s11 =	sadd.s32 $0x20, s11;
	s0 =	sand.u32 $0x2000, s8;
	s1 =	sand.u32 $0x1800, s17;
	[tilespmem:s21+$0x0] =	vst.add.f32.msk $0xffff, v2  }
0x363: {  	p0 =	slt.u32 s8, $0x3F00;
	s0 =	sor.u32 s0, s1;
	s1 =	sand.u32 $0x380, s11;
	[tilespmem:s18+$0x0] =	vst.add.f32.msk $0xffff, v0  }
0x364: {  	s0 =	sor.u32 s1, s0;
	[tilespmem:s20+$0x0] =	vst.add.f32.msk $0xffff, v1  }
0x365: {  	s1 =	sor.u32 $0x8000, s0;
	s2 =	sor.u32 $0x8010, s0;
	s3 =	sor.u32 $0x8020, s0;
	v0 =	vld [tilespmem:s0+$0x470]  }
0x366: {  	s10 =	sor.u32 $0x8030, s0;
	s13 =	sor.u32 $0x8040, s0;
	s16 =	sor.u32 $0x8050, s0;
	v4 =	vld [tilespmem:s0+$0x0]  }
0x367: {  	s23 =	sor.u32 $0x8060, s0;
	s24 =	sor.u32 $0x8070, s0;
	s25 =	sor.u32 $0x8400, s0;
	v5 =	vld [tilespmem:s0+$0x10]  }
0x368: {  	s26 =	sor.u32 $0x8410, s0;
	s28 =	sor.u32 $0x8420, s0;
	s22 =	sor.u32 $0x8430, s0;
	v6 =	vld [tilespmem:s0+$0x20]  }
0x369: {  	s21 =	sor.u32 $0x8440, s0;
	s18 =	sor.u32 $0x8450, s0;
	s31 =	sor.u32 $0x8470, s0;
	v7 =	vld [tilespmem:s0+$0x30]  }
0x36a: {  	s20 =	sor.u32 $0x8460, s0;
	[tilespmem:s31+$0x0] =	vst.add.f32.msk $0xffff, v0  }
0x36b: {  	v8 =	vld [tilespmem:s0+$0x40]  }
0x36c: {  	v9 =	vld [tilespmem:s0+$0x50]  }
0x36d: {  	v10 =	vld [tilespmem:s0+$0x60]  }
0x36e: {  	v11 =	vld [tilespmem:s0+$0x70]  }
0x36f: {  	v12 =	vld [tilespmem:s0+$0x400]  }
0x370: {  	v13 =	vld [tilespmem:s0+$0x410]  }
0x371: {  	v14 =	vld [tilespmem:s0+$0x420]  }
0x372: {  	v3 =	vld [tilespmem:s0+$0x430]  }
0x373: {  	v2 =	vld [tilespmem:s0+$0x440]  }
0x374: {  	v0 =	vld [tilespmem:s0+$0x450]  }
0x375: {  	v1 =	vld [tilespmem:s0+$0x460]  }
0x376: {  	[tilespmem:s1+$0x0] =	vst.add.f32.msk $0xffff, v4  }
0x377: {  	[tilespmem:s2+$0x0] =	vst.add.f32.msk $0xffff, v5  }
0x378: {  	[tilespmem:s3+$0x0] =	vst.add.f32.msk $0xffff, v6  }
0x379: {  	[tilespmem:s10+$0x0] =	vst.add.f32.msk $0xffff, v7  }
0x37a: {  	[tilespmem:s13+$0x0] =	vst.add.f32.msk $0xffff, v8  }
0x37b: {  	[tilespmem:s16+$0x0] =	vst.add.f32.msk $0xffff, v9  }
.Ltmp9:
0x37c: {  	[tilespmem:s23+$0x0] =	vst.add.f32.msk $0xffff, v10;
	(pc) =	sbr.rel @p0 .LBB2_20-.Ltmp9, $4  }
0x37d: {  	[tilespmem:s24+$0x0] =	vst.add.f32.msk $0xffff, v11  }
0x37e: {  	[tilespmem:s25+$0x0] =	vst.add.f32.msk $0xffff, v12  }
0x37f: {  	[tilespmem:s26+$0x0] =	vst.add.f32.msk $0xffff, v13  }
0x380: {  	[tilespmem:s28+$0x0] =	vst.add.f32.msk $0xffff, v14  }
0x381: {  	[tilespmem:s22+$0x0] =	vst.add.f32.msk $0xffff, v3  }
0x382: {  	[tilespmem:s21+$0x0] =	vst.add.f32.msk $0xffff, v2  }
0x383: {  	[tilespmem:s18+$0x0] =	vst.add.f32.msk $0xffff, v0  }
0x384: {  	[tilespmem:s20+$0x0] =	vst.add.f32.msk $0xffff, v1  }
0x385: {  	s17 =	simm.s32 $0x0;
	s1 =	simm.s32 $0x8000;
	s0 =	rddreg [dreg:$0x16]  }
0x386: {  	[hbm4b:s0+s17] =	stream.linear.scatter [tilespmem:s1], [sflag:$0x6], $0x4000, $0x38;
	[tilespmem:$0x14000] =	vst v63  }
0x387: {  	_ =	swait.ge [sflag:s5], $0x4000  }
0x388: {  	[sflag:s5] =	ssyncset.done $0x0  }
0x389: {  	s8 =	simm.s32 $0x10000;
	s3 =	rddreg [dreg:$0x19];
	[sflag:s5] =	ssyncadd.s32 $0xFFFFC000  }
0x38a: {  	[tilespmem:s8], [sflag:$0x5] =	stream.linear.gather [hbm4b:s3+s17], $0x4000, $0x38;
	[tilespmem:$0x14000] =	vst v63  }
0x38b: {  	s2 =	simm.s32 $0x4;
	s8 =	simm.s32 $0x0  }
0x38c: {  	s11 =	sand.u32 $0x1800, s17;
	_ =	swait.ge [sflag:s2], $0x4000;
	s10 =	sand.u32 $0x2000, s8  }
0x38d: {  	s13 =	sand.u32 $0x380, s17;
	[sflag:s2] =	ssyncset.done $0x0;
	s0 =	sor.u32 s10, s11  }
0x38e: {  	[sflag:s2] =	ssyncadd.s32 $0xFFFFC000;
	s0 =	sor.u32 s13, s0  }
0x38f: {  	v0 =	vld [tilespmem:s0+$0x470]  }
0x390: {  	v4 =	vld [tilespmem:s0+$0x0]  }
0x391: {  	v5 =	vld [tilespmem:s0+$0x10]  }
0x392: {  	v6 =	vld [tilespmem:s0+$0x20]  }
0x393: {  	v7 =	vld [tilespmem:s0+$0x30]  }
0x394: {  	v8 =	vld [tilespmem:s0+$0x40]  }
0x395: {  	v9 =	vld [tilespmem:s0+$0x50]  }
0x396: {  	v10 =	vld [tilespmem:s0+$0x60]  }
0x397: {  	v11 =	vld [tilespmem:s0+$0x70]  }
0x398: {  	v12 =	vld [tilespmem:s0+$0x400]  }
0x399: {  	v13 =	vld [tilespmem:s0+$0x410]  }
0x39a: {  	v14 =	vld [tilespmem:s0+$0x420]  }
0x39b: {  	v3 =	vld [tilespmem:s0+$0x430]  }
0x39c: {  	v2 =	vld [tilespmem:s0+$0x440]  }
0x39d: {  	s1 =	sor.u32 $0xC470, s0;
	v1 =	vld [tilespmem:s0+$0x460]  }
0x39e: {  	[tilespmem:s1+$0x0] =	vst.add.f32.msk $0xffff, v0  }
0x39f: {  	s16 =	sor.u32 $0xC000, s0;
	v0 =	vld [tilespmem:s0+$0x450]  }
0x3a0: {  	s18 =	sor.u32 $0xC010, s0;
	[tilespmem:s16+$0x0] =	vst.add.f32.msk $0xffff, v4  }
0x3a1: {  	s20 =	sor.u32 $0xC020, s0;
	[tilespmem:s18+$0x0] =	vst.add.f32.msk $0xffff, v5  }
0x3a2: {  	s21 =	sor.u32 $0xC030, s0;
	[tilespmem:s20+$0x0] =	vst.add.f32.msk $0xffff, v6  }
0x3a3: {  	s22 =	sor.u32 $0xC040, s0;
	[tilespmem:s21+$0x0] =	vst.add.f32.msk $0xffff, v7  }
0x3a4: {  	s23 =	sor.u32 $0xC050, s0;
	[tilespmem:s22+$0x0] =	vst.add.f32.msk $0xffff, v8  }
0x3a5: {  	s24 =	sor.u32 $0xC060, s0;
	[tilespmem:s23+$0x0] =	vst.add.f32.msk $0xffff, v9  }
0x3a6: {  	s25 =	sor.u32 $0xC070, s0;
	[tilespmem:s24+$0x0] =	vst.add.f32.msk $0xffff, v10  }
0x3a7: {  	s26 =	sor.u32 $0xC400, s0;
	[tilespmem:s25+$0x0] =	vst.add.f32.msk $0xffff, v11  }
0x3a8: {  	s28 =	sor.u32 $0xC410, s0;
	[tilespmem:s26+$0x0] =	vst.add.f32.msk $0xffff, v12  }
0x3a9: {  	s11 =	simm.s32 $0x0;
	s31 =	sor.u32 $0xC420, s0;
	s22 =	sor.u32 $0xC430, s0;
	[tilespmem:s28+$0x0] =	vst.add.f32.msk $0xffff, v13  }
0x3aa: {  	s21 =	sor.u32 $0xC440, s0;
	s18 =	sor.u32 $0xC450, s0;
	s20 =	sor.u32 $0xC460, s0;
	[tilespmem:s31+$0x0] =	vst.add.f32.msk $0xffff, v14  }
.LBB2_22:
0x3ab: {  	s8 =	sadd.s32 $0x100, s8;
	[tilespmem:s22+$0x0] =	vst.add.f32.msk $0xffff, v3;
	s17 =	sadd.s32 $0x800, s17  }
0x3ac: {  	s11 =	sadd.s32 $0x20, s11;
	s0 =	sand.u32 $0x2000, s8;
	s1 =	sand.u32 $0x1800, s17;
	[tilespmem:s21+$0x0] =	vst.add.f32.msk $0xffff, v2  }
0x3ad: {  	p0 =	slt.u32 s8, $0x3F00;
	s0 =	sor.u32 s0, s1;
	s1 =	sand.u32 $0x380, s11;
	[tilespmem:s18+$0x0] =	vst.add.f32.msk $0xffff, v0  }
0x3ae: {  	s0 =	sor.u32 s1, s0;
	[tilespmem:s20+$0x0] =	vst.add.f32.msk $0xffff, v1  }
0x3af: {  	s1 =	sor.u32 $0xC000, s0;
	s2 =	sor.u32 $0xC010, s0;
	s3 =	sor.u32 $0xC020, s0;
	v0 =	vld [tilespmem:s0+$0x470]  }
0x3b0: {  	s10 =	sor.u32 $0xC030, s0;
	s13 =	sor.u32 $0xC040, s0;
	s16 =	sor.u32 $0xC050, s0;
	v4 =	vld [tilespmem:s0+$0x0]  }
0x3b1: {  	s23 =	sor.u32 $0xC060, s0;
	s24 =	sor.u32 $0xC070, s0;
	s25 =	sor.u32 $0xC400, s0;
	v5 =	vld [tilespmem:s0+$0x10]  }
0x3b2: {  	s26 =	sor.u32 $0xC410, s0;
	s28 =	sor.u32 $0xC420, s0;
	s22 =	sor.u32 $0xC430, s0;
	v6 =	vld [tilespmem:s0+$0x20]  }
0x3b3: {  	s21 =	sor.u32 $0xC440, s0;
	s18 =	sor.u32 $0xC450, s0;
	s31 =	sor.u32 $0xC470, s0;
	v7 =	vld [tilespmem:s0+$0x30]  }
0x3b4: {  	s20 =	sor.u32 $0xC460, s0;
	[tilespmem:s31+$0x0] =	vst.add.f32.msk $0xffff, v0  }
0x3b5: {  	v8 =	vld [tilespmem:s0+$0x40]  }
0x3b6: {  	v9 =	vld [tilespmem:s0+$0x50]  }
0x3b7: {  	v10 =	vld [tilespmem:s0+$0x60]  }
0x3b8: {  	v11 =	vld [tilespmem:s0+$0x70]  }
0x3b9: {  	v12 =	vld [tilespmem:s0+$0x400]  }
0x3ba: {  	v13 =	vld [tilespmem:s0+$0x410]  }
0x3bb: {  	v14 =	vld [tilespmem:s0+$0x420]  }
0x3bc: {  	v3 =	vld [tilespmem:s0+$0x430]  }
0x3bd: {  	v2 =	vld [tilespmem:s0+$0x440]  }
0x3be: {  	v0 =	vld [tilespmem:s0+$0x450]  }
0x3bf: {  	v1 =	vld [tilespmem:s0+$0x460]  }
0x3c0: {  	[tilespmem:s1+$0x0] =	vst.add.f32.msk $0xffff, v4  }
0x3c1: {  	[tilespmem:s2+$0x0] =	vst.add.f32.msk $0xffff, v5  }
0x3c2: {  	[tilespmem:s3+$0x0] =	vst.add.f32.msk $0xffff, v6  }
0x3c3: {  	[tilespmem:s10+$0x0] =	vst.add.f32.msk $0xffff, v7  }
0x3c4: {  	[tilespmem:s13+$0x0] =	vst.add.f32.msk $0xffff, v8  }
0x3c5: {  	[tilespmem:s16+$0x0] =	vst.add.f32.msk $0xffff, v9  }
.Ltmp10:
0x3c6: {  	[tilespmem:s23+$0x0] =	vst.add.f32.msk $0xffff, v10;
	(pc) =	sbr.rel @p0 .LBB2_22-.Ltmp10, $4  }
0x3c7: {  	[tilespmem:s24+$0x0] =	vst.add.f32.msk $0xffff, v11  }
0x3c8: {  	[tilespmem:s25+$0x0] =	vst.add.f32.msk $0xffff, v12  }
0x3c9: {  	[tilespmem:s26+$0x0] =	vst.add.f32.msk $0xffff, v13  }
0x3ca: {  	[tilespmem:s28+$0x0] =	vst.add.f32.msk $0xffff, v14  }
0x3cb: {  	[tilespmem:s22+$0x0] =	vst.add.f32.msk $0xffff, v3  }
0x3cc: {  	[tilespmem:s21+$0x0] =	vst.add.f32.msk $0xffff, v2  }
0x3cd: {  	[tilespmem:s18+$0x0] =	vst.add.f32.msk $0xffff, v0  }
0x3ce: {  	[tilespmem:s20+$0x0] =	vst.add.f32.msk $0xffff, v1  }
0x3cf: {  	s17 =	simm.s32 $0x0;
	s0 =	rddreg [dreg:$0x18]  }
0x3d0: {  	[hbm4b:s0+s17] =	stream.linear.scatter [tilespmem:s9], [sflag:$0x7], $0x4000, $0x38;
	[tilespmem:$0x14000] =	vst v63  }
0x3d1: {  	_ =	swait.ge [sflag:s14], $0x4000  }
0x3d2: {  	s1 =	simm.s32 $0x8000;
	[sflag:s14] =	ssyncset.done $0x0  }
0x3d3: {  	s8 =	simm.s32 $0x0;
	s10 =	rddreg [dreg:$0x1b];
	[sflag:s14] =	ssyncadd.s32 $0xFFFFC000  }
0x3d4: {  	[tilespmem:s1], [sflag:$0x3] =	stream.linear.gather [hbm4b:s10+s17], $0x4000, $0x38;
	[tilespmem:$0x14000] =	vst v63  }
0x3d5: {  	s11 =	sand.u32 $0x2000, s8;
	s13 =	sand.u32 $0x1800, s17;
	_ =	swait.ge [sflag:s6], $0x4000  }
0x3d6: {  	s16 =	sand.u32 $0x380, s17;
	s0 =	sor.u32 s11, s13;
	[sflag:s6] =	ssyncset.done $0x0  }
0x3d7: {  	s0 =	sor.u32 s16, s0;
	[sflag:s6] =	ssyncadd.s32 $0xFFFFC000  }
0x3d8: {  	v0 =	vld [tilespmem:s0+$0x470]  }
0x3d9: {  	v4 =	vld [tilespmem:s0+$0x0]  }
0x3da: {  	v5 =	vld [tilespmem:s0+$0x10]  }
0x3db: {  	v6 =	vld [tilespmem:s0+$0x20]  }
0x3dc: {  	v7 =	vld [tilespmem:s0+$0x30]  }
0x3dd: {  	v8 =	vld [tilespmem:s0+$0x40]  }
0x3de: {  	v9 =	vld [tilespmem:s0+$0x50]  }
0x3df: {  	v10 =	vld [tilespmem:s0+$0x60]  }
0x3e0: {  	v11 =	vld [tilespmem:s0+$0x70]  }
0x3e1: {  	v12 =	vld [tilespmem:s0+$0x400]  }
0x3e2: {  	v13 =	vld [tilespmem:s0+$0x410]  }
0x3e3: {  	v14 =	vld [tilespmem:s0+$0x420]  }
0x3e4: {  	v3 =	vld [tilespmem:s0+$0x430]  }
0x3e5: {  	v2 =	vld [tilespmem:s0+$0x440]  }
0x3e6: {  	s1 =	sor.u32 $0x10470, s0;
	v1 =	vld [tilespmem:s0+$0x460]  }
0x3e7: {  	[tilespmem:s1+$0x0] =	vst.add.f32.msk $0xffff, v0  }
0x3e8: {  	s18 =	sor.u32 $0x10000, s0;
	v0 =	vld [tilespmem:s0+$0x450]  }
0x3e9: {  	s2 =	sor.u32 $0x10010, s0;
	[tilespmem:s18+$0x0] =	vst.add.f32.msk $0xffff, v4  }
0x3ea: {  	s20 =	sor.u32 $0x10020, s0;
	[tilespmem:s2+$0x0] =	vst.add.f32.msk $0xffff, v5  }
0x3eb: {  	s21 =	sor.u32 $0x10030, s0;
	[tilespmem:s20+$0x0] =	vst.add.f32.msk $0xffff, v6  }
0x3ec: {  	s22 =	sor.u32 $0x10040, s0;
	[tilespmem:s21+$0x0] =	vst.add.f32.msk $0xffff, v7  }
0x3ed: {  	s23 =	sor.u32 $0x10050, s0;
	[tilespmem:s22+$0x0] =	vst.add.f32.msk $0xffff, v8  }
0x3ee: {  	s24 =	sor.u32 $0x10060, s0;
	[tilespmem:s23+$0x0] =	vst.add.f32.msk $0xffff, v9  }
0x3ef: {  	s25 =	sor.u32 $0x10070, s0;
	[tilespmem:s24+$0x0] =	vst.add.f32.msk $0xffff, v10  }
0x3f0: {  	s26 =	sor.u32 $0x10400, s0;
	[tilespmem:s25+$0x0] =	vst.add.f32.msk $0xffff, v11  }
0x3f1: {  	s28 =	sor.u32 $0x10410, s0;
	[tilespmem:s26+$0x0] =	vst.add.f32.msk $0xffff, v12  }
0x3f2: {  	s11 =	simm.s32 $0x0;
	s31 =	sor.u32 $0x10420, s0;
	s22 =	sor.u32 $0x10430, s0;
	[tilespmem:s28+$0x0] =	vst.add.f32.msk $0xffff, v13  }
0x3f3: {  	s21 =	sor.u32 $0x10440, s0;
	s18 =	sor.u32 $0x10450, s0;
	s20 =	sor.u32 $0x10460, s0;
	[tilespmem:s31+$0x0] =	vst.add.f32.msk $0xffff, v14  }
.LBB2_24:
0x3f4: {  	s8 =	sadd.s32 $0x100, s8;
	[tilespmem:s22+$0x0] =	vst.add.f32.msk $0xffff, v3;
	s17 =	sadd.s32 $0x800, s17  }
0x3f5: {  	s11 =	sadd.s32 $0x20, s11;
	s0 =	sand.u32 $0x2000, s8;
	s1 =	sand.u32 $0x1800, s17;
	[tilespmem:s21+$0x0] =	vst.add.f32.msk $0xffff, v2  }
0x3f6: {  	p0 =	slt.u32 s8, $0x3F00;
	s0 =	sor.u32 s0, s1;
	s1 =	sand.u32 $0x380, s11;
	[tilespmem:s18+$0x0] =	vst.add.f32.msk $0xffff, v0  }
0x3f7: {  	s0 =	sor.u32 s1, s0;
	[tilespmem:s20+$0x0] =	vst.add.f32.msk $0xffff, v1  }
0x3f8: {  	s1 =	sor.u32 $0x10000, s0;
	s2 =	sor.u32 $0x10010, s0;
	s3 =	sor.u32 $0x10020, s0;
	v0 =	vld [tilespmem:s0+$0x470]  }
0x3f9: {  	s10 =	sor.u32 $0x10030, s0;
	s13 =	sor.u32 $0x10040, s0;
	s16 =	sor.u32 $0x10050, s0;
	v4 =	vld [tilespmem:s0+$0x0]  }
0x3fa: {  	s23 =	sor.u32 $0x10060, s0;
	s24 =	sor.u32 $0x10070, s0;
	s25 =	sor.u32 $0x10400, s0;
	v5 =	vld [tilespmem:s0+$0x10]  }
0x3fb: {  	s26 =	sor.u32 $0x10410, s0;
	s28 =	sor.u32 $0x10420, s0;
	s22 =	sor.u32 $0x10430, s0;
	v6 =	vld [tilespmem:s0+$0x20]  }
0x3fc: {  	s21 =	sor.u32 $0x10440, s0;
	s18 =	sor.u32 $0x10450, s0;
	s31 =	sor.u32 $0x10470, s0;
	v7 =	vld [tilespmem:s0+$0x30]  }
0x3fd: {  	s20 =	sor.u32 $0x10460, s0;
	[tilespmem:s31+$0x0] =	vst.add.f32.msk $0xffff, v0  }
0x3fe: {  	v8 =	vld [tilespmem:s0+$0x40]  }
0x3ff: {  	v9 =	vld [tilespmem:s0+$0x50]  }
0x400: {  	v10 =	vld [tilespmem:s0+$0x60]  }
0x401: {  	v11 =	vld [tilespmem:s0+$0x70]  }
0x402: {  	v12 =	vld [tilespmem:s0+$0x400]  }
0x403: {  	v13 =	vld [tilespmem:s0+$0x410]  }
0x404: {  	v14 =	vld [tilespmem:s0+$0x420]  }
0x405: {  	v3 =	vld [tilespmem:s0+$0x430]  }
0x406: {  	v2 =	vld [tilespmem:s0+$0x440]  }
0x407: {  	v0 =	vld [tilespmem:s0+$0x450]  }
0x408: {  	v1 =	vld [tilespmem:s0+$0x460]  }
0x409: {  	[tilespmem:s1+$0x0] =	vst.add.f32.msk $0xffff, v4  }
0x40a: {  	[tilespmem:s2+$0x0] =	vst.add.f32.msk $0xffff, v5  }
0x40b: {  	[tilespmem:s3+$0x0] =	vst.add.f32.msk $0xffff, v6  }
0x40c: {  	[tilespmem:s10+$0x0] =	vst.add.f32.msk $0xffff, v7  }
0x40d: {  	[tilespmem:s13+$0x0] =	vst.add.f32.msk $0xffff, v8  }
0x40e: {  	[tilespmem:s16+$0x0] =	vst.add.f32.msk $0xffff, v9  }
.Ltmp11:
0x40f: {  	[tilespmem:s23+$0x0] =	vst.add.f32.msk $0xffff, v10;
	(pc) =	sbr.rel @p0 .LBB2_24-.Ltmp11, $4  }
0x410: {  	[tilespmem:s24+$0x0] =	vst.add.f32.msk $0xffff, v11  }
0x411: {  	[tilespmem:s25+$0x0] =	vst.add.f32.msk $0xffff, v12  }
0x412: {  	[tilespmem:s26+$0x0] =	vst.add.f32.msk $0xffff, v13  }
0x413: {  	[tilespmem:s28+$0x0] =	vst.add.f32.msk $0xffff, v14  }
0x414: {  	[tilespmem:s22+$0x0] =	vst.add.f32.msk $0xffff, v3  }
0x415: {  	[tilespmem:s21+$0x0] =	vst.add.f32.msk $0xffff, v2  }
0x416: {  	[tilespmem:s18+$0x0] =	vst.add.f32.msk $0xffff, v0  }
0x417: {  	[tilespmem:s20+$0x0] =	vst.add.f32.msk $0xffff, v1  }
0x418: {  	s0 =	simm.s32 $0x0;
	s2 =	simm.s32 $0x10000;
	s1 =	rddreg [dreg:$0x1a]  }
0x419: {  	[hbm4b:s1+s0] =	stream.linear.scatter [tilespmem:s2], [sflag:$0x8], $0x4000, $0x38;
	[tilespmem:$0x14000] =	vst v63  }
0x41a: {  	_ =	swait.ge [sflag:s15], $0x4000  }
0x41b: {  	[sflag:s15] =	ssyncset.done $0x0  }
0x41c: {  	s16 =	simm.s32 $0x2;
	s13 =	rddreg [dreg:$0x1d];
	[sflag:s15] =	ssyncadd.s32 $0xFFFFC000  }
0x41d: {  	[tilespmem:s9], [sflag:$0x4] =	stream.linear.gather [hbm4b:s13+s0], $0x4000, $0x38;
	[tilespmem:$0x14000] =	vst v63  }
0x41e: {  	_ =	swait.ge [sflag:s16], $0x4000  }
0x41f: {  	[sflag:s16] =	ssyncset.done $0x0  }
0x420: {  	s17 =	simm.s32 $0x0;
	[sflag:s16] =	ssyncadd.s32 $0xFFFFC000  }
0x421: {  	s18 =	sand.u32 $0x1C00, s0;
	s1 =	sand.u32 $0x2000, s17;
	_ =	swait.ge [sflag:s7], $0x4000  }
0x422: {  	s1 =	sor.u32 s1, s18;
	s0 =	sand.u32 $0x380, s0;
	[sflag:s7] =	ssyncset.done $0x0  }
0x423: {  	s0 =	sor.u32 s0, s1;
	[sflag:s7] =	ssyncadd.s32 $0xFFFFC000  }
0x424: {  	v0 =	vld [tilespmem:s0+$0x4000]  }
0x425: {  	v1 =	vld [tilespmem:s0+$0x4050]  }
0x426: {  	v3 =	vld [tilespmem:s0+$0x4010]  }
0x427: {  	s17 =	simm.s32 $0x80;
	s18 =	simm.s32 $0x400;
	v2 =	vld [tilespmem:s0+$0x4070]  }
0x428: {  	s11 =	simm.s32 $0x10;
	s20 =	sand.u32 $0x2000, s17;
	s3 =	sand.u32 $0x1C00, s18;
	v6 =	vld [tilespmem:s0+$0x4030]  }
0x429: {  	s22 =	sand.u32 $0x380, s11;
	s21 =	sor.u32 s20, s3;
	v4 =	vld [tilespmem:s0+$0x4040];
	v0 =	vmul.f32 $2.000000090e-03, v0  }
0x42a: {  	s8 =	sor.u32 s22, s21;
	v5 =	vld [tilespmem:s0+$0x4060];
	v1 =	vmul.f32 $2.000000090e-03, v1  }
0x42b: {  	v8 =	vld [tilespmem:s8+$0x4000];
	v3 =	vmul.f32 $2.000000090e-03, v3;
	[tilespmem:s0+$0x4000] =	vst v0  }
0x42c: {  	v10 =	vld [tilespmem:s8+$0x4060];
	[tilespmem:s0+$0x4050] =	vst v1  }
0x42d: {  	s1 =	sor.u32 $0x8000, s0;
	v7 =	vmul.f32 $2.000000090e-03, v2;
	v2 =	vld [tilespmem:s0+$0x4020];
	v6 =	vmul.f32 $2.000000090e-03, v6;
	[tilespmem:s0+$0x4010] =	vst v3  }
0x42e: {  	[tilespmem:s1+$0x0] =	vst.add.f32.msk $0xffff, v0  }
0x42f: {  	s23 =	sor.u32 $0x8050, s0;
	v4 =	vmul.f32 $2.000000090e-03, v4;
	[tilespmem:s0+$0x4030] =	vst v6;
	v0 =	vld [tilespmem:s8+$0x4010]  }
0x430: {  	[tilespmem:s23+$0x0] =	vst.add.f32.msk $0xffff, v1  }
0x431: {  	s24 =	sor.u32 $0x8010, s0;
	[tilespmem:s0+$0x4040] =	vst v4;
	v1 =	vld [tilespmem:s8+$0x4040]  }
0x432: {  	s25 =	sor.u32 $0x8040, s0;
	[tilespmem:s24+$0x0] =	vst.add.f32.msk $0xffff, v3  }
0x433: {  	s26 =	sor.u32 $0x8030, s0;
	[tilespmem:s25+$0x0] =	vst.add.f32.msk $0xffff, v4  }
0x434: {  	[tilespmem:s26+$0x0] =	vst.add.f32.msk $0xffff, v6  }
0x435: {  	s31 =	sor.u32 $0x8070, s0;
	[tilespmem:s0+$0x4070] =	vst v7;
	v9 =	vmul.f32 $2.000000090e-03, v2;
	v2 =	vmul.f32 $2.000000090e-03, v5;
	v5 =	vld [tilespmem:s8+$0x4050]  }
0x436: {  	[tilespmem:s31+$0x0] =	vst.add.f32.msk $0xffff, v7  }
0x437: {  	v3 =	vld [tilespmem:s8+$0x4070];
	[tilespmem:s0+$0x4020] =	vst v9  }
0x438: {  	s28 =	sor.u32 $0x8020, s0;
	v6 =	vmul.f32 $2.000000090e-03, v8;
	[tilespmem:s0+$0x4060] =	vst v2  }
0x439: {  	s22 =	sor.u32 $0x8000, s8;
	s20 =	sor.u32 $0x8060, s8;
	s21 =	sor.u32 $0x8060, s0;
	v4 =	vmul.f32 $2.000000090e-03, v10;
	v1 =	vmul.f32 $2.000000090e-03, v1;
	[tilespmem:s28+$0x0] =	vst.add.f32.msk $0xffff, v9  }
.LBB2_26:
0x43a: {  	s17 =	sadd.s32 $0x80, s17;
	[tilespmem:s8+$0x4000] =	vst v6;
	v7 =	vld [tilespmem:s8+$0x4030];
	v5 =	vmul.f32 $2.000000090e-03, v5;
	s18 =	sadd.s32 $0x400, s18;
	s11 =	sadd.s32 $0x10, s11  }
0x43b: {  	s0 =	sand.u32 $0x2000, s17;
	s1 =	sand.u32 $0x1C00, s18;
	p0 =	slt.u32 s17, $0x3F80;
	[tilespmem:s22+$0x0] =	vst.add.f32.msk $0xffff, v6  }
0x43c: {  	v8 =	vmul.f32 $2.000000090e-03, v3;
	v6 =	vmul.f32 $2.000000090e-03, v0;
	s0 =	sor.u32 s0, s1;
	s1 =	sand.u32 $0x380, s11;
	[tilespmem:s21+$0x0] =	vst.add.f32.msk $0xffff, v2;
	v2 =	vmov v4;
	s21 =	smov.u32 s20  }
0x43d: {  	s0 =	sor.u32 s1, s0;
	v3 =	vld [tilespmem:s8+$0x4020];
	[tilespmem:s8+$0x4050] =	vst v5  }
0x43e: {  	s1 =	sor.u32 $0x8050, s8;
	s22 =	sor.u32 $0x8000, s0;
	v0 =	vld [tilespmem:s0+$0x4010];
	s20 =	sor.u32 $0x8060, s0;
	[tilespmem:s8+$0x4070] =	vst v8  }
0x43f: {  	[tilespmem:s1+$0x0] =	vst.add.f32.msk $0xffff, v5  }
0x440: {  	s1 =	sor.u32 $0x8010, s8;
	v7 =	vmul.f32 $2.000000090e-03, v7;
	v4 =	vld [tilespmem:s0+$0x4040];
	[tilespmem:s8+$0x4010] =	vst v6  }
0x441: {  	[tilespmem:s1+$0x0] =	vst.add.f32.msk $0xffff, v6  }
0x442: {  	v6 =	vld [tilespmem:s0+$0x4000];
	v9 =	vmul.f32 $2.000000090e-03, v3;
	[tilespmem:s8+$0x4030] =	vst v7  }
0x443: {  	v10 =	vld [tilespmem:s0+$0x4060];
	[tilespmem:s8+$0x4040] =	vst v1  }
0x444: {  	v3 =	vld [tilespmem:s0+$0x4070];
	[tilespmem:s8+$0x4020] =	vst v9  }
.Ltmp12:
0x445: {  	s1 =	sor.u32 $0x8040, s8;
	v5 =	vld [tilespmem:s0+$0x4050];
	[tilespmem:s8+$0x4060] =	vst v2;
	(pc) =	sbr.rel @p0 .LBB2_26-.Ltmp12, $4  }
0x446: {  	s2 =	sor.u32 $0x8030, s8;
	[tilespmem:s1+$0x0] =	vst.add.f32.msk $0xffff, v1  }
0x447: {  	v1 =	vmul.f32 $2.000000090e-03, v4;
	s1 =	sor.u32 $0x8020, s8;
	[tilespmem:s2+$0x0] =	vst.add.f32.msk $0xffff, v7  }
0x448: {  	v6 =	vmul.f32 $2.000000090e-03, v6;
	[tilespmem:s1+$0x0] =	vst.add.f32.msk $0xffff, v9;
	s1 =	sor.u32 $0x8070, s8;
	s8 =	smov.u32 s0  }
0x449: {  	v4 =	vmul.f32 $2.000000090e-03, v10;
	[tilespmem:s1+$0x0] =	vst.add.f32.msk $0xffff, v8  }
0x44a: {  	[tilespmem:s8+$0x4000] =	vst v6  }
0x44b: {  	[tilespmem:s21+$0x0] =	vst.add.f32.msk $0xffff, v2  }
0x44c: {  	[tilespmem:s8+$0x4040] =	vst v1  }
0x44d: {  	[tilespmem:s22+$0x0] =	vst.add.f32.msk $0xffff, v6  }
0x44e: {  	v7 =	vld [tilespmem:s8+$0x4030];
	v5 =	vmul.f32 $2.000000090e-03, v5;
	s28 =	sor.u32 $0x8040, s8;
	[tilespmem:s8+$0x4060] =	vst v4  }
0x44f: {  	v3 =	vmul.f32 $2.000000090e-03, v3;
	[tilespmem:s28+$0x0] =	vst.add.f32.msk $0xffff, v1  }
0x450: {  	v2 =	vld [tilespmem:s8+$0x4020];
	v0 =	vmul.f32 $2.000000090e-03, v0;
	[tilespmem:s8+$0x4050] =	vst v5  }
0x451: {  	[tilespmem:s8+$0x4070] =	vst v3  }
0x452: {  	[tilespmem:s8+$0x4010] =	vst v0  }
0x453: {  	s0 =	sor.u32 $0x8050, s8;
	[tilespmem:s20+$0x0] =	vst.add.f32.msk $0xffff, v4  }
0x454: {  	s26 =	sor.u32 $0x8010, s8;
	[tilespmem:s0+$0x0] =	vst.add.f32.msk $0xffff, v5;
	v5 =	vmul.f32 $2.000000090e-03, v7  }
0x455: {  	[tilespmem:s26+$0x0] =	vst.add.f32.msk $0xffff, v0;
	v0 =	vmul.f32 $2.000000090e-03, v2  }
0x456: {  	[tilespmem:s8+$0x4030] =	vst v5  }
0x457: {  	s1 =	sor.u32 $0x8030, s8;
	[tilespmem:s8+$0x4020] =	vst v0  }
0x458: {  	s31 =	sor.u32 $0x8020, s8;
	[tilespmem:s1+$0x0] =	vst.add.f32.msk $0xffff, v5  }
0x459: {  	[tilespmem:s31+$0x0] =	vst.add.f32.msk $0xffff, v0;
	s1 =	sor.u32 $0x8070, s8  }
0x45a: {  	[tilespmem:s1+$0x0] =	vst.add.f32.msk $0xffff, v3  }
0x45b: {  	s17 =	simm.s32 $0x0;
	s2 =	simm.s32 $0x8000;
	s0 =	rddreg [dreg:$0x1c]  }
0x45c: {  	[hbm4b:s0+s17] =	stream.linear.scatter [tilespmem:s2], [sflag:$0x6], $0x4000, $0x38;
	[tilespmem:$0x14000] =	vst v63  }
0x45d: {  	_ =	swait.ge [sflag:s5], $0x4000  }
0x45e: {  	s3 =	sld [smem:$0x7EA]  }
0x45f: {  	[sflag:s5] =	ssyncset.done $0x0  }
0x460: {  	s8 =	simm.s32 $0x10000;
	[sflag:s5] =	ssyncadd.s32 $0xFFFFC000  }
0x461: {  	[tilespmem:s8], [sflag:$0x5] =	stream.linear.gather [hbm4b:s3+s17], $0x4000, $0x38;
	[tilespmem:$0x14000] =	vst v63  }
0x462: {  	s2 =	simm.s32 $0x4;
	s8 =	simm.s32 $0x0  }
0x463: {  	s11 =	sand.u32 $0x1800, s17;
	_ =	swait.ge [sflag:s2], $0x4000;
	s10 =	sand.u32 $0x2000, s8  }
0x464: {  	s13 =	sand.u32 $0x380, s17;
	[sflag:s2] =	ssyncset.done $0x0;
	s0 =	sor.u32 s10, s11  }
0x465: {  	[sflag:s2] =	ssyncadd.s32 $0xFFFFC000;
	s0 =	sor.u32 s13, s0  }
0x466: {  	v0 =	vld [tilespmem:s0+$0x4470]  }
0x467: {  	v4 =	vld [tilespmem:s0+$0x4000]  }
0x468: {  	v5 =	vld [tilespmem:s0+$0x4010]  }
0x469: {  	v62 =	vld [tilespmem:s0+$0x4020]  }
0x46a: {  	v63 =	vld [tilespmem:s0+$0x4030]  }
0x46b: {  	v8 =	vld [tilespmem:s0+$0x4040]  }
0x46c: {  	v9 =	vld [tilespmem:s0+$0x4050]  }
0x46d: {  	v10 =	vld [tilespmem:s0+$0x4060]  }
0x46e: {  	v11 =	vld [tilespmem:s0+$0x4070]  }
0x46f: {  	v12 =	vld [tilespmem:s0+$0x4400]  }
0x470: {  	v13 =	vld [tilespmem:s0+$0x4410]  }
0x471: {  	v14 =	vld [tilespmem:s0+$0x4420]  }
0x472: {  	v3 =	vld [tilespmem:s0+$0x4430]  }
0x473: {  	v2 =	vld [tilespmem:s0+$0x4440]  }
0x474: {  	s1 =	sor.u32 $0xC470, s0;
	v1 =	vld [tilespmem:s0+$0x4460]  }
0x475: {  	[tilespmem:s1+$0x0] =	vst.add.f32.msk $0xffff, v0  }
0x476: {  	s16 =	sor.u32 $0xC000, s0;
	v0 =	vld [tilespmem:s0+$0x4450]  }
0x477: {  	s18 =	sor.u32 $0xC010, s0;
	[tilespmem:s16+$0x0] =	vst.add.f32.msk $0xffff, v4  }
0x478: {  	s20 =	sor.u32 $0xC020, s0;
	[tilespmem:s18+$0x0] =	vst.add.f32.msk $0xffff, v5  }
0x479: {  	s21 =	sor.u32 $0xC030, s0;
	[tilespmem:s20+$0x0] =	vst.add.f32.msk $0xffff, v62  }
0x47a: {  	s22 =	sor.u32 $0xC040, s0;
	[tilespmem:s21+$0x0] =	vst.add.f32.msk $0xffff, v63  }
0x47b: {  	s23 =	sor.u32 $0xC050, s0;
	[tilespmem:s22+$0x0] =	vst.add.f32.msk $0xffff, v8  }
0x47c: {  	s24 =	sor.u32 $0xC060, s0;
	[tilespmem:s23+$0x0] =	vst.add.f32.msk $0xffff, v9  }
0x47d: {  	s25 =	sor.u32 $0xC070, s0;
	[tilespmem:s24+$0x0] =	vst.add.f32.msk $0xffff, v10  }
0x47e: {  	s26 =	sor.u32 $0xC400, s0;
	[tilespmem:s25+$0x0] =	vst.add.f32.msk $0xffff, v11  }
0x47f: {  	s28 =	sor.u32 $0xC410, s0;
	[tilespmem:s26+$0x0] =	vst.add.f32.msk $0xffff, v12  }
0x480: {  	s11 =	simm.s32 $0x0;
	s31 =	sor.u32 $0xC420, s0;
	s22 =	sor.u32 $0xC430, s0;
	[tilespmem:s28+$0x0] =	vst.add.f32.msk $0xffff, v13  }
0x481: {  	s21 =	sor.u32 $0xC440, s0;
	s18 =	sor.u32 $0xC450, s0;
	s20 =	sor.u32 $0xC460, s0;
	[tilespmem:s31+$0x0] =	vst.add.f32.msk $0xffff, v14  }
.LBB2_28:
0x482: {  	s8 =	sadd.s32 $0x100, s8;
	[tilespmem:s22+$0x0] =	vst.add.f32.msk $0xffff, v3;
	s17 =	sadd.s32 $0x800, s17  }
0x483: {  	s11 =	sadd.s32 $0x20, s11;
	s0 =	sand.u32 $0x2000, s8;
	s1 =	sand.u32 $0x1800, s17;
	[tilespmem:s21+$0x0] =	vst.add.f32.msk $0xffff, v2  }
0x484: {  	p0 =	slt.u32 s8, $0x3F00;
	s0 =	sor.u32 s0, s1;
	s1 =	sand.u32 $0x380, s11;
	[tilespmem:s18+$0x0] =	vst.add.f32.msk $0xffff, v0  }
0x485: {  	s0 =	sor.u32 s1, s0;
	[tilespmem:s20+$0x0] =	vst.add.f32.msk $0xffff, v1  }
0x486: {  	s1 =	sor.u32 $0xC000, s0;
	s2 =	sor.u32 $0xC010, s0;
	s3 =	sor.u32 $0xC020, s0;
	v0 =	vld [tilespmem:s0+$0x4470]  }
0x487: {  	s10 =	sor.u32 $0xC030, s0;
	s13 =	sor.u32 $0xC040, s0;
	s16 =	sor.u32 $0xC050, s0;
	v4 =	vld [tilespmem:s0+$0x4000]  }
0x488: {  	s23 =	sor.u32 $0xC060, s0;
	s24 =	sor.u32 $0xC070, s0;
	s25 =	sor.u32 $0xC400, s0;
	v5 =	vld [tilespmem:s0+$0x4010]  }
0x489: {  	s26 =	sor.u32 $0xC410, s0;
	s28 =	sor.u32 $0xC420, s0;
	s22 =	sor.u32 $0xC430, s0;
	v6 =	vld [tilespmem:s0+$0x4020]  }
0x48a: {  	s21 =	sor.u32 $0xC440, s0;
	s18 =	sor.u32 $0xC450, s0;
	s31 =	sor.u32 $0xC470, s0;
	v7 =	vld [tilespmem:s0+$0x4030]  }
0x48b: {  	s20 =	sor.u32 $0xC460, s0;
	[tilespmem:s31+$0x0] =	vst.add.f32.msk $0xffff, v0  }
0x48c: {  	v8 =	vld [tilespmem:s0+$0x4040]  }
0x48d: {  	v9 =	vld [tilespmem:s0+$0x4050]  }
0x48e: {  	v10 =	vld [tilespmem:s0+$0x4060]  }
0x48f: {  	v11 =	vld [tilespmem:s0+$0x4070]  }
0x490: {  	v12 =	vld [tilespmem:s0+$0x4400]  }
0x491: {  	v13 =	vld [tilespmem:s0+$0x4410]  }
0x492: {  	v14 =	vld [tilespmem:s0+$0x4420]  }
0x493: {  	v3 =	vld [tilespmem:s0+$0x4430]  }
0x494: {  	v2 =	vld [tilespmem:s0+$0x4440]  }
0x495: {  	v0 =	vld [tilespmem:s0+$0x4450]  }
0x496: {  	v1 =	vld [tilespmem:s0+$0x4460]  }
0x497: {  	[tilespmem:s1+$0x0] =	vst.add.f32.msk $0xffff, v4  }
0x498: {  	[tilespmem:s2+$0x0] =	vst.add.f32.msk $0xffff, v5  }
0x499: {  	[tilespmem:s3+$0x0] =	vst.add.f32.msk $0xffff, v6  }
0x49a: {  	[tilespmem:s10+$0x0] =	vst.add.f32.msk $0xffff, v7  }
0x49b: {  	[tilespmem:s13+$0x0] =	vst.add.f32.msk $0xffff, v8  }
0x49c: {  	[tilespmem:s16+$0x0] =	vst.add.f32.msk $0xffff, v9  }
.Ltmp13:
0x49d: {  	[tilespmem:s23+$0x0] =	vst.add.f32.msk $0xffff, v10;
	(pc) =	sbr.rel @p0 .LBB2_28-.Ltmp13, $4  }
0x49e: {  	[tilespmem:s24+$0x0] =	vst.add.f32.msk $0xffff, v11  }
0x49f: {  	[tilespmem:s25+$0x0] =	vst.add.f32.msk $0xffff, v12  }
0x4a0: {  	[tilespmem:s26+$0x0] =	vst.add.f32.msk $0xffff, v13  }
0x4a1: {  	[tilespmem:s28+$0x0] =	vst.add.f32.msk $0xffff, v14  }
0x4a2: {  	[tilespmem:s22+$0x0] =	vst.add.f32.msk $0xffff, v3  }
0x4a3: {  	[tilespmem:s21+$0x0] =	vst.add.f32.msk $0xffff, v2  }
0x4a4: {  	[tilespmem:s18+$0x0] =	vst.add.f32.msk $0xffff, v0  }
0x4a5: {  	[tilespmem:s20+$0x0] =	vst.add.f32.msk $0xffff, v1  }
0x4a6: {  	s17 =	simm.s32 $0x0;
	s0 =	rddreg [dreg:$0x1e]  }
0x4a7: {  	[hbm4b:s0+s17] =	stream.linear.scatter [tilespmem:s9], [sflag:$0x7], $0x4000, $0x38;
	[tilespmem:$0x14000] =	vst v63  }
0x4a8: {  	_ =	swait.ge [sflag:s14], $0x4000  }
0x4a9: {  	s10 =	sld [smem:$0x7EB]  }
0x4aa: {  	[sflag:s14] =	ssyncset.done $0x0  }
0x4ab: {  	s1 =	simm.s32 $0x8000;
	s8 =	simm.s32 $0x0;
	[sflag:s14] =	ssyncadd.s32 $0xFFFFC000  }
0x4ac: {  	[tilespmem:s1], [sflag:$0x3] =	stream.linear.gather [hbm4b:s10+s17], $0x4000, $0x38;
	[tilespmem:$0x14000] =	vst v63  }
0x4ad: {  	s11 =	sand.u32 $0x2000, s8;
	s13 =	sand.u32 $0x1800, s17;
	_ =	swait.ge [sflag:s6], $0x4000  }
0x4ae: {  	s16 =	sand.u32 $0x380, s17;
	s0 =	sor.u32 s11, s13;
	[sflag:s6] =	ssyncset.done $0x0  }
0x4af: {  	s0 =	sor.u32 s16, s0;
	[sflag:s6] =	ssyncadd.s32 $0xFFFFC000  }
0x4b0: {  	v0 =	vld [tilespmem:s0+$0x4470]  }
0x4b1: {  	v4 =	vld [tilespmem:s0+$0x4000]  }
0x4b2: {  	v5 =	vld [tilespmem:s0+$0x4010]  }
0x4b3: {  	v6 =	vld [tilespmem:s0+$0x4020]  }
0x4b4: {  	v7 =	vld [tilespmem:s0+$0x4030]  }
0x4b5: {  	v8 =	vld [tilespmem:s0+$0x4040]  }
0x4b6: {  	v9 =	vld [tilespmem:s0+$0x4050]  }
0x4b7: {  	v10 =	vld [tilespmem:s0+$0x4060]  }
0x4b8: {  	v11 =	vld [tilespmem:s0+$0x4070]  }
0x4b9: {  	v12 =	vld [tilespmem:s0+$0x4400]  }
0x4ba: {  	v13 =	vld [tilespmem:s0+$0x4410]  }
0x4bb: {  	v14 =	vld [tilespmem:s0+$0x4420]  }
0x4bc: {  	v3 =	vld [tilespmem:s0+$0x4430]  }
0x4bd: {  	v2 =	vld [tilespmem:s0+$0x4440]  }
0x4be: {  	s1 =	sor.u32 $0x10470, s0;
	v1 =	vld [tilespmem:s0+$0x4460]  }
0x4bf: {  	[tilespmem:s1+$0x0] =	vst.add.f32.msk $0xffff, v0  }
0x4c0: {  	s18 =	sor.u32 $0x10000, s0;
	v0 =	vld [tilespmem:s0+$0x4450]  }
0x4c1: {  	s2 =	sor.u32 $0x10010, s0;
	[tilespmem:s18+$0x0] =	vst.add.f32.msk $0xffff, v4  }
0x4c2: {  	s20 =	sor.u32 $0x10020, s0;
	[tilespmem:s2+$0x0] =	vst.add.f32.msk $0xffff, v5  }
0x4c3: {  	s21 =	sor.u32 $0x10030, s0;
	[tilespmem:s20+$0x0] =	vst.add.f32.msk $0xffff, v6  }
0x4c4: {  	s22 =	sor.u32 $0x10040, s0;
	[tilespmem:s21+$0x0] =	vst.add.f32.msk $0xffff, v7  }
0x4c5: {  	s23 =	sor.u32 $0x10050, s0;
	[tilespmem:s22+$0x0] =	vst.add.f32.msk $0xffff, v8  }
0x4c6: {  	s24 =	sor.u32 $0x10060, s0;
	[tilespmem:s23+$0x0] =	vst.add.f32.msk $0xffff, v9  }
0x4c7: {  	s25 =	sor.u32 $0x10070, s0;
	[tilespmem:s24+$0x0] =	vst.add.f32.msk $0xffff, v10  }
0x4c8: {  	s26 =	sor.u32 $0x10400, s0;
	[tilespmem:s25+$0x0] =	vst.add.f32.msk $0xffff, v11  }
0x4c9: {  	s28 =	sor.u32 $0x10410, s0;
	[tilespmem:s26+$0x0] =	vst.add.f32.msk $0xffff, v12  }
0x4ca: {  	s11 =	simm.s32 $0x0;
	s31 =	sor.u32 $0x10420, s0;
	s22 =	sor.u32 $0x10430, s0;
	[tilespmem:s28+$0x0] =	vst.add.f32.msk $0xffff, v13  }
0x4cb: {  	s21 =	sor.u32 $0x10440, s0;
	s18 =	sor.u32 $0x10450, s0;
	s20 =	sor.u32 $0x10460, s0;
	[tilespmem:s31+$0x0] =	vst.add.f32.msk $0xffff, v14  }
.LBB2_30:
0x4cc: {  	s8 =	sadd.s32 $0x100, s8;
	[tilespmem:s22+$0x0] =	vst.add.f32.msk $0xffff, v3;
	s17 =	sadd.s32 $0x800, s17  }
0x4cd: {  	s11 =	sadd.s32 $0x20, s11;
	s0 =	sand.u32 $0x2000, s8;
	s1 =	sand.u32 $0x1800, s17;
	[tilespmem:s21+$0x0] =	vst.add.f32.msk $0xffff, v2  }
0x4ce: {  	p0 =	slt.u32 s8, $0x3F00;
	s0 =	sor.u32 s0, s1;
	s1 =	sand.u32 $0x380, s11;
	[tilespmem:s18+$0x0] =	vst.add.f32.msk $0xffff, v0  }
0x4cf: {  	s0 =	sor.u32 s1, s0;
	[tilespmem:s20+$0x0] =	vst.add.f32.msk $0xffff, v1  }
0x4d0: {  	s1 =	sor.u32 $0x10000, s0;
	s2 =	sor.u32 $0x10010, s0;
	s3 =	sor.u32 $0x10020, s0;
	v0 =	vld [tilespmem:s0+$0x4470]  }
0x4d1: {  	s10 =	sor.u32 $0x10030, s0;
	s13 =	sor.u32 $0x10040, s0;
	s16 =	sor.u32 $0x10050, s0;
	v4 =	vld [tilespmem:s0+$0x4000]  }
0x4d2: {  	s23 =	sor.u32 $0x10060, s0;
	s24 =	sor.u32 $0x10070, s0;
	s25 =	sor.u32 $0x10400, s0;
	v5 =	vld [tilespmem:s0+$0x4010]  }
0x4d3: {  	s26 =	sor.u32 $0x10410, s0;
	s28 =	sor.u32 $0x10420, s0;
	s22 =	sor.u32 $0x10430, s0;
	v6 =	vld [tilespmem:s0+$0x4020]  }
0x4d4: {  	s21 =	sor.u32 $0x10440, s0;
	s18 =	sor.u32 $0x10450, s0;
	s31 =	sor.u32 $0x10470, s0;
	v7 =	vld [tilespmem:s0+$0x4030]  }
0x4d5: {  	s20 =	sor.u32 $0x10460, s0;
	[tilespmem:s31+$0x0] =	vst.add.f32.msk $0xffff, v0  }
0x4d6: {  	v8 =	vld [tilespmem:s0+$0x4040]  }
0x4d7: {  	v9 =	vld [tilespmem:s0+$0x4050]  }
0x4d8: {  	v10 =	vld [tilespmem:s0+$0x4060]  }
0x4d9: {  	v11 =	vld [tilespmem:s0+$0x4070]  }
0x4da: {  	v12 =	vld [tilespmem:s0+$0x4400]  }
0x4db: {  	v13 =	vld [tilespmem:s0+$0x4410]  }
0x4dc: {  	v14 =	vld [tilespmem:s0+$0x4420]  }
0x4dd: {  	v3 =	vld [tilespmem:s0+$0x4430]  }
0x4de: {  	v2 =	vld [tilespmem:s0+$0x4440]  }
0x4df: {  	v0 =	vld [tilespmem:s0+$0x4450]  }
0x4e0: {  	v1 =	vld [tilespmem:s0+$0x4460]  }
0x4e1: {  	[tilespmem:s1+$0x0] =	vst.add.f32.msk $0xffff, v4  }
0x4e2: {  	[tilespmem:s2+$0x0] =	vst.add.f32.msk $0xffff, v5  }
0x4e3: {  	[tilespmem:s3+$0x0] =	vst.add.f32.msk $0xffff, v6  }
0x4e4: {  	[tilespmem:s10+$0x0] =	vst.add.f32.msk $0xffff, v7  }
0x4e5: {  	[tilespmem:s13+$0x0] =	vst.add.f32.msk $0xffff, v8  }
0x4e6: {  	[tilespmem:s16+$0x0] =	vst.add.f32.msk $0xffff, v9  }
.Ltmp14:
0x4e7: {  	[tilespmem:s23+$0x0] =	vst.add.f32.msk $0xffff, v10;
	(pc) =	sbr.rel @p0 .LBB2_30-.Ltmp14, $4  }
0x4e8: {  	[tilespmem:s24+$0x0] =	vst.add.f32.msk $0xffff, v11  }
0x4e9: {  	[tilespmem:s25+$0x0] =	vst.add.f32.msk $0xffff, v12  }
0x4ea: {  	[tilespmem:s26+$0x0] =	vst.add.f32.msk $0xffff, v13  }
0x4eb: {  	[tilespmem:s28+$0x0] =	vst.add.f32.msk $0xffff, v14  }
0x4ec: {  	[tilespmem:s22+$0x0] =	vst.add.f32.msk $0xffff, v3  }
0x4ed: {  	[tilespmem:s21+$0x0] =	vst.add.f32.msk $0xffff, v2  }
0x4ee: {  	[tilespmem:s18+$0x0] =	vst.add.f32.msk $0xffff, v0  }
0x4ef: {  	[tilespmem:s20+$0x0] =	vst.add.f32.msk $0xffff, v1  }
0x4f0: {  	s0 =	sld [smem:$0x7EC];
	_ =	sdelay $0x1  }
0x4f1: {  	s17 =	simm.s32 $0x0;
	s1 =	simm.s32 $0x10000;
	s8 =	simm.s32 $0x0  }
0x4f2: {  	[hbm4b:s0+s17] =	stream.linear.scatter [tilespmem:s1], [sflag:$0x8], $0x4000, $0x38;
	[tilespmem:$0x14000] =	vst v63  }
0x4f3: {  	s11 =	sand.u32 $0x2000, s8;
	s13 =	sand.u32 $0x1800, s17;
	_ =	swait.ge [sflag:s7], $0x4000  }
0x4f4: {  	s16 =	sand.u32 $0x380, s17;
	s0 =	sor.u32 s11, s13;
	[sflag:s7] =	ssyncset.done $0x0  }
0x4f5: {  	s0 =	sor.u32 s16, s0;
	[sflag:s7] =	ssyncadd.s32 $0xFFFFC000  }
0x4f6: {  	v0 =	vld [tilespmem:s0+$0x4470]  }
0x4f7: {  	v4 =	vld [tilespmem:s0+$0x4000]  }
0x4f8: {  	v5 =	vld [tilespmem:s0+$0x4010]  }
0x4f9: {  	v6 =	vld [tilespmem:s0+$0x4020]  }
0x4fa: {  	v7 =	vld [tilespmem:s0+$0x4030]  }
0x4fb: {  	v8 =	vld [tilespmem:s0+$0x4040]  }
0x4fc: {  	v9 =	vld [tilespmem:s0+$0x4050]  }
0x4fd: {  	v10 =	vld [tilespmem:s0+$0x4060]  }
0x4fe: {  	v11 =	vld [tilespmem:s0+$0x4070]  }
0x4ff: {  	v12 =	vld [tilespmem:s0+$0x4400]  }
0x500: {  	v13 =	vld [tilespmem:s0+$0x4410]  }
0x501: {  	v14 =	vld [tilespmem:s0+$0x4420]  }
0x502: {  	v3 =	vld [tilespmem:s0+$0x4430]  }
0x503: {  	v2 =	vld [tilespmem:s0+$0x4440]  }
0x504: {  	s1 =	sor.u32 $0x8470, s0;
	v1 =	vld [tilespmem:s0+$0x4460]  }
0x505: {  	[tilespmem:s1+$0x0] =	vst.add.f32.msk $0xffff, v0  }
0x506: {  	s18 =	sor.u32 $0x8000, s0;
	v0 =	vld [tilespmem:s0+$0x4450]  }
0x507: {  	s2 =	sor.u32 $0x8010, s0;
	[tilespmem:s18+$0x0] =	vst.add.f32.msk $0xffff, v4  }
0x508: {  	s20 =	sor.u32 $0x8020, s0;
	[tilespmem:s2+$0x0] =	vst.add.f32.msk $0xffff, v5  }
0x509: {  	s21 =	sor.u32 $0x8030, s0;
	[tilespmem:s20+$0x0] =	vst.add.f32.msk $0xffff, v6  }
0x50a: {  	s22 =	sor.u32 $0x8040, s0;
	[tilespmem:s21+$0x0] =	vst.add.f32.msk $0xffff, v7  }
0x50b: {  	s23 =	sor.u32 $0x8050, s0;
	[tilespmem:s22+$0x0] =	vst.add.f32.msk $0xffff, v8  }
0x50c: {  	s24 =	sor.u32 $0x8060, s0;
	[tilespmem:s23+$0x0] =	vst.add.f32.msk $0xffff, v9  }
0x50d: {  	s25 =	sor.u32 $0x8070, s0;
	[tilespmem:s24+$0x0] =	vst.add.f32.msk $0xffff, v10  }
0x50e: {  	s26 =	sor.u32 $0x8400, s0;
	[tilespmem:s25+$0x0] =	vst.add.f32.msk $0xffff, v11  }
0x50f: {  	s28 =	sor.u32 $0x8410, s0;
	[tilespmem:s26+$0x0] =	vst.add.f32.msk $0xffff, v12  }
0x510: {  	s11 =	simm.s32 $0x0;
	s31 =	sor.u32 $0x8420, s0;
	s22 =	sor.u32 $0x8430, s0;
	[tilespmem:s28+$0x0] =	vst.add.f32.msk $0xffff, v13  }
0x511: {  	s21 =	sor.u32 $0x8440, s0;
	s18 =	sor.u32 $0x8450, s0;
	s20 =	sor.u32 $0x8460, s0;
	[tilespmem:s31+$0x0] =	vst.add.f32.msk $0xffff, v14  }
.LBB2_32:
0x512: {  	s8 =	sadd.s32 $0x100, s8;
	[tilespmem:s22+$0x0] =	vst.add.f32.msk $0xffff, v3;
	s17 =	sadd.s32 $0x800, s17  }
0x513: {  	s11 =	sadd.s32 $0x20, s11;
	s0 =	sand.u32 $0x2000, s8;
	s1 =	sand.u32 $0x1800, s17;
	[tilespmem:s21+$0x0] =	vst.add.f32.msk $0xffff, v2  }
0x514: {  	p0 =	slt.u32 s8, $0x3F00;
	s0 =	sor.u32 s0, s1;
	s1 =	sand.u32 $0x380, s11;
	[tilespmem:s18+$0x0] =	vst.add.f32.msk $0xffff, v0  }
0x515: {  	s0 =	sor.u32 s1, s0;
	[tilespmem:s20+$0x0] =	vst.add.f32.msk $0xffff, v1  }
0x516: {  	s1 =	sor.u32 $0x8000, s0;
	s2 =	sor.u32 $0x8010, s0;
	s3 =	sor.u32 $0x8020, s0;
	v0 =	vld [tilespmem:s0+$0x4470]  }
0x517: {  	s10 =	sor.u32 $0x8030, s0;
	s13 =	sor.u32 $0x8040, s0;
	s16 =	sor.u32 $0x8050, s0;
	v4 =	vld [tilespmem:s0+$0x4000]  }
0x518: {  	s23 =	sor.u32 $0x8060, s0;
	s24 =	sor.u32 $0x8070, s0;
	s25 =	sor.u32 $0x8400, s0;
	v5 =	vld [tilespmem:s0+$0x4010]  }
0x519: {  	s26 =	sor.u32 $0x8410, s0;
	s28 =	sor.u32 $0x8420, s0;
	s22 =	sor.u32 $0x8430, s0;
	v6 =	vld [tilespmem:s0+$0x4020]  }
0x51a: {  	s21 =	sor.u32 $0x8440, s0;
	s18 =	sor.u32 $0x8450, s0;
	s31 =	sor.u32 $0x8470, s0;
	v7 =	vld [tilespmem:s0+$0x4030]  }
0x51b: {  	s20 =	sor.u32 $0x8460, s0;
	[tilespmem:s31+$0x0] =	vst.add.f32.msk $0xffff, v0  }
0x51c: {  	v8 =	vld [tilespmem:s0+$0x4040]  }
0x51d: {  	v9 =	vld [tilespmem:s0+$0x4050]  }
0x51e: {  	v10 =	vld [tilespmem:s0+$0x4060]  }
0x51f: {  	v11 =	vld [tilespmem:s0+$0x4070]  }
0x520: {  	v12 =	vld [tilespmem:s0+$0x4400]  }
0x521: {  	v13 =	vld [tilespmem:s0+$0x4410]  }
0x522: {  	v14 =	vld [tilespmem:s0+$0x4420]  }
0x523: {  	v3 =	vld [tilespmem:s0+$0x4430]  }
0x524: {  	v2 =	vld [tilespmem:s0+$0x4440]  }
0x525: {  	v0 =	vld [tilespmem:s0+$0x4450]  }
0x526: {  	v1 =	vld [tilespmem:s0+$0x4460]  }
0x527: {  	[tilespmem:s1+$0x0] =	vst.add.f32.msk $0xffff, v4  }
0x528: {  	[tilespmem:s2+$0x0] =	vst.add.f32.msk $0xffff, v5  }
0x529: {  	[tilespmem:s3+$0x0] =	vst.add.f32.msk $0xffff, v6  }
0x52a: {  	[tilespmem:s10+$0x0] =	vst.add.f32.msk $0xffff, v7  }
0x52b: {  	[tilespmem:s13+$0x0] =	vst.add.f32.msk $0xffff, v8  }
0x52c: {  	[tilespmem:s16+$0x0] =	vst.add.f32.msk $0xffff, v9  }
.Ltmp15:
0x52d: {  	[tilespmem:s23+$0x0] =	vst.add.f32.msk $0xffff, v10;
	(pc) =	sbr.rel @p0 .LBB2_32-.Ltmp15, $4  }
0x52e: {  	[tilespmem:s24+$0x0] =	vst.add.f32.msk $0xffff, v11  }
0x52f: {  	[tilespmem:s25+$0x0] =	vst.add.f32.msk $0xffff, v12  }
0x530: {  	[tilespmem:s26+$0x0] =	vst.add.f32.msk $0xffff, v13  }
0x531: {  	[tilespmem:s28+$0x0] =	vst.add.f32.msk $0xffff, v14  }
0x532: {  	[tilespmem:s22+$0x0] =	vst.add.f32.msk $0xffff, v3  }
0x533: {  	[tilespmem:s21+$0x0] =	vst.add.f32.msk $0xffff, v2  }
0x534: {  	[tilespmem:s18+$0x0] =	vst.add.f32.msk $0xffff, v0  }
0x535: {  	[tilespmem:s20+$0x0] =	vst.add.f32.msk $0xffff, v1  }
0x536: {  	s0 =	sld [smem:$0x7ED];
	_ =	sdelay $0x1  }
0x537: {  	s13 =	simm.s32 $0x0;
	s2 =	simm.s32 $0x8000  }
0x538: {  	[hbm4b:s0+s13] =	stream.linear.scatter [tilespmem:s2], [sflag:$0x6], $0x4000, $0x38;
	[tilespmem:$0x14000] =	vst v63  }
0x539: {  	_ =	swait.ge [sflag:s15], $0x4000  }
0x53a: {  	[sflag:s15] =	ssyncset.done $0x0  }
0x53b: {  	[sflag:s15] =	ssyncadd.s32 $0xFFFFC000  }
0x53c: {  	_ =	swait.ge [sflag:s5], $0x4000  }
0x53d: {  	[sflag:s5] =	ssyncset.done $0x0  }
0x53e: {  	[sflag:s5] =	ssyncadd.s32 $0xFFFFC000  }
0x53f: {  	_ =	swait.ge [sflag:s14], $0x4000  }
0x540: {  	s1 =	sld [smem:$0x7E8]  }
0x541: {  	s31 =	sld [smem:$0x7EE];
	_ =	sdelay $0x1  }
0x542: {  	s1 =	sadd.s32 $0x1, s1  }
0x543: {  	p0 =	sne.s32 s1, s31  }
.Ltmp16:
0x544: {  	_ = 	snop;
	(pc) =	sbr.rel @p0 .LBB2_1-.Ltmp16, $3  }
0x545: {  	_ =	sdelay $0x1  }
0x546: {  	[sflag:s14] =	ssyncset.done $0x0  }
0x547: {  	[sflag:s14] =	ssyncadd.s32 $0xFFFFC000  }
0x548: {  	_ =	sfence.sel $0x180000  }
0x549: {  	[bflag:$0x0] =	sbarrier.arrive $0xFFFF  }
0x54a: {  	_ =	strace $0x90000047  }
0x54b: {  	s0 =	stileid.u32;
	[bflag:$0x2] =	sbarrier.arrive $0xFFFF  }
0x54c: {  	p0 =	sne.s32 s0, $0x0;
	s0 =	rddreg [dreg:$0x3]  }
0x54d: {  	s0 =	sadd.s32 @!p0 $0x100000, s0  }
0x54e: {  	[sflag:s0] =	ssyncadd.tile.s32 @!p0 $0x1;
	_ =	shalt  }
.Lfunc_end2:
_tile_overlayer_lowered:
.L_overlay_start_2:
0x54f: {  	(tag) =	ssettag $0x2  }
0x550: {  	s0 =	rddreg [dreg:$0x0];
	s2 =	stileid.u32  }
0x551: {  	s1 =	rddreg [dreg:$0x1];
	p0 =	sne.s32 s2, $0x0  }
0x552: {  	s3 =	rddreg [dreg:$0x2];
	[bflag:$0x3] =	sbarrier.arrive $0xFFFF;
	s2 =	simm.s32 @!p0 $0x1C09  }
0x553: {  	[timem:s3], [sflag:s2] =	dma.local @!p0 [hbm:s0], s1  }
0x554: {  	s0 =	simm.s32 @!p0 $0x9  }
0x555: {  	_ =	swait.ge @!p0 [sflag:s0], s1  }
0x556: {  	s1 =	ssub.s32 @!p0 $0x0, s1;
	[sflag:s0] =	ssyncset.done @!p0 $0x0  }
0x557: {  	[sflag:s0] =	ssyncadd.s32 @!p0 s1  }
0x558: {  	[bflag:$0x3] =	sbarrier.arrive $0xFFFF  }
0x559: {  	_ =	shalt  }

</sc_bundles>
